<compile_context>
chip_gen: v7x
topology: tpu7x:2x2x1
jax: 0.10.2.dev20260603
libtpu: 0.0.44.dev20260713+nightly
codegen_flags: <defaults>
</compile_context>

<pallas_src>
import functools

import jax
import jax.numpy as jnp
from jax import lax
from jax.experimental import pallas as pl
from jax.experimental.pallas import tpu as pltpu
from jax.experimental.pallas import tpu_sc as plsc

B = 16384
N_DIMS = 244
POLICY_DIM = 384
TOP_K = 32
N_CAT = 16
HALF = POLICY_DIM // 2

NW = 32
ROWS_W = B // NW
CH = 32
BLK = 2048


def _rev(k):
    return lax.rev(k, (0,))


def _merge16(Ak, Av, Bk, Bv):
    Brk, Brv = _rev(Bk), _rev(Bv)
    c = Ak >= Brk
    hk = jnp.where(c, Ak, Brk)
    hv = jnp.where(c, Av, Brv)
    lk = jnp.where(c, Brk, Ak)
    lv = jnp.where(c, Brv, Av)
    hk, hv = plsc.sort_key_val(hk, hv, descending=True)
    lk, lv = plsc.sort_key_val(lk, lv, descending=True)
    return (hk, hv), (lk, lv)


def _merge32_top(A, B):
    (A1k, A1v), (A2k, A2v) = A
    (B1k, B1v), (B2k, B2v) = B
    rB2k, rB2v = _rev(B2k), _rev(B2v)
    rB1k, rB1v = _rev(B1k), _rev(B1v)
    c1 = A1k >= rB2k
    T1k = jnp.where(c1, A1k, rB2k)
    T1v = jnp.where(c1, A1v, rB2v)
    c2 = A2k >= rB1k
    T2k = jnp.where(c2, A2k, rB1k)
    T2v = jnp.where(c2, A2v, rB1v)
    c = T1k >= T2k
    Uk = jnp.where(c, T1k, T2k)
    Uv = jnp.where(c, T1v, T2v)
    Lk = jnp.where(c, T2k, T1k)
    Lv = jnp.where(c, T2v, T1v)
    Uk, Uv = plsc.sort_key_val(Uk, Uv, descending=True)
    Lk, Lv = plsc.sort_key_val(Lk, Lv, descending=True)
    return (Uk, Uv), (Lk, Lv)


def _topk_features_sc(position, velocity):
    mesh = plsc.VectorSubcoreMesh(core_axis_name="c", subcore_axis_name="s")

    @functools.partial(
        pl.kernel,
        out_type=jax.ShapeDtypeStruct((B, 2 * TOP_K), jnp.float32),
        mesh=mesh,
        scratch_types=[
            pltpu.VMEM((CH, N_DIMS), jnp.float32),
            pltpu.VMEM((CH, N_DIMS), jnp.float32),
            pltpu.VMEM((CH, 2 * TOP_K), jnp.float32),
        ],
        compiler_params=pltpu.CompilerParams(needs_layout_passes=False),
    )
    def topk_kernel(pos_hbm, vel_hbm, feats_hbm, pos_v, vel_v, feats_v):
        cid = lax.axis_index("c")
        sid = lax.axis_index("s")
        wid = sid * 2 + cid
        base = wid * ROWS_W
        lanes = lax.iota(jnp.int32, 16)

        def chunk_body(ci, carry):
            cbase = base + ci * CH
            pltpu.sync_copy(pos_hbm.at[pl.ds(cbase, CH)], pos_v)
            pltpu.sync_copy(vel_hbm.at[pl.ds(cbase, CH)], vel_v)

            @plsc.parallel_loop(0, CH, 1, unroll=2)
            def row_body(r):
                leaves = []
                for j in range(15):
                    v = vel_v[r, pl.ds(j * 16, 16)]
                    leaves.append(plsc.sort_key_val(
                        jnp.abs(v), lanes + j * 16, descending=True))
                v = vel_v[r, pl.ds(N_DIMS - 16, 16)]
                k = jnp.where(lanes >= 12, jnp.abs(v), -1.0)
                leaves.append(plsc.sort_key_val(
                    k, lanes + (N_DIMS - 16), descending=True))

                l32 = [_merge16(*leaves[2 * i], *leaves[2 * i + 1])
                       for i in range(8)]
                l64 = [_merge32_top(l32[2 * i], l32[2 * i + 1])
                       for i in range(4)]
                l128 = [_merge32_top(l64[2 * i], l64[2 * i + 1])
                        for i in range(2)]
                (_, Uv), (_, Lv) = _merge32_top(l128[0], l128[1])

                rowv = jnp.full((16,), r, jnp.int32)
                pU = plsc.load_gather(pos_v, [rowv, Uv])
                pL = plsc.load_gather(pos_v, [rowv, Lv])
                vU = plsc.load_gather(vel_v, [rowv, Uv])
                vL = plsc.load_gather(vel_v, [rowv, Lv])
                feats_v[r, pl.ds(0, 16)] = pU
                feats_v[r, pl.ds(16, 16)] = pL
                feats_v[r, pl.ds(32, 16)] = vU
                feats_v[r, pl.ds(48, 16)] = vL

            pltpu.sync_copy(feats_v, feats_hbm.at[pl.ds(cbase, CH)])
            return carry

        lax.fori_loop(0, ROWS_W // CH, chunk_body, 0)

    return topk_kernel(position, velocity)


def _ln(x, g, b, eps=1e-5):
    d = x.shape[-1]
    ones = jnp.ones((d, 1), jnp.float32)
    dims = (((1,), (0,)), ((), ()))
    m = lax.dot_general(x, ones, dims,
                        preferred_element_type=jnp.float32) * (1.0 / d)
    s2 = lax.dot_general(x * x, ones, dims,
                         preferred_element_type=jnp.float32) * (1.0 / d)
    v = s2 - m * m
    return (x - m) * lax.rsqrt(v + eps) * g + b


def _mlp_body(feats_ref, cat_ref, w1_ref, b1_ref, g1_ref, be1_ref,
              w2_ref, b2_ref, g2_ref, be2_ref, w3_ref, b3_ref, g3_ref,
              be3_ref, out_ref):
    h1 = lax.dot_general(feats_ref[...], w1_ref[...], (((1,), (1,)), ((), ())),
                         preferred_element_type=jnp.float32)
    h1 = jax.nn.relu(_ln(h1 + b1_ref[...], g1_ref[...], be1_ref[...]))
    h2 = lax.dot_general(cat_ref[...], w2_ref[...], (((1,), (1,)), ((), ())),
                         preferred_element_type=jnp.float32)
    h2 = jax.nn.relu(_ln(h2 + b2_ref[...], g2_ref[...], be2_ref[...]))
    fused = jnp.concatenate([h1, h2], axis=1)
    h3 = lax.dot_general(fused, w3_ref[...], (((1,), (1,)), ((), ())),
                         preferred_element_type=jnp.float32)
    out_ref[...] = _ln(h3 + b3_ref[...], g3_ref[...], be3_ref[...])


@jax.jit
def kernel(position, velocity, categories, W1, b1, g1, be1, W2, b2, g2, be2,
           W3, b3, g3, be3):
    feats = _topk_features_sc(position, velocity)

    def rows(i):
        return (i, 0)

    def rep(i):
        return (0, 0)

    row_spec = lambda d: pl.BlockSpec((BLK, d), rows)
    full_spec = lambda s0, s1: pl.BlockSpec((s0, s1), rep)
    vec = lambda v: v.reshape(1, -1)

    return pl.pallas_call(
        _mlp_body,
        grid=(B // BLK,),
        in_specs=[
            row_spec(2 * TOP_K), row_spec(N_CAT),
            full_spec(HALF, 2 * TOP_K), full_spec(1, HALF), full_spec(1, HALF), full_spec(1, HALF),
            full_spec(HALF, N_CAT), full_spec(1, HALF), full_spec(1, HALF), full_spec(1, HALF),
            full_spec(POLICY_DIM, POLICY_DIM), full_spec(1, POLICY_DIM), full_spec(1, POLICY_DIM), full_spec(1, POLICY_DIM),
        ],
        out_specs=row_spec(POLICY_DIM),
        out_shape=jax.ShapeDtypeStruct((B, POLICY_DIM), jnp.float32),
        compiler_params=pltpu.CompilerParams(
            dimension_semantics=("arbitrary",),
        ),
    )(feats, categories,
      W1, vec(b1), vec(g1), vec(be1),
      W2, vec(b2), vec(g2), vec(be2),
      W3, vec(b3), vec(g3), vec(be3))

# --- scband reference (transcript-rebuilt; emitter-appended) ---
"""Pipeline reference for scband-semantic-state-encoder-36859409334378 (READ-ONLY COPY).

The authoritative reference and input builder live on the scoring server;
editing this copy changes nothing except your own understanding.
"""

import jax, jax.numpy as jnp
import numpy as np

B = 16384
N_DIMS = 244
POLICY_DIM = 384
TOP_K = 32
N_CAT = 16
HALF = POLICY_DIM // 2


def layer_norm(x, gamma, beta, eps=1e-5):
    m = jnp.mean(x, axis=-1, keepdims=True)
    v = jnp.var(x, axis=-1, keepdims=True)
    return (x - m) / jnp.sqrt(v + eps) * gamma + beta


def setup_inputs(seed: int = 0) -> dict:
    key = jax.random.key(seed)
    ks = jax.random.split(key, 10)
    position = jax.random.normal(ks[0], (B, N_DIMS), dtype=jnp.float32)
    velocity = jax.random.normal(ks[1], (B, N_DIMS), dtype=jnp.float32)
    categories = jax.random.normal(ks[2], (B, N_CAT), dtype=jnp.float32)
    # sparse_proj: Linear(top_k*2 -> policy_dim//2) + LayerNorm
    W1 = jax.random.normal(ks[3], (HALF, TOP_K * 2), dtype=jnp.float32) * (1.0 / np.sqrt(TOP_K * 2))
    b1 = jnp.zeros((HALF,), dtype=jnp.float32)
    g1 = jnp.ones((HALF,), dtype=jnp.float32)
    be1 = jnp.zeros((HALF,), dtype=jnp.float32)
    # category_proj: Linear(n_categories -> policy_dim//2) + LayerNorm
    W2 = jax.random.normal(ks[4], (HALF, N_CAT), dtype=jnp.float32) * (1.0 / np.sqrt(N_CAT))
    b2 = jnp.zeros((HALF,), dtype=jnp.float32)
    g2 = jnp.ones((HALF,), dtype=jnp.float32)
    be2 = jnp.zeros((HALF,), dtype=jnp.float32)
    # fusion: Linear(policy_dim -> policy_dim) + LayerNorm
    W3 = jax.random.normal(ks[5], (POLICY_DIM, POLICY_DIM), dtype=jnp.float32) * (1.0 / np.sqrt(POLICY_DIM))
    b3 = jnp.zeros((POLICY_DIM,), dtype=jnp.float32)
    g3 = jnp.ones((POLICY_DIM,), dtype=jnp.float32)
    be3 = jnp.zeros((POLICY_DIM,), dtype=jnp.float32)
    return {
        'position': position, 'velocity': velocity, 'categories': categories,
        'W1': W1, 'b1': b1, 'g1': g1, 'be1': be1,
        'W2': W2, 'b2': b2, 'g2': g2, 'be2': be2,
        'W3': W3, 'b3': b3, 'g3': g3, 'be3': be3,
    }


def reference(position, velocity, categories, W1, b1, g1, be1, W2, b2, g2, be2, W3, b3, g3, be3):
    # top-K most active dims by |velocity|
    _, topk_indices = jax.lax.top_k(jnp.abs(velocity), TOP_K)
    topk_pos = jnp.take_along_axis(position, topk_indices, axis=1)
    topk_vel = jnp.take_along_axis(velocity, topk_indices, axis=1)
    sparse_features = jnp.concatenate([topk_pos, topk_vel], axis=-1)
    sparse_encoded = jax.nn.relu(layer_norm(sparse_features @ W1.T + b1, g1, be1))
    category_encoded = jax.nn.relu(layer_norm(categories @ W2.T + b2, g2, be2))
    fused = jnp.concatenate([sparse_encoded, category_encoded], axis=-1)
    return layer_norm(fused @ W3.T + b3, g3, be3)

if __name__ == "__main__":
    import jax
    _d = setup_inputs()
    print(jax.jit(kernel)(*tuple(_d.values())))

</pallas_src>

<mosaic_0001>
#map = affine_map<(d0, d1) -> (0, 0)>
module attributes {stable_mosaic.version = 14 : i64} {
  func.func @topk_kernel(%arg0: i32, %arg1: i32, %arg2: memref<16384x244xf32, #tpu.memory_space<hbm>>, %arg3: memref<16384x244xf32, #tpu.memory_space<hbm>>, %arg4: memref<16384x64xf32, #tpu.memory_space<hbm>>, %arg5: memref<32x244xf32, #tpu.memory_space<vmem>>, %arg6: memref<32x244xf32, #tpu.memory_space<vmem>>, %arg7: memref<32x64xf32, #tpu.memory_space<vmem>>) attributes {dimension_semantics = [#tpu.dimension_semantics<core_parallel>, #tpu.dimension_semantics<subcore_parallel>], iteration_bounds = array<i64: 2, 16>, scalar_prefetch = 0 : i64, scratch_operands = 3 : i64, tpu.core_type = #tpu.core_type<sc_vector_subcore>, window_params = [{transform_indices = #map}, {transform_indices = #map}, {transform_indices = #map}]} {
    %mul3A = arith.constant 2 : i32
    %mul3A_0 = arith.muli %arg1, %mul3A : i32
    %add3A = arith.addi %mul3A_0, %arg0 : i32
    %mul3A_1 = arith.constant 512 : i32
    %mul3A_2 = arith.muli %add3A, %mul3A_1 : i32
    %iota3A = tpu.iota {dimensions = array<i32: 0>} : vector<16xi32>
    %scan3A = arith.constant 0 : i32
    %scan3A_3 = arith.constant 0 : i32
    %scan3A_4 = arith.constant 16 : i32
    %scan3A_5 = arith.addi %scan3A_3, %scan3A_4 : i32
    %scan3A_6 = arith.constant 1 : i32
    scf.for %scan3A_8 = %scan3A_3 to %scan3A_5 step %scan3A_6  : i32 {
      %mul3A_9 = arith.constant 32 : i32
      %mul3A_10 = arith.muli %scan3A_8, %mul3A_9 : i32
      %add3A_11 = arith.addi %mul3A_2, %mul3A_10 : i32
      "tpu.region"() ({
        %run_scoped3A = tpu.sem_alloc : memref<!tpu.dma_semaphore, #tpu.memory_space<semaphore_mem>>
        %dma_start3A = arith.constant 0 : i32
        %dma_start3A_14 = tpu.memref_slice %arg2[%add3A_11, %dma_start3A] : memref<16384x244xf32, #tpu.memory_space<hbm>> -> memref<32x244xf32, #tpu.memory_space<hbm>>
        %dma_start3A_15 = arith.constant 0 : i32
        %dma_start3A_16 = tpu.memref_slice %arg2[%add3A_11, %dma_start3A_15] : memref<16384x244xf32, #tpu.memory_space<hbm>> -> memref<32x244xf32, #tpu.memory_space<hbm>>
        tpu.enqueue_dma source(%dma_start3A_16 : memref<32x244xf32, #tpu.memory_space<hbm>>) target(%arg5 : memref<32x244xf32, #tpu.memory_space<vmem>>) target_semaphore(%run_scoped3A : memref<!tpu.dma_semaphore, #tpu.memory_space<semaphore_mem>>)
        %dma_wait3A = arith.constant 0 : i32
        %dma_wait3A_17 = tpu.memref_slice %arg2[%add3A_11, %dma_wait3A] : memref<16384x244xf32, #tpu.memory_space<hbm>> -> memref<32x244xf32, #tpu.memory_space<hbm>>
        %dma_wait3A_18 = arith.constant 0 : i32
        %dma_wait3A_19 = tpu.memref_slice %arg2[%add3A_11, %dma_wait3A_18] : memref<16384x244xf32, #tpu.memory_space<hbm>> -> memref<32x244xf32, #tpu.memory_space<hbm>>
        tpu.wait_dma2 semaphore(%run_scoped3A : memref<!tpu.dma_semaphore, #tpu.memory_space<semaphore_mem>>) src(%dma_wait3A_19 : memref<32x244xf32, #tpu.memory_space<hbm>>) dst(%arg5 : memref<32x244xf32, #tpu.memory_space<vmem>>)
        tpu.yield
      }) : () -> ()
      "tpu.region"() ({
        %run_scoped3A = tpu.sem_alloc : memref<!tpu.dma_semaphore, #tpu.memory_space<semaphore_mem>>
        %dma_start3A = arith.constant 0 : i32
        %dma_start3A_14 = tpu.memref_slice %arg3[%add3A_11, %dma_start3A] : memref<16384x244xf32, #tpu.memory_space<hbm>> -> memref<32x244xf32, #tpu.memory_space<hbm>>
        %dma_start3A_15 = arith.constant 0 : i32
        %dma_start3A_16 = tpu.memref_slice %arg3[%add3A_11, %dma_start3A_15] : memref<16384x244xf32, #tpu.memory_space<hbm>> -> memref<32x244xf32, #tpu.memory_space<hbm>>
        tpu.enqueue_dma source(%dma_start3A_16 : memref<32x244xf32, #tpu.memory_space<hbm>>) target(%arg6 : memref<32x244xf32, #tpu.memory_space<vmem>>) target_semaphore(%run_scoped3A : memref<!tpu.dma_semaphore, #tpu.memory_space<semaphore_mem>>)
        %dma_wait3A = arith.constant 0 : i32
        %dma_wait3A_17 = tpu.memref_slice %arg3[%add3A_11, %dma_wait3A] : memref<16384x244xf32, #tpu.memory_space<hbm>> -> memref<32x244xf32, #tpu.memory_space<hbm>>
        %dma_wait3A_18 = arith.constant 0 : i32
        %dma_wait3A_19 = tpu.memref_slice %arg3[%add3A_11, %dma_wait3A_18] : memref<16384x244xf32, #tpu.memory_space<hbm>> -> memref<32x244xf32, #tpu.memory_space<hbm>>
        tpu.wait_dma2 semaphore(%run_scoped3A : memref<!tpu.dma_semaphore, #tpu.memory_space<semaphore_mem>>) src(%dma_wait3A_19 : memref<32x244xf32, #tpu.memory_space<hbm>>) dst(%arg6 : memref<32x244xf32, #tpu.memory_space<vmem>>)
        tpu.yield
      }) : () -> ()
      %parallel_loop3A = arith.constant 0 : i32
      %parallel_loop3A_12 = arith.constant 32 : i32
      %parallel_loop3A_13 = arith.constant 1 : i32
      scf.for %parallel_loop3A_14 = %parallel_loop3A to %parallel_loop3A_12 step %parallel_loop3A_13  : i32 {
        %parallel_loop3A_15 = arith.index_cast %parallel_loop3A_14 : i32 to index
        %parallel_loop3A_16 = arith.constant 0 : index
        %parallel_loop3A_17 = tpu.vector_load %arg6[%parallel_loop3A_15, %parallel_loop3A_16] {strides = array<i32>} : memref<32x244xf32, #tpu.memory_space<vmem>>, vector<16xf32>,
        %parallel_loop3A_18 = math.absf %parallel_loop3A_17 : vector<16xf32>
        %parallel_loop3A_19 = arith.constant 0 : i32
        %parallel_loop3A_20 = vector.broadcast %parallel_loop3A_19 : i32 to vector<16xi32>
        %parallel_loop3A_21 = arith.addi %iota3A, %parallel_loop3A_20 : vector<16xi32>
        %parallel_loop3A_22 = arith.constant dense<true> : vector<16xi1>
        %parallel_loop3A_23, %parallel_loop3A_24, %parallel_loop3A_25 = tpu.sort %parallel_loop3A_18, %parallel_loop3A_21 masked %parallel_loop3A_22 {descending = true} : (vector<16xf32>, vector<16xi32>, vector<16xi1>) -> (vector<16xi1>, vector<16xf32>, vector<16xi32>)
        %parallel_loop3A_26 = arith.index_cast %parallel_loop3A_14 : i32 to index
        %parallel_loop3A_27 = arith.constant 16 : index
        %parallel_loop3A_28 = tpu.vector_load %arg6[%parallel_loop3A_26, %parallel_loop3A_27] {strides = array<i32>} : memref<32x244xf32, #tpu.memory_space<vmem>>, vector<16xf32>,
        %parallel_loop3A_29 = math.absf %parallel_loop3A_28 : vector<16xf32>
        %parallel_loop3A_30 = arith.constant 16 : i32
        %parallel_loop3A_31 = vector.broadcast %parallel_loop3A_30 : i32 to vector<16xi32>
        %parallel_loop3A_32 = arith.addi %iota3A, %parallel_loop3A_31 : vector<16xi32>
        %parallel_loop3A_33 = arith.constant dense<true> : vector<16xi1>
        %parallel_loop3A_34, %parallel_loop3A_35, %parallel_loop3A_36 = tpu.sort %parallel_loop3A_29, %parallel_loop3A_32 masked %parallel_loop3A_33 {descending = true} : (vector<16xf32>, vector<16xi32>, vector<16xi1>) -> (vector<16xi1>, vector<16xf32>, vector<16xi32>)
        %parallel_loop3A_37 = arith.index_cast %parallel_loop3A_14 : i32 to index
        %parallel_loop3A_38 = arith.constant 32 : index
        %parallel_loop3A_39 = tpu.vector_load %arg6[%parallel_loop3A_37, %parallel_loop3A_38] {strides = array<i32>} : memref<32x244xf32, #tpu.memory_space<vmem>>, vector<16xf32>,
        %parallel_loop3A_40 = math.absf %parallel_loop3A_39 : vector<16xf32>
        %parallel_loop3A_41 = arith.constant 32 : i32
        %parallel_loop3A_42 = vector.broadcast %parallel_loop3A_41 : i32 to vector<16xi32>
        %parallel_loop3A_43 = arith.addi %iota3A, %parallel_loop3A_42 : vector<16xi32>
        %parallel_loop3A_44 = arith.constant dense<true> : vector<16xi1>
        %parallel_loop3A_45, %parallel_loop3A_46, %parallel_loop3A_47 = tpu.sort %parallel_loop3A_40, %parallel_loop3A_43 masked %parallel_loop3A_44 {descending = true} : (vector<16xf32>, vector<16xi32>, vector<16xi1>) -> (vector<16xi1>, vector<16xf32>, vector<16xi32>)
        %parallel_loop3A_48 = arith.index_cast %parallel_loop3A_14 : i32 to index
        %parallel_loop3A_49 = arith.constant 48 : index
        %parallel_loop3A_50 = tpu.vector_load %arg6[%parallel_loop3A_48, %parallel_loop3A_49] {strides = array<i32>} : memref<32x244xf32, #tpu.memory_space<vmem>>, vector<16xf32>,
        %parallel_loop3A_51 = math.absf %parallel_loop3A_50 : vector<16xf32>
        %parallel_loop3A_52 = arith.constant 48 : i32
        %parallel_loop3A_53 = vector.broadcast %parallel_loop3A_52 : i32 to vector<16xi32>
        %parallel_loop3A_54 = arith.addi %iota3A, %parallel_loop3A_53 : vector<16xi32>
        %parallel_loop3A_55 = arith.constant dense<true> : vector<16xi1>
        %parallel_loop3A_56, %parallel_loop3A_57, %parallel_loop3A_58 = tpu.sort %parallel_loop3A_51, %parallel_loop3A_54 masked %parallel_loop3A_55 {descending = true} : (vector<16xf32>, vector<16xi32>, vector<16xi1>) -> (vector<16xi1>, vector<16xf32>, vector<16xi32>)
        %parallel_loop3A_59 = arith.index_cast %parallel_loop3A_14 : i32 to index
        %parallel_loop3A_60 = arith.constant 64 : index
        %parallel_loop3A_61 = tpu.vector_load %arg6[%parallel_loop3A_59, %parallel_loop3A_60] {strides = array<i32>} : memref<32x244xf32, #tpu.memory_space<vmem>>, vector<16xf32>,
        %parallel_loop3A_62 = math.absf %parallel_loop3A_61 : vector<16xf32>
        %parallel_loop3A_63 = arith.constant 64 : i32
        %parallel_loop3A_64 = vector.broadcast %parallel_loop3A_63 : i32 to vector<16xi32>
        %parallel_loop3A_65 = arith.addi %iota3A, %parallel_loop3A_64 : vector<16xi32>
        %parallel_loop3A_66 = arith.constant dense<true> : vector<16xi1>
        %parallel_loop3A_67, %parallel_loop3A_68, %parallel_loop3A_69 = tpu.sort %parallel_loop3A_62, %parallel_loop3A_65 masked %parallel_loop3A_66 {descending = true} : (vector<16xf32>, vector<16xi32>, vector<16xi1>) -> (vector<16xi1>, vector<16xf32>, vector<16xi32>)
        %parallel_loop3A_70 = arith.index_cast %parallel_loop3A_14 : i32 to index
        %parallel_loop3A_71 = arith.constant 80 : index
        %parallel_loop3A_72 = tpu.vector_load %arg6[%parallel_loop3A_70, %parallel_loop3A_71] {strides = array<i32>} : memref<32x244xf32, #tpu.memory_space<vmem>>, vector<16xf32>,
        %parallel_loop3A_73 = math.absf %parallel_loop3A_72 : vector<16xf32>
        %parallel_loop3A_74 = arith.constant 80 : i32
        %parallel_loop3A_75 = vector.broadcast %parallel_loop3A_74 : i32 to vector<16xi32>
        %parallel_loop3A_76 = arith.addi %iota3A, %parallel_loop3A_75 : vector<16xi32>
        %parallel_loop3A_77 = arith.constant dense<true> : vector<16xi1>
        %parallel_loop3A_78, %parallel_loop3A_79, %parallel_loop3A_80 = tpu.sort %parallel_loop3A_73, %parallel_loop3A_76 masked %parallel_loop3A_77 {descending = true} : (vector<16xf32>, vector<16xi32>, vector<16xi1>) -> (vector<16xi1>, vector<16xf32>, vector<16xi32>)
        %parallel_loop3A_81 = arith.index_cast %parallel_loop3A_14 : i32 to index
        %parallel_loop3A_82 = arith.constant 96 : index
        %parallel_loop3A_83 = tpu.vector_load %arg6[%parallel_loop3A_81, %parallel_loop3A_82] {strides = array<i32>} : memref<32x244xf32, #tpu.memory_space<vmem>>, vector<16xf32>,
        %parallel_loop3A_84 = math.absf %parallel_loop3A_83 : vector<16xf32>
        %parallel_loop3A_85 = arith.constant 96 : i32
        %parallel_loop3A_86 = vector.broadcast %parallel_loop3A_85 : i32 to vector<16xi32>
        %parallel_loop3A_87 = arith.addi %iota3A, %parallel_loop3A_86 : vector<16xi32>
        %parallel_loop3A_88 = arith.constant dense<true> : vector<16xi1>
        %parallel_loop3A_89, %parallel_loop3A_90, %parallel_loop3A_91 = tpu.sort %parallel_loop3A_84, %parallel_loop3A_87 masked %parallel_loop3A_88 {descending = true} : (vector<16xf32>, vector<16xi32>, vector<16xi1>) -> (vector<16xi1>, vector<16xf32>, vector<16xi32>)
        %parallel_loop3A_92 = arith.index_cast %parallel_loop3A_14 : i32 to index
        %parallel_loop3A_93 = arith.constant 112 : index
        %parallel_loop3A_94 = tpu.vector_load %arg6[%parallel_loop3A_92, %parallel_loop3A_93] {strides = array<i32>} : memref<32x244xf32, #tpu.memory_space<vmem>>, vector<16xf32>,
        %parallel_loop3A_95 = math.absf %parallel_loop3A_94 : vector<16xf32>
        %parallel_loop3A_96 = arith.constant 112 : i32
        %parallel_loop3A_97 = vector.broadcast %parallel_loop3A_96 : i32 to vector<16xi32>
        %parallel_loop3A_98 = arith.addi %iota3A, %parallel_loop3A_97 : vector<16xi32>
        %parallel_loop3A_99 = arith.constant dense<true> : vector<16xi1>
        %parallel_loop3A_100, %parallel_loop3A_101, %parallel_loop3A_102 = tpu.sort %parallel_loop3A_95, %parallel_loop3A_98 masked %parallel_loop3A_99 {descending = true} : (vector<16xf32>, vector<16xi32>, vector<16xi1>) -> (vector<16xi1>, vector<16xf32>, vector<16xi32>)
        %parallel_loop3A_103 = arith.index_cast %parallel_loop3A_14 : i32 to index
        %parallel_loop3A_104 = arith.constant 128 : index
        %parallel_loop3A_105 = tpu.vector_load %arg6[%parallel_loop3A_103, %parallel_loop3A_104] {strides = array<i32>} : memref<32x244xf32, #tpu.memory_space<vmem>>, vector<16xf32>,
        %parallel_loop3A_106 = math.absf %parallel_loop3A_105 : vector<16xf32>
        %parallel_loop3A_107 = arith.constant 128 : i32
        %parallel_loop3A_108 = vector.broadcast %parallel_loop3A_107 : i32 to vector<16xi32>
        %parallel_loop3A_109 = arith.addi %iota3A, %parallel_loop3A_108 : vector<16xi32>
        %parallel_loop3A_110 = arith.constant dense<true> : vector<16xi1>
        %parallel_loop3A_111, %parallel_loop3A_112, %parallel_loop3A_113 = tpu.sort %parallel_loop3A_106, %parallel_loop3A_109 masked %parallel_loop3A_110 {descending = true} : (vector<16xf32>, vector<16xi32>, vector<16xi1>) -> (vector<16xi1>, vector<16xf32>, vector<16xi32>)
        %parallel_loop3A_114 = arith.index_cast %parallel_loop3A_14 : i32 to index
        %parallel_loop3A_115 = arith.constant 144 : index
        %parallel_loop3A_116 = tpu.vector_load %arg6[%parallel_loop3A_114, %parallel_loop3A_115] {strides = array<i32>} : memref<32x244xf32, #tpu.memory_space<vmem>>, vector<16xf32>,
        %parallel_loop3A_117 = math.absf %parallel_loop3A_116 : vector<16xf32>
        %parallel_loop3A_118 = arith.constant 144 : i32
        %parallel_loop3A_119 = vector.broadcast %parallel_loop3A_118 : i32 to vector<16xi32>
        %parallel_loop3A_120 = arith.addi %iota3A, %parallel_loop3A_119 : vector<16xi32>
        %parallel_loop3A_121 = arith.constant dense<true> : vector<16xi1>
        %parallel_loop3A_122, %parallel_loop3A_123, %parallel_loop3A_124 = tpu.sort %parallel_loop3A_117, %parallel_loop3A_120 masked %parallel_loop3A_121 {descending = true} : (vector<16xf32>, vector<16xi32>, vector<16xi1>) -> (vector<16xi1>, vector<16xf32>, vector<16xi32>)
        %parallel_loop3A_125 = arith.index_cast %parallel_loop3A_14 : i32 to index
        %parallel_loop3A_126 = arith.constant 160 : index
        %parallel_loop3A_127 = tpu.vector_load %arg6[%parallel_loop3A_125, %parallel_loop3A_126] {strides = array<i32>} : memref<32x244xf32, #tpu.memory_space<vmem>>, vector<16xf32>,
        %parallel_loop3A_128 = math.absf %parallel_loop3A_127 : vector<16xf32>
        %parallel_loop3A_129 = arith.constant 160 : i32
        %parallel_loop3A_130 = vector.broadcast %parallel_loop3A_129 : i32 to vector<16xi32>
        %parallel_loop3A_131 = arith.addi %iota3A, %parallel_loop3A_130 : vector<16xi32>
        %parallel_loop3A_132 = arith.constant dense<true> : vector<16xi1>
        %parallel_loop3A_133, %parallel_loop3A_134, %parallel_loop3A_135 = tpu.sort %parallel_loop3A_128, %parallel_loop3A_131 masked %parallel_loop3A_132 {descending = true} : (vector<16xf32>, vector<16xi32>, vector<16xi1>) -> (vector<16xi1>, vector<16xf32>, vector<16xi32>)
        %parallel_loop3A_136 = arith.index_cast %parallel_loop3A_14 : i32 to index
        %parallel_loop3A_137 = arith.constant 176 : index
        %parallel_loop3A_138 = tpu.vector_load %arg6[%parallel_loop3A_136, %parallel_loop3A_137] {strides = array<i32>} : memref<32x244xf32, #tpu.memory_space<vmem>>, vector<16xf32>,
        %parallel_loop3A_139 = math.absf %parallel_loop3A_138 : vector<16xf32>
        %parallel_loop3A_140 = arith.constant 176 : i32
        %parallel_loop3A_141 = vector.broadcast %parallel_loop3A_140 : i32 to vector<16xi32>
        %parallel_loop3A_142 = arith.addi %iota3A, %parallel_loop3A_141 : vector<16xi32>
        %parallel_loop3A_143 = arith.constant dense<true> : vector<16xi1>
        %parallel_loop3A_144, %parallel_loop3A_145, %parallel_loop3A_146 = tpu.sort %parallel_loop3A_139, %parallel_loop3A_142 masked %parallel_loop3A_143 {descending = true} : (vector<16xf32>, vector<16xi32>, vector<16xi1>) -> (vector<16xi1>, vector<16xf32>, vector<16xi32>)
        %parallel_loop3A_147 = arith.index_cast %parallel_loop3A_14 : i32 to index
        %parallel_loop3A_148 = arith.constant 192 : index
        %parallel_loop3A_149 = tpu.vector_load %arg6[%parallel_loop3A_147, %parallel_loop3A_148] {strides = array<i32>} : memref<32x244xf32, #tpu.memory_space<vmem>>, vector<16xf32>,
        %parallel_loop3A_150 = math.absf %parallel_loop3A_149 : vector<16xf32>
        %parallel_loop3A_151 = arith.constant 192 : i32
        %parallel_loop3A_152 = vector.broadcast %parallel_loop3A_151 : i32 to vector<16xi32>
        %parallel_loop3A_153 = arith.addi %iota3A, %parallel_loop3A_152 : vector<16xi32>
        %parallel_loop3A_154 = arith.constant dense<true> : vector<16xi1>
        %parallel_loop3A_155, %parallel_loop3A_156, %parallel_loop3A_157 = tpu.sort %parallel_loop3A_150, %parallel_loop3A_153 masked %parallel_loop3A_154 {descending = true} : (vector<16xf32>, vector<16xi32>, vector<16xi1>) -> (vector<16xi1>, vector<16xf32>, vector<16xi32>)
        %parallel_loop3A_158 = arith.index_cast %parallel_loop3A_14 : i32 to index
        %parallel_loop3A_159 = arith.constant 208 : index
        %parallel_loop3A_160 = tpu.vector_load %arg6[%parallel_loop3A_158, %parallel_loop3A_159] {strides = array<i32>} : memref<32x244xf32, #tpu.memory_space<vmem>>, vector<16xf32>,
        %parallel_loop3A_161 = math.absf %parallel_loop3A_160 : vector<16xf32>
        %parallel_loop3A_162 = arith.constant 208 : i32
        %parallel_loop3A_163 = vector.broadcast %parallel_loop3A_162 : i32 to vector<16xi32>
        %parallel_loop3A_164 = arith.addi %iota3A, %parallel_loop3A_163 : vector<16xi32>
        %parallel_loop3A_165 = arith.constant dense<true> : vector<16xi1>
        %parallel_loop3A_166, %parallel_loop3A_167, %parallel_loop3A_168 = tpu.sort %parallel_loop3A_161, %parallel_loop3A_164 masked %parallel_loop3A_165 {descending = true} : (vector<16xf32>, vector<16xi32>, vector<16xi1>) -> (vector<16xi1>, vector<16xf32>, vector<16xi32>)
        %parallel_loop3A_169 = arith.index_cast %parallel_loop3A_14 : i32 to index
        %parallel_loop3A_170 = arith.constant 224 : index
        %parallel_loop3A_171 = tpu.vector_load %arg6[%parallel_loop3A_169, %parallel_loop3A_170] {strides = array<i32>} : memref<32x244xf32, #tpu.memory_space<vmem>>, vector<16xf32>,
        %parallel_loop3A_172 = math.absf %parallel_loop3A_171 : vector<16xf32>
        %parallel_loop3A_173 = arith.constant 224 : i32
        %parallel_loop3A_174 = vector.broadcast %parallel_loop3A_173 : i32 to vector<16xi32>
        %parallel_loop3A_175 = arith.addi %iota3A, %parallel_loop3A_174 : vector<16xi32>
        %parallel_loop3A_176 = arith.constant dense<true> : vector<16xi1>
        %parallel_loop3A_177, %parallel_loop3A_178, %parallel_loop3A_179 = tpu.sort %parallel_loop3A_172, %parallel_loop3A_175 masked %parallel_loop3A_176 {descending = true} : (vector<16xf32>, vector<16xi32>, vector<16xi1>) -> (vector<16xi1>, vector<16xf32>, vector<16xi32>)
        %parallel_loop3A_180 = arith.index_cast %parallel_loop3A_14 : i32 to index
        %parallel_loop3A_181 = arith.constant 228 : index
        %parallel_loop3A_182 = tpu.vector_load %arg6[%parallel_loop3A_180, %parallel_loop3A_181] {strides = array<i32>} : memref<32x244xf32, #tpu.memory_space<vmem>>, vector<16xf32>,
        %parallel_loop3A_183 = arith.constant 12 : i32
        %parallel_loop3A_184 = vector.broadcast %parallel_loop3A_183 : i32 to vector<16xi32>
        %parallel_loop3A_185 = arith.cmpi sge, %iota3A, %parallel_loop3A_184 : vector<16xi32>
        %parallel_loop3A_186 = math.absf %parallel_loop3A_182 : vector<16xf32>
        %parallel_loop3A_187 = arith.constant -1.000000e+00 : f32
        %parallel_loop3A_188 = vector.broadcast %parallel_loop3A_187 : f32 to vector<16xf32>
        %parallel_loop3A_189 = arith.select %parallel_loop3A_185, %parallel_loop3A_186, %parallel_loop3A_188 : vector<16xi1>, vector<16xf32>
        %parallel_loop3A_190 = arith.constant 228 : i32
        %parallel_loop3A_191 = vector.broadcast %parallel_loop3A_190 : i32 to vector<16xi32>
        %parallel_loop3A_192 = arith.addi %iota3A, %parallel_loop3A_191 : vector<16xi32>
        %parallel_loop3A_193 = arith.constant dense<true> : vector<16xi1>
        %parallel_loop3A_194, %parallel_loop3A_195, %parallel_loop3A_196 = tpu.sort %parallel_loop3A_189, %parallel_loop3A_192 masked %parallel_loop3A_193 {descending = true} : (vector<16xf32>, vector<16xi32>, vector<16xi1>) -> (vector<16xi1>, vector<16xf32>, vector<16xi32>)
        %parallel_loop3A_197 = arith.constant 15 : i32
        %parallel_loop3A_198 = vector.broadcast %parallel_loop3A_197 : i32 to vector<16xi32>
        %parallel_loop3A_199 = tpu.iota {dimensions = array<i32: 0>} : vector<16xi32>
        %parallel_loop3A_200 = arith.subi %parallel_loop3A_198, %parallel_loop3A_199 : vector<16xi32>
        %parallel_loop3A_201 = tpu.dynamic_gather %parallel_loop3A_35[%parallel_loop3A_200] in [0] : vector<16xf32>, vector<16xi32> -> vector<16xf32>
        %parallel_loop3A_202 = arith.constant 15 : i32
        %parallel_loop3A_203 = vector.broadcast %parallel_loop3A_202 : i32 to vector<16xi32>
        %parallel_loop3A_204 = tpu.iota {dimensions = array<i32: 0>} : vector<16xi32>
        %parallel_loop3A_205 = arith.subi %parallel_loop3A_203, %parallel_loop3A_204 : vector<16xi32>
        %parallel_loop3A_206 = tpu.dynamic_gather %parallel_loop3A_36[%parallel_loop3A_205] in [0] : vector<16xi32>, vector<16xi32> -> vector<16xi32>
        %parallel_loop3A_207 = arith.cmpf oge, %parallel_loop3A_24, %parallel_loop3A_201 : vector<16xf32>
        %parallel_loop3A_208 = arith.select %parallel_loop3A_207, %parallel_loop3A_24, %parallel_loop3A_201 : vector<16xi1>, vector<16xf32>
        %parallel_loop3A_209 = arith.select %parallel_loop3A_207, %parallel_loop3A_25, %parallel_loop3A_206 : vector<16xi1>, vector<16xi32>
        %parallel_loop3A_210 = arith.select %parallel_loop3A_207, %parallel_loop3A_201, %parallel_loop3A_24 : vector<16xi1>, vector<16xf32>
        %parallel_loop3A_211 = arith.select %parallel_loop3A_207, %parallel_loop3A_206, %parallel_loop3A_25 : vector<16xi1>, vector<16xi32>
        %parallel_loop3A_212 = arith.constant dense<true> : vector<16xi1>
        %parallel_loop3A_213, %parallel_loop3A_214, %parallel_loop3A_215 = tpu.sort %parallel_loop3A_208, %parallel_loop3A_209 masked %parallel_loop3A_212 {descending = true} : (vector<16xf32>, vector<16xi32>, vector<16xi1>) -> (vector<16xi1>, vector<16xf32>, vector<16xi32>)
        %parallel_loop3A_216 = arith.constant dense<true> : vector<16xi1>
        %parallel_loop3A_217, %parallel_loop3A_218, %parallel_loop3A_219 = tpu.sort %parallel_loop3A_210, %parallel_loop3A_211 masked %parallel_loop3A_216 {descending = true} : (vector<16xf32>, vector<16xi32>, vector<16xi1>) -> (vector<16xi1>, vector<16xf32>, vector<16xi32>)
        %parallel_loop3A_220 = arith.constant 15 : i32
        %parallel_loop3A_221 = vector.broadcast %parallel_loop3A_220 : i32 to vector<16xi32>
        %parallel_loop3A_222 = tpu.iota {dimensions = array<i32: 0>} : vector<16xi32>
        %parallel_loop3A_223 = arith.subi %parallel_loop3A_221, %parallel_loop3A_222 : vector<16xi32>
        %parallel_loop3A_224 = tpu.dynamic_gather %parallel_loop3A_57[%parallel_loop3A_223] in [0] : vector<16xf32>, vector<16xi32> -> vector<16xf32>
        %parallel_loop3A_225 = arith.constant 15 : i32
        %parallel_loop3A_226 = vector.broadcast %parallel_loop3A_225 : i32 to vector<16xi32>
        %parallel_loop3A_227 = tpu.iota {dimensions = array<i32: 0>} : vector<16xi32>
        %parallel_loop3A_228 = arith.subi %parallel_loop3A_226, %parallel_loop3A_227 : vector<16xi32>
        %parallel_loop3A_229 = tpu.dynamic_gather %parallel_loop3A_58[%parallel_loop3A_228] in [0] : vector<16xi32>, vector<16xi32> -> vector<16xi32>
        %parallel_loop3A_230 = arith.cmpf oge, %parallel_loop3A_46, %parallel_loop3A_224 : vector<16xf32>
        %parallel_loop3A_231 = arith.select %parallel_loop3A_230, %parallel_loop3A_46, %parallel_loop3A_224 : vector<16xi1>, vector<16xf32>
        %parallel_loop3A_232 = arith.select %parallel_loop3A_230, %parallel_loop3A_47, %parallel_loop3A_229 : vector<16xi1>, vector<16xi32>
        %parallel_loop3A_233 = arith.select %parallel_loop3A_230, %parallel_loop3A_224, %parallel_loop3A_46 : vector<16xi1>, vector<16xf32>
        %parallel_loop3A_234 = arith.select %parallel_loop3A_230, %parallel_loop3A_229, %parallel_loop3A_47 : vector<16xi1>, vector<16xi32>
        %parallel_loop3A_235 = arith.constant dense<true> : vector<16xi1>
        %parallel_loop3A_236, %parallel_loop3A_237, %parallel_loop3A_238 = tpu.sort %parallel_loop3A_231, %parallel_loop3A_232 masked %parallel_loop3A_235 {descending = true} : (vector<16xf32>, vector<16xi32>, vector<16xi1>) -> (vector<16xi1>, vector<16xf32>, vector<16xi32>)
        %parallel_loop3A_239 = arith.constant dense<true> : vector<16xi1>
        %parallel_loop3A_240, %parallel_loop3A_241, %parallel_loop3A_242 = tpu.sort %parallel_loop3A_233, %parallel_loop3A_234 masked %parallel_loop3A_239 {descending = true} : (vector<16xf32>, vector<16xi32>, vector<16xi1>) -> (vector<16xi1>, vector<16xf32>, vector<16xi32>)
        %parallel_loop3A_243 = arith.constant 15 : i32
        %parallel_loop3A_244 = vector.broadcast %parallel_loop3A_243 : i32 to vector<16xi32>
        %parallel_loop3A_245 = tpu.iota {dimensions = array<i32: 0>} : vector<16xi32>
        %parallel_loop3A_246 = arith.subi %parallel_loop3A_244, %parallel_loop3A_245 : vector<16xi32>
        %parallel_loop3A_247 = tpu.dynamic_gather %parallel_loop3A_79[%parallel_loop3A_246] in [0] : vector<16xf32>, vector<16xi32> -> vector<16xf32>
        %parallel_loop3A_248 = arith.constant 15 : i32
        %parallel_loop3A_249 = vector.broadcast %parallel_loop3A_248 : i32 to vector<16xi32>
        %parallel_loop3A_250 = tpu.iota {dimensions = array<i32: 0>} : vector<16xi32>
        %parallel_loop3A_251 = arith.subi %parallel_loop3A_249, %parallel_loop3A_250 : vector<16xi32>
        %parallel_loop3A_252 = tpu.dynamic_gather %parallel_loop3A_80[%parallel_loop3A_251] in [0] : vector<16xi32>, vector<16xi32> -> vector<16xi32>
        %parallel_loop3A_253 = arith.cmpf oge, %parallel_loop3A_68, %parallel_loop3A_247 : vector<16xf32>
        %parallel_loop3A_254 = arith.select %parallel_loop3A_253, %parallel_loop3A_68, %parallel_loop3A_247 : vector<16xi1>, vector<16xf32>
        %parallel_loop3A_255 = arith.select %parallel_loop3A_253, %parallel_loop3A_69, %parallel_loop3A_252 : vector<16xi1>, vector<16xi32>
        %parallel_loop3A_256 = arith.select %parallel_loop3A_253, %parallel_loop3A_247, %parallel_loop3A_68 : vector<16xi1>, vector<16xf32>
        %parallel_loop3A_257 = arith.select %parallel_loop3A_253, %parallel_loop3A_252, %parallel_loop3A_69 : vector<16xi1>, vector<16xi32>
        %parallel_loop3A_258 = arith.constant dense<true> : vector<16xi1>
        %parallel_loop3A_259, %parallel_loop3A_260, %parallel_loop3A_261 = tpu.sort %parallel_loop3A_254, %parallel_loop3A_255 masked %parallel_loop3A_258 {descending = true} : (vector<16xf32>, vector<16xi32>, vector<16xi1>) -> (vector<16xi1>, vector<16xf32>, vector<16xi32>)
        %parallel_loop3A_262 = arith.constant dense<true> : vector<16xi1>
        %parallel_loop3A_263, %parallel_loop3A_264, %parallel_loop3A_265 = tpu.sort %parallel_loop3A_256, %parallel_loop3A_257 masked %parallel_loop3A_262 {descending = true} : (vector<16xf32>, vector<16xi32>, vector<16xi1>) -> (vector<16xi1>, vector<16xf32>, vector<16xi32>)
        %parallel_loop3A_266 = arith.constant 15 : i32
        %parallel_loop3A_267 = vector.broadcast %parallel_loop3A_266 : i32 to vector<16xi32>
        %parallel_loop3A_268 = tpu.iota {dimensions = array<i32: 0>} : vector<16xi32>
        %parallel_loop3A_269 = arith.subi %parallel_loop3A_267, %parallel_loop3A_268 : vector<16xi32>
        %parallel_loop3A_270 = tpu.dynamic_gather %parallel_loop3A_101[%parallel_loop3A_269] in [0] : vector<16xf32>, vector<16xi32> -> vector<16xf32>
        %parallel_loop3A_271 = arith.constant 15 : i32
        %parallel_loop3A_272 = vector.broadcast %parallel_loop3A_271 : i32 to vector<16xi32>
        %parallel_loop3A_273 = tpu.iota {dimensions = array<i32: 0>} : vector<16xi32>
        %parallel_loop3A_274 = arith.subi %parallel_loop3A_272, %parallel_loop3A_273 : vector<16xi32>
        %parallel_loop3A_275 = tpu.dynamic_gather %parallel_loop3A_102[%parallel_loop3A_274] in [0] : vector<16xi32>, vector<16xi32> -> vector<16xi32>
        %parallel_loop3A_276 = arith.cmpf oge, %parallel_loop3A_90, %parallel_loop3A_270 : vector<16xf32>
        %parallel_loop3A_277 = arith.select %parallel_loop3A_276, %parallel_loop3A_90, %parallel_loop3A_270 : vector<16xi1>, vector<16xf32>
        %parallel_loop3A_278 = arith.select %parallel_loop3A_276, %parallel_loop3A_91, %parallel_loop3A_275 : vector<16xi1>, vector<16xi32>
        %parallel_loop3A_279 = arith.select %parallel_loop3A_276, %parallel_loop3A_270, %parallel_loop3A_90 : vector<16xi1>, vector<16xf32>
        %parallel_loop3A_280 = arith.select %parallel_loop3A_276, %parallel_loop3A_275, %parallel_loop3A_91 : vector<16xi1>, vector<16xi32>
        %parallel_loop3A_281 = arith.constant dense<true> : vector<16xi1>
        %parallel_loop3A_282, %parallel_loop3A_283, %parallel_loop3A_284 = tpu.sort %parallel_loop3A_277, %parallel_loop3A_278 masked %parallel_loop3A_281 {descending = true} : (vector<16xf32>, vector<16xi32>, vector<16xi1>) -> (vector<16xi1>, vector<16xf32>, vector<16xi32>)
        %parallel_loop3A_285 = arith.constant dense<true> : vector<16xi1>
        %parallel_loop3A_286, %parallel_loop3A_287, %parallel_loop3A_288 = tpu.sort %parallel_loop3A_279, %parallel_loop3A_280 masked %parallel_loop3A_285 {descending = true} : (vector<16xf32>, vector<16xi32>, vector<16xi1>) -> (vector<16xi1>, vector<16xf32>, vector<16xi32>)
        %parallel_loop3A_289 = arith.constant 15 : i32
        %parallel_loop3A_290 = vector.broadcast %parallel_loop3A_289 : i32 to vector<16xi32>
        %parallel_loop3A_291 = tpu.iota {dimensions = array<i32: 0>} : vector<16xi32>
        %parallel_loop3A_292 = arith.subi %parallel_loop3A_290, %parallel_loop3A_291 : vector<16xi32>
        %parallel_loop3A_293 = tpu.dynamic_gather %parallel_loop3A_123[%parallel_loop3A_292] in [0] : vector<16xf32>, vector<16xi32> -> vector<16xf32>
        %parallel_loop3A_294 = arith.constant 15 : i32
        %parallel_loop3A_295 = vector.broadcast %parallel_loop3A_294 : i32 to vector<16xi32>
        %parallel_loop3A_296 = tpu.iota {dimensions = array<i32: 0>} : vector<16xi32>
        %parallel_loop3A_297 = arith.subi %parallel_loop3A_295, %parallel_loop3A_296 : vector<16xi32>
        %parallel_loop3A_298 = tpu.dynamic_gather %parallel_loop3A_124[%parallel_loop3A_297] in [0] : vector<16xi32>, vector<16xi32> -> vector<16xi32>
        %parallel_loop3A_299 = arith.cmpf oge, %parallel_loop3A_112, %parallel_loop3A_293 : vector<16xf32>
        %parallel_loop3A_300 = arith.select %parallel_loop3A_299, %parallel_loop3A_112, %parallel_loop3A_293 : vector<16xi1>, vector<16xf32>
        %parallel_loop3A_301 = arith.select %parallel_loop3A_299, %parallel_loop3A_113, %parallel_loop3A_298 : vector<16xi1>, vector<16xi32>
        %parallel_loop3A_302 = arith.select %parallel_loop3A_299, %parallel_loop3A_293, %parallel_loop3A_112 : vector<16xi1>, vector<16xf32>
        %parallel_loop3A_303 = arith.select %parallel_loop3A_299, %parallel_loop3A_298, %parallel_loop3A_113 : vector<16xi1>, vector<16xi32>
        %parallel_loop3A_304 = arith.constant dense<true> : vector<16xi1>
        %parallel_loop3A_305, %parallel_loop3A_306, %parallel_loop3A_307 = tpu.sort %parallel_loop3A_300, %parallel_loop3A_301 masked %parallel_loop3A_304 {descending = true} : (vector<16xf32>, vector<16xi32>, vector<16xi1>) -> (vector<16xi1>, vector<16xf32>, vector<16xi32>)
        %parallel_loop3A_308 = arith.constant dense<true> : vector<16xi1>
        %parallel_loop3A_309, %parallel_loop3A_310, %parallel_loop3A_311 = tpu.sort %parallel_loop3A_302, %parallel_loop3A_303 masked %parallel_loop3A_308 {descending = true} : (vector<16xf32>, vector<16xi32>, vector<16xi1>) -> (vector<16xi1>, vector<16xf32>, vector<16xi32>)
        %parallel_loop3A_312 = arith.constant 15 : i32
        %parallel_loop3A_313 = vector.broadcast %parallel_loop3A_312 : i32 to vector<16xi32>
        %parallel_loop3A_314 = tpu.iota {dimensions = array<i32: 0>} : vector<16xi32>
        %parallel_loop3A_315 = arith.subi %parallel_loop3A_313, %parallel_loop3A_314 : vector<16xi32>
        %parallel_loop3A_316 = tpu.dynamic_gather %parallel_loop3A_145[%parallel_loop3A_315] in [0] : vector<16xf32>, vector<16xi32> -> vector<16xf32>
        %parallel_loop3A_317 = arith.constant 15 : i32
        %parallel_loop3A_318 = vector.broadcast %parallel_loop3A_317 : i32 to vector<16xi32>
        %parallel_loop3A_319 = tpu.iota {dimensions = array<i32: 0>} : vector<16xi32>
        %parallel_loop3A_320 = arith.subi %parallel_loop3A_318, %parallel_loop3A_319 : vector<16xi32>
        %parallel_loop3A_321 = tpu.dynamic_gather %parallel_loop3A_146[%parallel_loop3A_320] in [0] : vector<16xi32>, vector<16xi32> -> vector<16xi32>
        %parallel_loop3A_322 = arith.cmpf oge, %parallel_loop3A_134, %parallel_loop3A_316 : vector<16xf32>
        %parallel_loop3A_323 = arith.select %parallel_loop3A_322, %parallel_loop3A_134, %parallel_loop3A_316 : vector<16xi1>, vector<16xf32>
        %parallel_loop3A_324 = arith.select %parallel_loop3A_322, %parallel_loop3A_135, %parallel_loop3A_321 : vector<16xi1>, vector<16xi32>
        %parallel_loop3A_325 = arith.select %parallel_loop3A_322, %parallel_loop3A_316, %parallel_loop3A_134 : vector<16xi1>, vector<16xf32>
        %parallel_loop3A_326 = arith.select %parallel_loop3A_322, %parallel_loop3A_321, %parallel_loop3A_135 : vector<16xi1>, vector<16xi32>
        %parallel_loop3A_327 = arith.constant dense<true> : vector<16xi1>
        %parallel_loop3A_328, %parallel_loop3A_329, %parallel_loop3A_330 = tpu.sort %parallel_loop3A_323, %parallel_loop3A_324 masked %parallel_loop3A_327 {descending = true} : (vector<16xf32>, vector<16xi32>, vector<16xi1>) -> (vector<16xi1>, vector<16xf32>, vector<16xi32>)
        %parallel_loop3A_331 = arith.constant dense<true> : vector<16xi1>
        %parallel_loop3A_332, %parallel_loop3A_333, %parallel_loop3A_334 = tpu.sort %parallel_loop3A_325, %parallel_loop3A_326 masked %parallel_loop3A_331 {descending = true} : (vector<16xf32>, vector<16xi32>, vector<16xi1>) -> (vector<16xi1>, vector<16xf32>, vector<16xi32>)
        %parallel_loop3A_335 = arith.constant 15 : i32
        %parallel_loop3A_336 = vector.broadcast %parallel_loop3A_335 : i32 to vector<16xi32>
        %parallel_loop3A_337 = tpu.iota {dimensions = array<i32: 0>} : vector<16xi32>
        %parallel_loop3A_338 = arith.subi %parallel_loop3A_336, %parallel_loop3A_337 : vector<16xi32>
        %parallel_loop3A_339 = tpu.dynamic_gather %parallel_loop3A_167[%parallel_loop3A_338] in [0] : vector<16xf32>, vector<16xi32> -> vector<16xf32>
        %parallel_loop3A_340 = arith.constant 15 : i32
        %parallel_loop3A_341 = vector.broadcast %parallel_loop3A_340 : i32 to vector<16xi32>
        %parallel_loop3A_342 = tpu.iota {dimensions = array<i32: 0>} : vector<16xi32>
        %parallel_loop3A_343 = arith.subi %parallel_loop3A_341, %parallel_loop3A_342 : vector<16xi32>
        %parallel_loop3A_344 = tpu.dynamic_gather %parallel_loop3A_168[%parallel_loop3A_343] in [0] : vector<16xi32>, vector<16xi32> -> vector<16xi32>
        %parallel_loop3A_345 = arith.cmpf oge, %parallel_loop3A_156, %parallel_loop3A_339 : vector<16xf32>
        %parallel_loop3A_346 = arith.select %parallel_loop3A_345, %parallel_loop3A_156, %parallel_loop3A_339 : vector<16xi1>, vector<16xf32>
        %parallel_loop3A_347 = arith.select %parallel_loop3A_345, %parallel_loop3A_157, %parallel_loop3A_344 : vector<16xi1>, vector<16xi32>
        %parallel_loop3A_348 = arith.select %parallel_loop3A_345, %parallel_loop3A_339, %parallel_loop3A_156 : vector<16xi1>, vector<16xf32>
        %parallel_loop3A_349 = arith.select %parallel_loop3A_345, %parallel_loop3A_344, %parallel_loop3A_157 : vector<16xi1>, vector<16xi32>
        %parallel_loop3A_350 = arith.constant dense<true> : vector<16xi1>
        %parallel_loop3A_351, %parallel_loop3A_352, %parallel_loop3A_353 = tpu.sort %parallel_loop3A_346, %parallel_loop3A_347 masked %parallel_loop3A_350 {descending = true} : (vector<16xf32>, vector<16xi32>, vector<16xi1>) -> (vector<16xi1>, vector<16xf32>, vector<16xi32>)
        %parallel_loop3A_354 = arith.constant dense<true> : vector<16xi1>
        %parallel_loop3A_355, %parallel_loop3A_356, %parallel_loop3A_357 = tpu.sort %parallel_loop3A_348, %parallel_loop3A_349 masked %parallel_loop3A_354 {descending = true} : (vector<16xf32>, vector<16xi32>, vector<16xi1>) -> (vector<16xi1>, vector<16xf32>, vector<16xi32>)
        %parallel_loop3A_358 = arith.constant 15 : i32
        %parallel_loop3A_359 = vector.broadcast %parallel_loop3A_358 : i32 to vector<16xi32>
        %parallel_loop3A_360 = tpu.iota {dimensions = array<i32: 0>} : vector<16xi32>
        %parallel_loop3A_361 = arith.subi %parallel_loop3A_359, %parallel_loop3A_360 : vector<16xi32>
        %parallel_loop3A_362 = tpu.dynamic_gather %parallel_loop3A_195[%parallel_loop3A_361] in [0] : vector<16xf32>, vector<16xi32> -> vector<16xf32>
        %parallel_loop3A_363 = arith.constant 15 : i32
        %parallel_loop3A_364 = vector.broadcast %parallel_loop3A_363 : i32 to vector<16xi32>
        %parallel_loop3A_365 = tpu.iota {dimensions = array<i32: 0>} : vector<16xi32>
        %parallel_loop3A_366 = arith.subi %parallel_loop3A_364, %parallel_loop3A_365 : vector<16xi32>
        %parallel_loop3A_367 = tpu.dynamic_gather %parallel_loop3A_196[%parallel_loop3A_366] in [0] : vector<16xi32>, vector<16xi32> -> vector<16xi32>
        %parallel_loop3A_368 = arith.cmpf oge, %parallel_loop3A_178, %parallel_loop3A_362 : vector<16xf32>
        %parallel_loop3A_369 = arith.select %parallel_loop3A_368, %parallel_loop3A_178, %parallel_loop3A_362 : vector<16xi1>, vector<16xf32>
        %parallel_loop3A_370 = arith.select %parallel_loop3A_368, %parallel_loop3A_179, %parallel_loop3A_367 : vector<16xi1>, vector<16xi32>
        %parallel_loop3A_371 = arith.select %parallel_loop3A_368, %parallel_loop3A_362, %parallel_loop3A_178 : vector<16xi1>, vector<16xf32>
        %parallel_loop3A_372 = arith.select %parallel_loop3A_368, %parallel_loop3A_367, %parallel_loop3A_179 : vector<16xi1>, vector<16xi32>
        %parallel_loop3A_373 = arith.constant dense<true> : vector<16xi1>
        %parallel_loop3A_374, %parallel_loop3A_375, %parallel_loop3A_376 = tpu.sort %parallel_loop3A_369, %parallel_loop3A_370 masked %parallel_loop3A_373 {descending = true} : (vector<16xf32>, vector<16xi32>, vector<16xi1>) -> (vector<16xi1>, vector<16xf32>, vector<16xi32>)
        %parallel_loop3A_377 = arith.constant dense<true> : vector<16xi1>
        %parallel_loop3A_378, %parallel_loop3A_379, %parallel_loop3A_380 = tpu.sort %parallel_loop3A_371, %parallel_loop3A_372 masked %parallel_loop3A_377 {descending = true} : (vector<16xf32>, vector<16xi32>, vector<16xi1>) -> (vector<16xi1>, vector<16xf32>, vector<16xi32>)
        %parallel_loop3A_381 = arith.constant 15 : i32
        %parallel_loop3A_382 = vector.broadcast %parallel_loop3A_381 : i32 to vector<16xi32>
        %parallel_loop3A_383 = tpu.iota {dimensions = array<i32: 0>} : vector<16xi32>
        %parallel_loop3A_384 = arith.subi %parallel_loop3A_382, %parallel_loop3A_383 : vector<16xi32>
        %parallel_loop3A_385 = tpu.dynamic_gather %parallel_loop3A_241[%parallel_loop3A_384] in [0] : vector<16xf32>, vector<16xi32> -> vector<16xf32>
        %parallel_loop3A_386 = arith.constant 15 : i32
        %parallel_loop3A_387 = vector.broadcast %parallel_loop3A_386 : i32 to vector<16xi32>
        %parallel_loop3A_388 = tpu.iota {dimensions = array<i32: 0>} : vector<16xi32>
        %parallel_loop3A_389 = arith.subi %parallel_loop3A_387, %parallel_loop3A_388 : vector<16xi32>
        %parallel_loop3A_390 = tpu.dynamic_gather %parallel_loop3A_242[%parallel_loop3A_389] in [0] : vector<16xi32>, vector<16xi32> -> vector<16xi32>
        %parallel_loop3A_391 = arith.constant 15 : i32
        %parallel_loop3A_392 = vector.broadcast %parallel_loop3A_391 : i32 to vector<16xi32>
        %parallel_loop3A_393 = tpu.iota {dimensions = array<i32: 0>} : vector<16xi32>
        %parallel_loop3A_394 = arith.subi %parallel_loop3A_392, %parallel_loop3A_393 : vector<16xi32>
        %parallel_loop3A_395 = tpu.dynamic_gather %parallel_loop3A_237[%parallel_loop3A_394] in [0] : vector<16xf32>, vector<16xi32> -> vector<16xf32>
        %parallel_loop3A_396 = arith.constant 15 : i32
        %parallel_loop3A_397 = vector.broadcast %parallel_loop3A_396 : i32 to vector<16xi32>
        %parallel_loop3A_398 = tpu.iota {dimensions = array<i32: 0>} : vector<16xi32>
        %parallel_loop3A_399 = arith.subi %parallel_loop3A_397, %parallel_loop3A_398 : vector<16xi32>
        %parallel_loop3A_400 = tpu.dynamic_gather %parallel_loop3A_238[%parallel_loop3A_399] in [0] : vector<16xi32>, vector<16xi32> -> vector<16xi32>
        %parallel_loop3A_401 = arith.cmpf oge, %parallel_loop3A_214, %parallel_loop3A_385 : vector<16xf32>
        %parallel_loop3A_402 = arith.select %parallel_loop3A_401, %parallel_loop3A_214, %parallel_loop3A_385 : vector<16xi1>, vector<16xf32>
        %parallel_loop3A_403 = arith.select %parallel_loop3A_401, %parallel_loop3A_215, %parallel_loop3A_390 : vector<16xi1>, vector<16xi32>
        %parallel_loop3A_404 = arith.cmpf oge, %parallel_loop3A_218, %parallel_loop3A_395 : vector<16xf32>
        %parallel_loop3A_405 = arith.select %parallel_loop3A_404, %parallel_loop3A_218, %parallel_loop3A_395 : vector<16xi1>, vector<16xf32>
        %parallel_loop3A_406 = arith.select %parallel_loop3A_404, %parallel_loop3A_219, %parallel_loop3A_400 : vector<16xi1>, vector<16xi32>
        %parallel_loop3A_407 = arith.cmpf oge, %parallel_loop3A_402, %parallel_loop3A_405 : vector<16xf32>
        %parallel_loop3A_408 = arith.select %parallel_loop3A_407, %parallel_loop3A_402, %parallel_loop3A_405 : vector<16xi1>, vector<16xf32>
        %parallel_loop3A_409 = arith.select %parallel_loop3A_407, %parallel_loop3A_403, %parallel_loop3A_406 : vector<16xi1>, vector<16xi32>
        %parallel_loop3A_410 = arith.select %parallel_loop3A_407, %parallel_loop3A_405, %parallel_loop3A_402 : vector<16xi1>, vector<16xf32>
        %parallel_loop3A_411 = arith.select %parallel_loop3A_407, %parallel_loop3A_406, %parallel_loop3A_403 : vector<16xi1>, vector<16xi32>
        %parallel_loop3A_412 = arith.constant dense<true> : vector<16xi1>
        %parallel_loop3A_413, %parallel_loop3A_414, %parallel_loop3A_415 = tpu.sort %parallel_loop3A_408, %parallel_loop3A_409 masked %parallel_loop3A_412 {descending = true} : (vector<16xf32>, vector<16xi32>, vector<16xi1>) -> (vector<16xi1>, vector<16xf32>, vector<16xi32>)
        %parallel_loop3A_416 = arith.constant dense<true> : vector<16xi1>
        %parallel_loop3A_417, %parallel_loop3A_418, %parallel_loop3A_419 = tpu.sort %parallel_loop3A_410, %parallel_loop3A_411 masked %parallel_loop3A_416 {descending = true} : (vector<16xf32>, vector<16xi32>, vector<16xi1>) -> (vector<16xi1>, vector<16xf32>, vector<16xi32>)
        %parallel_loop3A_420 = arith.constant 15 : i32
        %parallel_loop3A_421 = vector.broadcast %parallel_loop3A_420 : i32 to vector<16xi32>
        %parallel_loop3A_422 = tpu.iota {dimensions = array<i32: 0>} : vector<16xi32>
        %parallel_loop3A_423 = arith.subi %parallel_loop3A_421, %parallel_loop3A_422 : vector<16xi32>
        %parallel_loop3A_424 = tpu.dynamic_gather %parallel_loop3A_287[%parallel_loop3A_423] in [0] : vector<16xf32>, vector<16xi32> -> vector<16xf32>
        %parallel_loop3A_425 = arith.constant 15 : i32
        %parallel_loop3A_426 = vector.broadcast %parallel_loop3A_425 : i32 to vector<16xi32>
        %parallel_loop3A_427 = tpu.iota {dimensions = array<i32: 0>} : vector<16xi32>
        %parallel_loop3A_428 = arith.subi %parallel_loop3A_426, %parallel_loop3A_427 : vector<16xi32>
        %parallel_loop3A_429 = tpu.dynamic_gather %parallel_loop3A_288[%parallel_loop3A_428] in [0] : vector<16xi32>, vector<16xi32> -> vector<16xi32>
        %parallel_loop3A_430 = arith.constant 15 : i32
        %parallel_loop3A_431 = vector.broadcast %parallel_loop3A_430 : i32 to vector<16xi32>
        %parallel_loop3A_432 = tpu.iota {dimensions = array<i32: 0>} : vector<16xi32>
        %parallel_loop3A_433 = arith.subi %parallel_loop3A_431, %parallel_loop3A_432 : vector<16xi32>
        %parallel_loop3A_434 = tpu.dynamic_gather %parallel_loop3A_283[%parallel_loop3A_433] in [0] : vector<16xf32>, vector<16xi32> -> vector<16xf32>
        %parallel_loop3A_435 = arith.constant 15 : i32
        %parallel_loop3A_436 = vector.broadcast %parallel_loop3A_435 : i32 to vector<16xi32>
        %parallel_loop3A_437 = tpu.iota {dimensions = array<i32: 0>} : vector<16xi32>
        %parallel_loop3A_438 = arith.subi %parallel_loop3A_436, %parallel_loop3A_437 : vector<16xi32>
        %parallel_loop3A_439 = tpu.dynamic_gather %parallel_loop3A_284[%parallel_loop3A_438] in [0] : vector<16xi32>, vector<16xi32> -> vector<16xi32>
        %parallel_loop3A_440 = arith.cmpf oge, %parallel_loop3A_260, %parallel_loop3A_424 : vector<16xf32>
        %parallel_loop3A_441 = arith.select %parallel_loop3A_440, %parallel_loop3A_260, %parallel_loop3A_424 : vector<16xi1>, vector<16xf32>
        %parallel_loop3A_442 = arith.select %parallel_loop3A_440, %parallel_loop3A_261, %parallel_loop3A_429 : vector<16xi1>, vector<16xi32>
        %parallel_loop3A_443 = arith.cmpf oge, %parallel_loop3A_264, %parallel_loop3A_434 : vector<16xf32>
        %parallel_loop3A_444 = arith.select %parallel_loop3A_443, %parallel_loop3A_264, %parallel_loop3A_434 : vector<16xi1>, vector<16xf32>
        %parallel_loop3A_445 = arith.select %parallel_loop3A_443, %parallel_loop3A_265, %parallel_loop3A_439 : vector<16xi1>, vector<16xi32>
        %parallel_loop3A_446 = arith.cmpf oge, %parallel_loop3A_441, %parallel_loop3A_444 : vector<16xf32>
        %parallel_loop3A_447 = arith.select %parallel_loop3A_446, %parallel_loop3A_441, %parallel_loop3A_444 : vector<16xi1>, vector<16xf32>
        %parallel_loop3A_448 = arith.select %parallel_loop3A_446, %parallel_loop3A_442, %parallel_loop3A_445 : vector<16xi1>, vector<16xi32>
        %parallel_loop3A_449 = arith.select %parallel_loop3A_446, %parallel_loop3A_444, %parallel_loop3A_441 : vector<16xi1>, vector<16xf32>
        %parallel_loop3A_450 = arith.select %parallel_loop3A_446, %parallel_loop3A_445, %parallel_loop3A_442 : vector<16xi1>, vector<16xi32>
        %parallel_loop3A_451 = arith.constant dense<true> : vector<16xi1>
        %parallel_loop3A_452, %parallel_loop3A_453, %parallel_loop3A_454 = tpu.sort %parallel_loop3A_447, %parallel_loop3A_448 masked %parallel_loop3A_451 {descending = true} : (vector<16xf32>, vector<16xi32>, vector<16xi1>) -> (vector<16xi1>, vector<16xf32>, vector<16xi32>)
        %parallel_loop3A_455 = arith.constant dense<true> : vector<16xi1>
        %parallel_loop3A_456, %parallel_loop3A_457, %parallel_loop3A_458 = tpu.sort %parallel_loop3A_449, %parallel_loop3A_450 masked %parallel_loop3A_455 {descending = true} : (vector<16xf32>, vector<16xi32>, vector<16xi1>) -> (vector<16xi1>, vector<16xf32>, vector<16xi32>)
        %parallel_loop3A_459 = arith.constant 15 : i32
        %parallel_loop3A_460 = vector.broadcast %parallel_loop3A_459 : i32 to vector<16xi32>
        %parallel_loop3A_461 = tpu.iota {dimensions = array<i32: 0>} : vector<16xi32>
        %parallel_loop3A_462 = arith.subi %parallel_loop3A_460, %parallel_loop3A_461 : vector<16xi32>
        %parallel_loop3A_463 = tpu.dynamic_gather %parallel_loop3A_333[%parallel_loop3A_462] in [0] : vector<16xf32>, vector<16xi32> -> vector<16xf32>
        %parallel_loop3A_464 = arith.constant 15 : i32
        %parallel_loop3A_465 = vector.broadcast %parallel_loop3A_464 : i32 to vector<16xi32>
        %parallel_loop3A_466 = tpu.iota {dimensions = array<i32: 0>} : vector<16xi32>
        %parallel_loop3A_467 = arith.subi %parallel_loop3A_465, %parallel_loop3A_466 : vector<16xi32>
        %parallel_loop3A_468 = tpu.dynamic_gather %parallel_loop3A_334[%parallel_loop3A_467] in [0] : vector<16xi32>, vector<16xi32> -> vector<16xi32>
        %parallel_loop3A_469 = arith.constant 15 : i32
        %parallel_loop3A_470 = vector.broadcast %parallel_loop3A_469 : i32 to vector<16xi32>
        %parallel_loop3A_471 = tpu.iota {dimensions = array<i32: 0>} : vector<16xi32>
        %parallel_loop3A_472 = arith.subi %parallel_loop3A_470, %parallel_loop3A_471 : vector<16xi32>
        %parallel_loop3A_473 = tpu.dynamic_gather %parallel_loop3A_329[%parallel_loop3A_472] in [0] : vector<16xf32>, vector<16xi32> -> vector<16xf32>
        %parallel_loop3A_474 = arith.constant 15 : i32
        %parallel_loop3A_475 = vector.broadcast %parallel_loop3A_474 : i32 to vector<16xi32>
        %parallel_loop3A_476 = tpu.iota {dimensions = array<i32: 0>} : vector<16xi32>
        %parallel_loop3A_477 = arith.subi %parallel_loop3A_475, %parallel_loop3A_476 : vector<16xi32>
        %parallel_loop3A_478 = tpu.dynamic_gather %parallel_loop3A_330[%parallel_loop3A_477] in [0] : vector<16xi32>, vector<16xi32> -> vector<16xi32>
        %parallel_loop3A_479 = arith.cmpf oge, %parallel_loop3A_306, %parallel_loop3A_463 : vector<16xf32>
        %parallel_loop3A_480 = arith.select %parallel_loop3A_479, %parallel_loop3A_306, %parallel_loop3A_463 : vector<16xi1>, vector<16xf32>
        %parallel_loop3A_481 = arith.select %parallel_loop3A_479, %parallel_loop3A_307, %parallel_loop3A_468 : vector<16xi1>, vector<16xi32>
        %parallel_loop3A_482 = arith.cmpf oge, %parallel_loop3A_310, %parallel_loop3A_473 : vector<16xf32>
        %parallel_loop3A_483 = arith.select %parallel_loop3A_482, %parallel_loop3A_310, %parallel_loop3A_473 : vector<16xi1>, vector<16xf32>
        %parallel_loop3A_484 = arith.select %parallel_loop3A_482, %parallel_loop3A_311, %parallel_loop3A_478 : vector<16xi1>, vector<16xi32>
        %parallel_loop3A_485 = arith.cmpf oge, %parallel_loop3A_480, %parallel_loop3A_483 : vector<16xf32>
        %parallel_loop3A_486 = arith.select %parallel_loop3A_485, %parallel_loop3A_480, %parallel_loop3A_483 : vector<16xi1>, vector<16xf32>
        %parallel_loop3A_487 = arith.select %parallel_loop3A_485, %parallel_loop3A_481, %parallel_loop3A_484 : vector<16xi1>, vector<16xi32>
        %parallel_loop3A_488 = arith.select %parallel_loop3A_485, %parallel_loop3A_483, %parallel_loop3A_480 : vector<16xi1>, vector<16xf32>
        %parallel_loop3A_489 = arith.select %parallel_loop3A_485, %parallel_loop3A_484, %parallel_loop3A_481 : vector<16xi1>, vector<16xi32>
        %parallel_loop3A_490 = arith.constant dense<true> : vector<16xi1>
        %parallel_loop3A_491, %parallel_loop3A_492, %parallel_loop3A_493 = tpu.sort %parallel_loop3A_486, %parallel_loop3A_487 masked %parallel_loop3A_490 {descending = true} : (vector<16xf32>, vector<16xi32>, vector<16xi1>) -> (vector<16xi1>, vector<16xf32>, vector<16xi32>)
        %parallel_loop3A_494 = arith.constant dense<true> : vector<16xi1>
        %parallel_loop3A_495, %parallel_loop3A_496, %parallel_loop3A_497 = tpu.sort %parallel_loop3A_488, %parallel_loop3A_489 masked %parallel_loop3A_494 {descending = true} : (vector<16xf32>, vector<16xi32>, vector<16xi1>) -> (vector<16xi1>, vector<16xf32>, vector<16xi32>)
        %parallel_loop3A_498 = arith.constant 15 : i32
        %parallel_loop3A_499 = vector.broadcast %parallel_loop3A_498 : i32 to vector<16xi32>
        %parallel_loop3A_500 = tpu.iota {dimensions = array<i32: 0>} : vector<16xi32>
        %parallel_loop3A_501 = arith.subi %parallel_loop3A_499, %parallel_loop3A_500 : vector<16xi32>
        %parallel_loop3A_502 = tpu.dynamic_gather %parallel_loop3A_379[%parallel_loop3A_501] in [0] : vector<16xf32>, vector<16xi32> -> vector<16xf32>
        %parallel_loop3A_503 = arith.constant 15 : i32
        %parallel_loop3A_504 = vector.broadcast %parallel_loop3A_503 : i32 to vector<16xi32>
        %parallel_loop3A_505 = tpu.iota {dimensions = array<i32: 0>} : vector<16xi32>
        %parallel_loop3A_506 = arith.subi %parallel_loop3A_504, %parallel_loop3A_505 : vector<16xi32>
        %parallel_loop3A_507 = tpu.dynamic_gather %parallel_loop3A_380[%parallel_loop3A_506] in [0] : vector<16xi32>, vector<16xi32> -> vector<16xi32>
        %parallel_loop3A_508 = arith.constant 15 : i32
        %parallel_loop3A_509 = vector.broadcast %parallel_loop3A_508 : i32 to vector<16xi32>
        %parallel_loop3A_510 = tpu.iota {dimensions = array<i32: 0>} : vector<16xi32>
        %parallel_loop3A_511 = arith.subi %parallel_loop3A_509, %parallel_loop3A_510 : vector<16xi32>
        %parallel_loop3A_512 = tpu.dynamic_gather %parallel_loop3A_375[%parallel_loop3A_511] in [0] : vector<16xf32>, vector<16xi32> -> vector<16xf32>
        %parallel_loop3A_513 = arith.constant 15 : i32
        %parallel_loop3A_514 = vector.broadcast %parallel_loop3A_513 : i32 to vector<16xi32>
        %parallel_loop3A_515 = tpu.iota {dimensions = array<i32: 0>} : vector<16xi32>
        %parallel_loop3A_516 = arith.subi %parallel_loop3A_514, %parallel_loop3A_515 : vector<16xi32>
        %parallel_loop3A_517 = tpu.dynamic_gather %parallel_loop3A_376[%parallel_loop3A_516] in [0] : vector<16xi32>, vector<16xi32> -> vector<16xi32>
        %parallel_loop3A_518 = arith.cmpf oge, %parallel_loop3A_352, %parallel_loop3A_502 : vector<16xf32>
        %parallel_loop3A_519 = arith.select %parallel_loop3A_518, %parallel_loop3A_352, %parallel_loop3A_502 : vector<16xi1>, vector<16xf32>
        %parallel_loop3A_520 = arith.select %parallel_loop3A_518, %parallel_loop3A_353, %parallel_loop3A_507 : vector<16xi1>, vector<16xi32>
        %parallel_loop3A_521 = arith.cmpf oge, %parallel_loop3A_356, %parallel_loop3A_512 : vector<16xf32>
        %parallel_loop3A_522 = arith.select %parallel_loop3A_521, %parallel_loop3A_356, %parallel_loop3A_512 : vector<16xi1>, vector<16xf32>
        %parallel_loop3A_523 = arith.select %parallel_loop3A_521, %parallel_loop3A_357, %parallel_loop3A_517 : vector<16xi1>, vector<16xi32>
        %parallel_loop3A_524 = arith.cmpf oge, %parallel_loop3A_519, %parallel_loop3A_522 : vector<16xf32>
        %parallel_loop3A_525 = arith.select %parallel_loop3A_524, %parallel_loop3A_519, %parallel_loop3A_522 : vector<16xi1>, vector<16xf32>
        %parallel_loop3A_526 = arith.select %parallel_loop3A_524, %parallel_loop3A_520, %parallel_loop3A_523 : vector<16xi1>, vector<16xi32>
        %parallel_loop3A_527 = arith.select %parallel_loop3A_524, %parallel_loop3A_522, %parallel_loop3A_519 : vector<16xi1>, vector<16xf32>
        %parallel_loop3A_528 = arith.select %parallel_loop3A_524, %parallel_loop3A_523, %parallel_loop3A_520 : vector<16xi1>, vector<16xi32>
        %parallel_loop3A_529 = arith.constant dense<true> : vector<16xi1>
        %parallel_loop3A_530, %parallel_loop3A_531, %parallel_loop3A_532 = tpu.sort %parallel_loop3A_525, %parallel_loop3A_526 masked %parallel_loop3A_529 {descending = true} : (vector<16xf32>, vector<16xi32>, vector<16xi1>) -> (vector<16xi1>, vector<16xf32>, vector<16xi32>)
        %parallel_loop3A_533 = arith.constant dense<true> : vector<16xi1>
        %parallel_loop3A_534, %parallel_loop3A_535, %parallel_loop3A_536 = tpu.sort %parallel_loop3A_527, %parallel_loop3A_528 masked %parallel_loop3A_533 {descending = true} : (vector<16xf32>, vector<16xi32>, vector<16xi1>) -> (vector<16xi1>, vector<16xf32>, vector<16xi32>)
        %parallel_loop3A_537 = arith.constant 15 : i32
        %parallel_loop3A_538 = vector.broadcast %parallel_loop3A_537 : i32 to vector<16xi32>
        %parallel_loop3A_539 = tpu.iota {dimensions = array<i32: 0>} : vector<16xi32>
        %parallel_loop3A_540 = arith.subi %parallel_loop3A_538, %parallel_loop3A_539 : vector<16xi32>
        %parallel_loop3A_541 = tpu.dynamic_gather %parallel_loop3A_457[%parallel_loop3A_540] in [0] : vector<16xf32>, vector<16xi32> -> vector<16xf32>
        %parallel_loop3A_542 = arith.constant 15 : i32
        %parallel_loop3A_543 = vector.broadcast %parallel_loop3A_542 : i32 to vector<16xi32>
        %parallel_loop3A_544 = tpu.iota {dimensions = array<i32: 0>} : vector<16xi32>
        %parallel_loop3A_545 = arith.subi %parallel_loop3A_543, %parallel_loop3A_544 : vector<16xi32>
        %parallel_loop3A_546 = tpu.dynamic_gather %parallel_loop3A_458[%parallel_loop3A_545] in [0] : vector<16xi32>, vector<16xi32> -> vector<16xi32>
        %parallel_loop3A_547 = arith.constant 15 : i32
        %parallel_loop3A_548 = vector.broadcast %parallel_loop3A_547 : i32 to vector<16xi32>
        %parallel_loop3A_549 = tpu.iota {dimensions = array<i32: 0>} : vector<16xi32>
        %parallel_loop3A_550 = arith.subi %parallel_loop3A_548, %parallel_loop3A_549 : vector<16xi32>
        %parallel_loop3A_551 = tpu.dynamic_gather %parallel_loop3A_453[%parallel_loop3A_550] in [0] : vector<16xf32>, vector<16xi32> -> vector<16xf32>
        %parallel_loop3A_552 = arith.constant 15 : i32
        %parallel_loop3A_553 = vector.broadcast %parallel_loop3A_552 : i32 to vector<16xi32>
        %parallel_loop3A_554 = tpu.iota {dimensions = array<i32: 0>} : vector<16xi32>
        %parallel_loop3A_555 = arith.subi %parallel_loop3A_553, %parallel_loop3A_554 : vector<16xi32>
        %parallel_loop3A_556 = tpu.dynamic_gather %parallel_loop3A_454[%parallel_loop3A_555] in [0] : vector<16xi32>, vector<16xi32> -> vector<16xi32>
        %parallel_loop3A_557 = arith.cmpf oge, %parallel_loop3A_414, %parallel_loop3A_541 : vector<16xf32>
        %parallel_loop3A_558 = arith.select %parallel_loop3A_557, %parallel_loop3A_414, %parallel_loop3A_541 : vector<16xi1>, vector<16xf32>
        %parallel_loop3A_559 = arith.select %parallel_loop3A_557, %parallel_loop3A_415, %parallel_loop3A_546 : vector<16xi1>, vector<16xi32>
        %parallel_loop3A_560 = arith.cmpf oge, %parallel_loop3A_418, %parallel_loop3A_551 : vector<16xf32>
        %parallel_loop3A_561 = arith.select %parallel_loop3A_560, %parallel_loop3A_418, %parallel_loop3A_551 : vector<16xi1>, vector<16xf32>
        %parallel_loop3A_562 = arith.select %parallel_loop3A_560, %parallel_loop3A_419, %parallel_loop3A_556 : vector<16xi1>, vector<16xi32>
        %parallel_loop3A_563 = arith.cmpf oge, %parallel_loop3A_558, %parallel_loop3A_561 : vector<16xf32>
        %parallel_loop3A_564 = arith.select %parallel_loop3A_563, %parallel_loop3A_558, %parallel_loop3A_561 : vector<16xi1>, vector<16xf32>
        %parallel_loop3A_565 = arith.select %parallel_loop3A_563, %parallel_loop3A_559, %parallel_loop3A_562 : vector<16xi1>, vector<16xi32>
        %parallel_loop3A_566 = arith.select %parallel_loop3A_563, %parallel_loop3A_561, %parallel_loop3A_558 : vector<16xi1>, vector<16xf32>
        %parallel_loop3A_567 = arith.select %parallel_loop3A_563, %parallel_loop3A_562, %parallel_loop3A_559 : vector<16xi1>, vector<16xi32>
        %parallel_loop3A_568 = arith.constant dense<true> : vector<16xi1>
        %parallel_loop3A_569, %parallel_loop3A_570, %parallel_loop3A_571 = tpu.sort %parallel_loop3A_564, %parallel_loop3A_565 masked %parallel_loop3A_568 {descending = true} : (vector<16xf32>, vector<16xi32>, vector<16xi1>) -> (vector<16xi1>, vector<16xf32>, vector<16xi32>)
        %parallel_loop3A_572 = arith.constant dense<true> : vector<16xi1>
        %parallel_loop3A_573, %parallel_loop3A_574, %parallel_loop3A_575 = tpu.sort %parallel_loop3A_566, %parallel_loop3A_567 masked %parallel_loop3A_572 {descending = true} : (vector<16xf32>, vector<16xi32>, vector<16xi1>) -> (vector<16xi1>, vector<16xf32>, vector<16xi32>)
        %parallel_loop3A_576 = arith.constant 15 : i32
        %parallel_loop3A_577 = vector.broadcast %parallel_loop3A_576 : i32 to vector<16xi32>
        %parallel_loop3A_578 = tpu.iota {dimensions = array<i32: 0>} : vector<16xi32>
        %parallel_loop3A_579 = arith.subi %parallel_loop3A_577, %parallel_loop3A_578 : vector<16xi32>
        %parallel_loop3A_580 = tpu.dynamic_gather %parallel_loop3A_535[%parallel_loop3A_579] in [0] : vector<16xf32>, vector<16xi32> -> vector<16xf32>
        %parallel_loop3A_581 = arith.constant 15 : i32
        %parallel_loop3A_582 = vector.broadcast %parallel_loop3A_581 : i32 to vector<16xi32>
        %parallel_loop3A_583 = tpu.iota {dimensions = array<i32: 0>} : vector<16xi32>
        %parallel_loop3A_584 = arith.subi %parallel_loop3A_582, %parallel_loop3A_583 : vector<16xi32>
        %parallel_loop3A_585 = tpu.dynamic_gather %parallel_loop3A_536[%parallel_loop3A_584] in [0] : vector<16xi32>, vector<16xi32> -> vector<16xi32>
        %parallel_loop3A_586 = arith.constant 15 : i32
        %parallel_loop3A_587 = vector.broadcast %parallel_loop3A_586 : i32 to vector<16xi32>
        %parallel_loop3A_588 = tpu.iota {dimensions = array<i32: 0>} : vector<16xi32>
        %parallel_loop3A_589 = arith.subi %parallel_loop3A_587, %parallel_loop3A_588 : vector<16xi32>
        %parallel_loop3A_590 = tpu.dynamic_gather %parallel_loop3A_531[%parallel_loop3A_589] in [0] : vector<16xf32>, vector<16xi32> -> vector<16xf32>
        %parallel_loop3A_591 = arith.constant 15 : i32
        %parallel_loop3A_592 = vector.broadcast %parallel_loop3A_591 : i32 to vector<16xi32>
        %parallel_loop3A_593 = tpu.iota {dimensions = array<i32: 0>} : vector<16xi32>
        %parallel_loop3A_594 = arith.subi %parallel_loop3A_592, %parallel_loop3A_593 : vector<16xi32>
        %parallel_loop3A_595 = tpu.dynamic_gather %parallel_loop3A_532[%parallel_loop3A_594] in [0] : vector<16xi32>, vector<16xi32> -> vector<16xi32>
        %parallel_loop3A_596 = arith.cmpf oge, %parallel_loop3A_492, %parallel_loop3A_580 : vector<16xf32>
        %parallel_loop3A_597 = arith.select %parallel_loop3A_596, %parallel_loop3A_492, %parallel_loop3A_580 : vector<16xi1>, vector<16xf32>
        %parallel_loop3A_598 = arith.select %parallel_loop3A_596, %parallel_loop3A_493, %parallel_loop3A_585 : vector<16xi1>, vector<16xi32>
        %parallel_loop3A_599 = arith.cmpf oge, %parallel_loop3A_496, %parallel_loop3A_590 : vector<16xf32>
        %parallel_loop3A_600 = arith.select %parallel_loop3A_599, %parallel_loop3A_496, %parallel_loop3A_590 : vector<16xi1>, vector<16xf32>
        %parallel_loop3A_601 = arith.select %parallel_loop3A_599, %parallel_loop3A_497, %parallel_loop3A_595 : vector<16xi1>, vector<16xi32>
        %parallel_loop3A_602 = arith.cmpf oge, %parallel_loop3A_597, %parallel_loop3A_600 : vector<16xf32>
        %parallel_loop3A_603 = arith.select %parallel_loop3A_602, %parallel_loop3A_597, %parallel_loop3A_600 : vector<16xi1>, vector<16xf32>
        %parallel_loop3A_604 = arith.select %parallel_loop3A_602, %parallel_loop3A_598, %parallel_loop3A_601 : vector<16xi1>, vector<16xi32>
        %parallel_loop3A_605 = arith.select %parallel_loop3A_602, %parallel_loop3A_600, %parallel_loop3A_597 : vector<16xi1>, vector<16xf32>
        %parallel_loop3A_606 = arith.select %parallel_loop3A_602, %parallel_loop3A_601, %parallel_loop3A_598 : vector<16xi1>, vector<16xi32>
        %parallel_loop3A_607 = arith.constant dense<true> : vector<16xi1>
        %parallel_loop3A_608, %parallel_loop3A_609, %parallel_loop3A_610 = tpu.sort %parallel_loop3A_603, %parallel_loop3A_604 masked %parallel_loop3A_607 {descending = true} : (vector<16xf32>, vector<16xi32>, vector<16xi1>) -> (vector<16xi1>, vector<16xf32>, vector<16xi32>)
        %parallel_loop3A_611 = arith.constant dense<true> : vector<16xi1>
        %parallel_loop3A_612, %parallel_loop3A_613, %parallel_loop3A_614 = tpu.sort %parallel_loop3A_605, %parallel_loop3A_606 masked %parallel_loop3A_611 {descending = true} : (vector<16xf32>, vector<16xi32>, vector<16xi1>) -> (vector<16xi1>, vector<16xf32>, vector<16xi32>)
        %parallel_loop3A_615 = arith.constant 15 : i32
        %parallel_loop3A_616 = vector.broadcast %parallel_loop3A_615 : i32 to vector<16xi32>
        %parallel_loop3A_617 = tpu.iota {dimensions = array<i32: 0>} : vector<16xi32>
        %parallel_loop3A_618 = arith.subi %parallel_loop3A_616, %parallel_loop3A_617 : vector<16xi32>
        %parallel_loop3A_619 = tpu.dynamic_gather %parallel_loop3A_613[%parallel_loop3A_618] in [0] : vector<16xf32>, vector<16xi32> -> vector<16xf32>
        %parallel_loop3A_620 = arith.constant 15 : i32
        %parallel_loop3A_621 = vector.broadcast %parallel_loop3A_620 : i32 to vector<16xi32>
        %parallel_loop3A_622 = tpu.iota {dimensions = array<i32: 0>} : vector<16xi32>
        %parallel_loop3A_623 = arith.subi %parallel_loop3A_621, %parallel_loop3A_622 : vector<16xi32>
        %parallel_loop3A_624 = tpu.dynamic_gather %parallel_loop3A_614[%parallel_loop3A_623] in [0] : vector<16xi32>, vector<16xi32> -> vector<16xi32>
        %parallel_loop3A_625 = arith.constant 15 : i32
        %parallel_loop3A_626 = vector.broadcast %parallel_loop3A_625 : i32 to vector<16xi32>
        %parallel_loop3A_627 = tpu.iota {dimensions = array<i32: 0>} : vector<16xi32>
        %parallel_loop3A_628 = arith.subi %parallel_loop3A_626, %parallel_loop3A_627 : vector<16xi32>
        %parallel_loop3A_629 = tpu.dynamic_gather %parallel_loop3A_609[%parallel_loop3A_628] in [0] : vector<16xf32>, vector<16xi32> -> vector<16xf32>
        %parallel_loop3A_630 = arith.constant 15 : i32
        %parallel_loop3A_631 = vector.broadcast %parallel_loop3A_630 : i32 to vector<16xi32>
        %parallel_loop3A_632 = tpu.iota {dimensions = array<i32: 0>} : vector<16xi32>
        %parallel_loop3A_633 = arith.subi %parallel_loop3A_631, %parallel_loop3A_632 : vector<16xi32>
        %parallel_loop3A_634 = tpu.dynamic_gather %parallel_loop3A_610[%parallel_loop3A_633] in [0] : vector<16xi32>, vector<16xi32> -> vector<16xi32>
        %parallel_loop3A_635 = arith.cmpf oge, %parallel_loop3A_570, %parallel_loop3A_619 : vector<16xf32>
        %parallel_loop3A_636 = arith.select %parallel_loop3A_635, %parallel_loop3A_570, %parallel_loop3A_619 : vector<16xi1>, vector<16xf32>
        %parallel_loop3A_637 = arith.select %parallel_loop3A_635, %parallel_loop3A_571, %parallel_loop3A_624 : vector<16xi1>, vector<16xi32>
        %parallel_loop3A_638 = arith.cmpf oge, %parallel_loop3A_574, %parallel_loop3A_629 : vector<16xf32>
        %parallel_loop3A_639 = arith.select %parallel_loop3A_638, %parallel_loop3A_574, %parallel_loop3A_629 : vector<16xi1>, vector<16xf32>
        %parallel_loop3A_640 = arith.select %parallel_loop3A_638, %parallel_loop3A_575, %parallel_loop3A_634 : vector<16xi1>, vector<16xi32>
        %parallel_loop3A_641 = arith.cmpf oge, %parallel_loop3A_636, %parallel_loop3A_639 : vector<16xf32>
        %parallel_loop3A_642 = arith.select %parallel_loop3A_641, %parallel_loop3A_636, %parallel_loop3A_639 : vector<16xi1>, vector<16xf32>
        %parallel_loop3A_643 = arith.select %parallel_loop3A_641, %parallel_loop3A_637, %parallel_loop3A_640 : vector<16xi1>, vector<16xi32>
        %parallel_loop3A_644 = arith.select %parallel_loop3A_641, %parallel_loop3A_639, %parallel_loop3A_636 : vector<16xi1>, vector<16xf32>
        %parallel_loop3A_645 = arith.select %parallel_loop3A_641, %parallel_loop3A_640, %parallel_loop3A_637 : vector<16xi1>, vector<16xi32>
        %parallel_loop3A_646 = arith.constant dense<true> : vector<16xi1>
        %parallel_loop3A_647, %parallel_loop3A_648, %parallel_loop3A_649 = tpu.sort %parallel_loop3A_642, %parallel_loop3A_643 masked %parallel_loop3A_646 {descending = true} : (vector<16xf32>, vector<16xi32>, vector<16xi1>) -> (vector<16xi1>, vector<16xf32>, vector<16xi32>)
        %parallel_loop3A_650 = arith.constant dense<true> : vector<16xi1>
        %parallel_loop3A_651, %parallel_loop3A_652, %parallel_loop3A_653 = tpu.sort %parallel_loop3A_644, %parallel_loop3A_645 masked %parallel_loop3A_650 {descending = true} : (vector<16xf32>, vector<16xi32>, vector<16xi1>) -> (vector<16xi1>, vector<16xf32>, vector<16xi32>)
        %parallel_loop3A_654 = vector.broadcast %parallel_loop3A_14 : i32 to vector<16xi32>
        %parallel_loop3A_655 = tpu.vector_load_idx %arg5[%parallel_loop3A_654, %parallel_loop3A_649] : memref<32x244xf32, #tpu.memory_space<vmem>>[vector<16xi32>, vector<16xi32>], vector<16xf32>,
        %parallel_loop3A_656 = tpu.vector_load_idx %arg5[%parallel_loop3A_654, %parallel_loop3A_653] : memref<32x244xf32, #tpu.memory_space<vmem>>[vector<16xi32>, vector<16xi32>], vector<16xf32>,
        %parallel_loop3A_657 = tpu.vector_load_idx %arg6[%parallel_loop3A_654, %parallel_loop3A_649] : memref<32x244xf32, #tpu.memory_space<vmem>>[vector<16xi32>, vector<16xi32>], vector<16xf32>,
        %parallel_loop3A_658 = tpu.vector_load_idx %arg6[%parallel_loop3A_654, %parallel_loop3A_653] : memref<32x244xf32, #tpu.memory_space<vmem>>[vector<16xi32>, vector<16xi32>], vector<16xf32>,
        %parallel_loop3A_659 = arith.index_cast %parallel_loop3A_14 : i32 to index
        %parallel_loop3A_660 = arith.constant 0 : index
        %parallel_loop3A_661 = tpu.vector_load %arg7[%parallel_loop3A_659, %parallel_loop3A_660] {strides = array<i32>} : memref<32x64xf32, #tpu.memory_space<vmem>>, vector<16xf32>,
        tpu.vector_store %arg7[%parallel_loop3A_659, %parallel_loop3A_660], %parallel_loop3A_655 {strides = array<i32>} : memref<32x64xf32, #tpu.memory_space<vmem>>, vector<16xf32>,
        %parallel_loop3A_662 = arith.index_cast %parallel_loop3A_14 : i32 to index
        %parallel_loop3A_663 = arith.constant 16 : index
        %parallel_loop3A_664 = tpu.vector_load %arg7[%parallel_loop3A_662, %parallel_loop3A_663] {strides = array<i32>} : memref<32x64xf32, #tpu.memory_space<vmem>>, vector<16xf32>,
        tpu.vector_store %arg7[%parallel_loop3A_662, %parallel_loop3A_663], %parallel_loop3A_656 {strides = array<i32>} : memref<32x64xf32, #tpu.memory_space<vmem>>, vector<16xf32>,
        %parallel_loop3A_665 = arith.index_cast %parallel_loop3A_14 : i32 to index
        %parallel_loop3A_666 = arith.constant 32 : index
        %parallel_loop3A_667 = tpu.vector_load %arg7[%parallel_loop3A_665, %parallel_loop3A_666] {strides = array<i32>} : memref<32x64xf32, #tpu.memory_space<vmem>>, vector<16xf32>,
        tpu.vector_store %arg7[%parallel_loop3A_665, %parallel_loop3A_666], %parallel_loop3A_657 {strides = array<i32>} : memref<32x64xf32, #tpu.memory_space<vmem>>, vector<16xf32>,
        %parallel_loop3A_668 = arith.index_cast %parallel_loop3A_14 : i32 to index
        %parallel_loop3A_669 = arith.constant 48 : index
        %parallel_loop3A_670 = tpu.vector_load %arg7[%parallel_loop3A_668, %parallel_loop3A_669] {strides = array<i32>} : memref<32x64xf32, #tpu.memory_space<vmem>>, vector<16xf32>,
        tpu.vector_store %arg7[%parallel_loop3A_668, %parallel_loop3A_669], %parallel_loop3A_658 {strides = array<i32>} : memref<32x64xf32, #tpu.memory_space<vmem>>, vector<16xf32>,
      } {sc.loop_unroll_factor = 2 : i64, sc.parallel_access}
      "tpu.region"() ({
        %run_scoped3A = tpu.sem_alloc : memref<!tpu.dma_semaphore, #tpu.memory_space<semaphore_mem>>
        %dma_start3A = arith.constant 0 : i32
        %dma_start3A_14 = tpu.memref_slice %arg4[%add3A_11, %dma_start3A] : memref<16384x64xf32, #tpu.memory_space<hbm>> -> memref<32x64xf32, #tpu.memory_space<hbm>>
        %dma_start3A_15 = arith.constant 0 : i32
        %dma_start3A_16 = tpu.memref_slice %arg4[%add3A_11, %dma_start3A_15] : memref<16384x64xf32, #tpu.memory_space<hbm>> -> memref<32x64xf32, #tpu.memory_space<hbm>>
        tpu.enqueue_dma source(%arg7 : memref<32x64xf32, #tpu.memory_space<vmem>>) target(%dma_start3A_16 : memref<32x64xf32, #tpu.memory_space<hbm>>) target_semaphore(%run_scoped3A : memref<!tpu.dma_semaphore, #tpu.memory_space<semaphore_mem>>)
        %dma_wait3A = arith.constant 0 : i32
        %dma_wait3A_17 = tpu.memref_slice %arg4[%add3A_11, %dma_wait3A] : memref<16384x64xf32, #tpu.memory_space<hbm>> -> memref<32x64xf32, #tpu.memory_space<hbm>>
        %dma_wait3A_18 = arith.constant 0 : i32
        %dma_wait3A_19 = tpu.memref_slice %arg4[%add3A_11, %dma_wait3A_18] : memref<16384x64xf32, #tpu.memory_space<hbm>> -> memref<32x64xf32, #tpu.memory_space<hbm>>
        tpu.wait_dma2 semaphore(%run_scoped3A : memref<!tpu.dma_semaphore, #tpu.memory_space<semaphore_mem>>) src(%arg7 : memref<32x64xf32, #tpu.memory_space<vmem>>) dst(%dma_wait3A_19 : memref<32x64xf32, #tpu.memory_space<hbm>>)
        tpu.yield
      }) : () -> ()
    }
    %scan3A_7 = arith.constant 16 : i32
    return
  }
}

module attributes {stable_mosaic.version = 14 : i64} {
  func.func @_mlp_body(%arg0: i32, %arg1: memref<2048x64xf32, #tpu.memory_space<vmem>>, %arg2: memref<2048x16xf32, #tpu.memory_space<vmem>>, %arg3: memref<192x64xf32, #tpu.memory_space<vmem>>, %arg4: memref<1x192xf32, #tpu.memory_space<vmem>>, %arg5: memref<1x192xf32, #tpu.memory_space<vmem>>, %arg6: memref<1x192xf32, #tpu.memory_space<vmem>>, %arg7: memref<192x16xf32, #tpu.memory_space<vmem>>, %arg8: memref<1x192xf32, #tpu.memory_space<vmem>>, %arg9: memref<1x192xf32, #tpu.memory_space<vmem>>, %arg10: memref<1x192xf32, #tpu.memory_space<vmem>>, %arg11: memref<384x384xf32, #tpu.memory_space<vmem>>, %arg12: memref<1x384xf32, #tpu.memory_space<vmem>>, %arg13: memref<1x384xf32, #tpu.memory_space<vmem>>, %arg14: memref<1x384xf32, #tpu.memory_space<vmem>>, %arg15: memref<2048x384xf32, #tpu.memory_space<vmem>>) attributes {dimension_semantics = [#tpu.dimension_semantics<arbitrary>], iteration_bounds = array<i64: 8>, scalar_prefetch = 0 : i64, scratch_operands = 0 : i64, tpu.core_type = #tpu.core_type<tc>, window_params = [{transform_indices = @transform_0, window_bounds = array<i64: 2048, 64>}, {transform_indices = @transform_1, window_bounds = array<i64: 2048, 16>}, {pipeline_mode = #tpu.pipeline_mode<synchronous>, transform_indices = @transform_2, window_bounds = array<i64: 192, 64>}, {pipeline_mode = #tpu.pipeline_mode<synchronous>, transform_indices = @transform_3, window_bounds = array<i64: 1, 192>}, {pipeline_mode = #tpu.pipeline_mode<synchronous>, transform_indices = @transform_4, window_bounds = array<i64: 1, 192>}, {pipeline_mode = #tpu.pipeline_mode<synchronous>, transform_indices = @transform_5, window_bounds = array<i64: 1, 192>}, {pipeline_mode = #tpu.pipeline_mode<synchronous>, transform_indices = @transform_6, window_bounds = array<i64: 192, 16>}, {pipeline_mode = #tpu.pipeline_mode<synchronous>, transform_indices = @transform_7, window_bounds = array<i64: 1, 192>}, {pipeline_mode = #tpu.pipeline_mode<synchronous>, transform_indices = @transform_8, window_bounds = array<i64: 1, 192>}, {pipeline_mode = #tpu.pipeline_mode<synchronous>, transform_indices = @transform_9, window_bounds = array<i64: 1, 192>}, {pipeline_mode = #tpu.pipeline_mode<synchronous>, transform_indices = @transform_10, window_bounds = array<i64: 384, 384>}, {pipeline_mode = #tpu.pipeline_mode<synchronous>, transform_indices = @transform_11, window_bounds = array<i64: 1, 384>}, {pipeline_mode = #tpu.pipeline_mode<synchronous>, transform_indices = @transform_12, window_bounds = array<i64: 1, 384>}, {pipeline_mode = #tpu.pipeline_mode<synchronous>, transform_indices = @transform_13, window_bounds = array<i64: 1, 384>}, {transform_indices = @transform_14, window_bounds = array<i64: 2048, 384>}]} {
    %get3A = arith.constant 0 : index
    %get3A_0 = arith.constant 0 : index
    %get3A_1 = vector.load %arg1[%get3A, %get3A_0] : memref<2048x64xf32, #tpu.memory_space<vmem>>, vector<2048x64xf32>
    %get3A_2 = arith.constant 0 : index
    %get3A_3 = arith.constant 0 : index
    %get3A_4 = vector.load %arg3[%get3A_2, %get3A_3] : memref<192x64xf32, #tpu.memory_space<vmem>>, vector<192x64xf32>
    %dot_general3A = arith.constant dense<0.000000e+00> : vector<2048x192xf32>
    %dot_general3A_5 = tpu.matmul %get3A_1, %get3A_4, %dot_general3A {dimension_numbers = #tpu.dot_dimension_numbers<[1], [1], [0], [0], [0, 0, 1, 0], [], []>, transpose_lhs_hint = false} : vector<2048x64xf32>, vector<192x64xf32>, vector<2048x192xf32> -> vector<2048x192xf32>
    %get3A_6 = arith.constant 0 : index
    %get3A_7 = arith.constant 0 : index
    %get3A_8 = vector.load %arg4[%get3A_6, %get3A_7] : memref<1x192xf32, #tpu.memory_space<vmem>>, vector<1x192xf32>
    %add3A = vector.broadcast %get3A_8 : vector<1x192xf32> to vector<2048x192xf32>
    %add3A_9 = arith.addf %dot_general3A_5, %add3A : vector<2048x192xf32>
    %get3A_10 = arith.constant 0 : index
    %get3A_11 = arith.constant 0 : index
    %get3A_12 = vector.load %arg5[%get3A_10, %get3A_11] : memref<1x192xf32, #tpu.memory_space<vmem>>, vector<1x192xf32>
    %get3A_13 = arith.constant 0 : index
    %get3A_14 = arith.constant 0 : index
    %get3A_15 = vector.load %arg6[%get3A_13, %get3A_14] : memref<1x192xf32, #tpu.memory_space<vmem>>, vector<1x192xf32>
    %broadcast_in_dim3A = arith.constant 1.000000e+00 : f32
    %broadcast_in_dim3A_16 = vector.broadcast %broadcast_in_dim3A : f32 to vector<192x1xf32>
    %dot_general3A_17 = arith.constant dense<0.000000e+00> : vector<2048x1xf32>
    %dot_general3A_18 = tpu.matmul %add3A_9, %broadcast_in_dim3A_16, %dot_general3A_17 {dimension_numbers = #tpu.dot_dimension_numbers<[1], [0], [0], [1], [0, 0, 1, 1], [], []>, transpose_lhs_hint = false} : vector<2048x192xf32>, vector<192x1xf32>, vector<2048x1xf32> -> vector<2048x1xf32>
    %mul3A = arith.constant 0.00520833349 : f32
    %mul3A_19 = vector.broadcast %mul3A : f32 to vector<2048x1xf32>
    %mul3A_20 = arith.mulf %dot_general3A_18, %mul3A_19 : vector<2048x1xf32>
    %mul3A_21 = arith.mulf %add3A_9, %add3A_9 : vector<2048x192xf32>
    %dot_general3A_22 = arith.constant dense<0.000000e+00> : vector<2048x1xf32>
    %dot_general3A_23 = tpu.matmul %mul3A_21, %broadcast_in_dim3A_16, %dot_general3A_22 {dimension_numbers = #tpu.dot_dimension_numbers<[1], [0], [0], [1], [0, 0, 1, 1], [], []>, transpose_lhs_hint = false} : vector<2048x192xf32>, vector<192x1xf32>, vector<2048x1xf32> -> vector<2048x1xf32>
    %mul3A_24 = arith.constant 0.00520833349 : f32
    %mul3A_25 = vector.broadcast %mul3A_24 : f32 to vector<2048x1xf32>
    %mul3A_26 = arith.mulf %dot_general3A_23, %mul3A_25 : vector<2048x1xf32>
    %mul3A_27 = arith.mulf %mul3A_20, %mul3A_20 : vector<2048x1xf32>
    %sub3A = arith.subf %mul3A_26, %mul3A_27 : vector<2048x1xf32>
    %sub3A_28 = vector.broadcast %mul3A_20 : vector<2048x1xf32> to vector<2048x192xf32>
    %sub3A_29 = arith.subf %add3A_9, %sub3A_28 : vector<2048x192xf32>
    %add3A_30 = arith.constant 9.99999974E-6 : f32
    %add3A_31 = vector.broadcast %add3A_30 : f32 to vector<2048x1xf32>
    %add3A_32 = arith.addf %sub3A, %add3A_31 : vector<2048x1xf32>
    %rsqrt3A = math.rsqrt %add3A_32 : vector<2048x1xf32>
    %mul3A_33 = vector.broadcast %rsqrt3A : vector<2048x1xf32> to vector<2048x192xf32>
    %mul3A_34 = arith.mulf %sub3A_29, %mul3A_33 : vector<2048x192xf32>
    %mul3A_35 = vector.broadcast %get3A_12 : vector<1x192xf32> to vector<2048x192xf32>
    %mul3A_36 = arith.mulf %mul3A_34, %mul3A_35 : vector<2048x192xf32>
    %add3A_37 = vector.broadcast %get3A_15 : vector<1x192xf32> to vector<2048x192xf32>
    %add3A_38 = arith.addf %mul3A_36, %add3A_37 : vector<2048x192xf32>
    %max3A = arith.constant 0.000000e+00 : f32
    %max3A_39 = vector.broadcast %max3A : f32 to vector<2048x192xf32>
    %max3A_40 = arith.maximumf %add3A_38, %max3A_39 : vector<2048x192xf32>
    %get3A_41 = arith.constant 0 : index
    %get3A_42 = arith.constant 0 : index
    %get3A_43 = vector.load %arg2[%get3A_41, %get3A_42] : memref<2048x16xf32, #tpu.memory_space<vmem>>, vector<2048x16xf32>
    %get3A_44 = arith.constant 0 : index
    %get3A_45 = arith.constant 0 : index
    %get3A_46 = vector.load %arg7[%get3A_44, %get3A_45] : memref<192x16xf32, #tpu.memory_space<vmem>>, vector<192x16xf32>
    %dot_general3A_47 = arith.constant dense<0.000000e+00> : vector<2048x192xf32>
    %dot_general3A_48 = tpu.matmul %get3A_43, %get3A_46, %dot_general3A_47 {dimension_numbers = #tpu.dot_dimension_numbers<[1], [1], [0], [0], [0, 0, 1, 0], [], []>, transpose_lhs_hint = false} : vector<2048x16xf32>, vector<192x16xf32>, vector<2048x192xf32> -> vector<2048x192xf32>
    %get3A_49 = arith.constant 0 : index
    %get3A_50 = arith.constant 0 : index
    %get3A_51 = vector.load %arg8[%get3A_49, %get3A_50] : memref<1x192xf32, #tpu.memory_space<vmem>>, vector<1x192xf32>
    %add3A_52 = vector.broadcast %get3A_51 : vector<1x192xf32> to vector<2048x192xf32>
    %add3A_53 = arith.addf %dot_general3A_48, %add3A_52 : vector<2048x192xf32>
    %get3A_54 = arith.constant 0 : index
    %get3A_55 = arith.constant 0 : index
    %get3A_56 = vector.load %arg9[%get3A_54, %get3A_55] : memref<1x192xf32, #tpu.memory_space<vmem>>, vector<1x192xf32>
    %get3A_57 = arith.constant 0 : index
    %get3A_58 = arith.constant 0 : index
    %get3A_59 = vector.load %arg10[%get3A_57, %get3A_58] : memref<1x192xf32, #tpu.memory_space<vmem>>, vector<1x192xf32>
    %broadcast_in_dim3A_60 = arith.constant 1.000000e+00 : f32
    %broadcast_in_dim3A_61 = vector.broadcast %broadcast_in_dim3A_60 : f32 to vector<192x1xf32>
    %dot_general3A_62 = arith.constant dense<0.000000e+00> : vector<2048x1xf32>
    %dot_general3A_63 = tpu.matmul %add3A_53, %broadcast_in_dim3A_61, %dot_general3A_62 {dimension_numbers = #tpu.dot_dimension_numbers<[1], [0], [0], [1], [0, 0, 1, 1], [], []>, transpose_lhs_hint = false} : vector<2048x192xf32>, vector<192x1xf32>, vector<2048x1xf32> -> vector<2048x1xf32>
    %mul3A_64 = arith.constant 0.00520833349 : f32
    %mul3A_65 = vector.broadcast %mul3A_64 : f32 to vector<2048x1xf32>
    %mul3A_66 = arith.mulf %dot_general3A_63, %mul3A_65 : vector<2048x1xf32>
    %mul3A_67 = arith.mulf %add3A_53, %add3A_53 : vector<2048x192xf32>
    %dot_general3A_68 = arith.constant dense<0.000000e+00> : vector<2048x1xf32>
    %dot_general3A_69 = tpu.matmul %mul3A_67, %broadcast_in_dim3A_61, %dot_general3A_68 {dimension_numbers = #tpu.dot_dimension_numbers<[1], [0], [0], [1], [0, 0, 1, 1], [], []>, transpose_lhs_hint = false} : vector<2048x192xf32>, vector<192x1xf32>, vector<2048x1xf32> -> vector<2048x1xf32>
    %mul3A_70 = arith.constant 0.00520833349 : f32
    %mul3A_71 = vector.broadcast %mul3A_70 : f32 to vector<2048x1xf32>
    %mul3A_72 = arith.mulf %dot_general3A_69, %mul3A_71 : vector<2048x1xf32>
    %mul3A_73 = arith.mulf %mul3A_66, %mul3A_66 : vector<2048x1xf32>
    %sub3A_74 = arith.subf %mul3A_72, %mul3A_73 : vector<2048x1xf32>
    %sub3A_75 = vector.broadcast %mul3A_66 : vector<2048x1xf32> to vector<2048x192xf32>
    %sub3A_76 = arith.subf %add3A_53, %sub3A_75 : vector<2048x192xf32>
    %add3A_77 = arith.constant 9.99999974E-6 : f32
    %add3A_78 = vector.broadcast %add3A_77 : f32 to vector<2048x1xf32>
    %add3A_79 = arith.addf %sub3A_74, %add3A_78 : vector<2048x1xf32>
    %rsqrt3A_80 = math.rsqrt %add3A_79 : vector<2048x1xf32>
    %mul3A_81 = vector.broadcast %rsqrt3A_80 : vector<2048x1xf32> to vector<2048x192xf32>
    %mul3A_82 = arith.mulf %sub3A_76, %mul3A_81 : vector<2048x192xf32>
    %mul3A_83 = vector.broadcast %get3A_56 : vector<1x192xf32> to vector<2048x192xf32>
    %mul3A_84 = arith.mulf %mul3A_82, %mul3A_83 : vector<2048x192xf32>
    %add3A_85 = vector.broadcast %get3A_59 : vector<1x192xf32> to vector<2048x192xf32>
    %add3A_86 = arith.addf %mul3A_84, %add3A_85 : vector<2048x192xf32>
    %max3A_87 = arith.constant 0.000000e+00 : f32
    %max3A_88 = vector.broadcast %max3A_87 : f32 to vector<2048x192xf32>
    %max3A_89 = arith.maximumf %add3A_86, %max3A_88 : vector<2048x192xf32>
    %concatenate3A = tpu.concatenate %max3A_40, %max3A_89 in 1 : vector<2048x192xf32>, vector<2048x192xf32> -> vector<2048x384xf32>
    %get3A_90 = arith.constant 0 : index
    %get3A_91 = arith.constant 0 : index
    %get3A_92 = vector.load %arg11[%get3A_90, %get3A_91] : memref<384x384xf32, #tpu.memory_space<vmem>>, vector<384x384xf32>
    %dot_general3A_93 = arith.constant dense<0.000000e+00> : vector<2048x384xf32>
    %dot_general3A_94 = tpu.matmul %concatenate3A, %get3A_92, %dot_general3A_93 {dimension_numbers = #tpu.dot_dimension_numbers<[1], [1], [0], [0], [0, 0, 1, 0], [], []>, transpose_lhs_hint = false} : vector<2048x384xf32>, vector<384x384xf32>, vector<2048x384xf32> -> vector<2048x384xf32>
    %get3A_95 = arith.constant 0 : index
    %get3A_96 = arith.constant 0 : index
    %get3A_97 = vector.load %arg12[%get3A_95, %get3A_96] : memref<1x384xf32, #tpu.memory_space<vmem>>, vector<1x384xf32>
    %add3A_98 = vector.broadcast %get3A_97 : vector<1x384xf32> to vector<2048x384xf32>
    %add3A_99 = arith.addf %dot_general3A_94, %add3A_98 : vector<2048x384xf32>
    %get3A_100 = arith.constant 0 : index
    %get3A_101 = arith.constant 0 : index
    %get3A_102 = vector.load %arg13[%get3A_100, %get3A_101] : memref<1x384xf32, #tpu.memory_space<vmem>>, vector<1x384xf32>
    %get3A_103 = arith.constant 0 : index
    %get3A_104 = arith.constant 0 : index
    %get3A_105 = vector.load %arg14[%get3A_103, %get3A_104] : memref<1x384xf32, #tpu.memory_space<vmem>>, vector<1x384xf32>
    %broadcast_in_dim3A_106 = arith.constant 1.000000e+00 : f32
    %broadcast_in_dim3A_107 = vector.broadcast %broadcast_in_dim3A_106 : f32 to vector<384x1xf32>
    %dot_general3A_108 = arith.constant dense<0.000000e+00> : vector<2048x1xf32>
    %dot_general3A_109 = tpu.matmul %add3A_99, %broadcast_in_dim3A_107, %dot_general3A_108 {dimension_numbers = #tpu.dot_dimension_numbers<[1], [0], [0], [1], [0, 0, 1, 1], [], []>, transpose_lhs_hint = false} : vector<2048x384xf32>, vector<384x1xf32>, vector<2048x1xf32> -> vector<2048x1xf32>
    %mul3A_110 = arith.constant 0.00260416674 : f32
    %mul3A_111 = vector.broadcast %mul3A_110 : f32 to vector<2048x1xf32>
    %mul3A_112 = arith.mulf %dot_general3A_109, %mul3A_111 : vector<2048x1xf32>
    %mul3A_113 = arith.mulf %add3A_99, %add3A_99 : vector<2048x384xf32>
    %dot_general3A_114 = arith.constant dense<0.000000e+00> : vector<2048x1xf32>
    %dot_general3A_115 = tpu.matmul %mul3A_113, %broadcast_in_dim3A_107, %dot_general3A_114 {dimension_numbers = #tpu.dot_dimension_numbers<[1], [0], [0], [1], [0, 0, 1, 1], [], []>, transpose_lhs_hint = false} : vector<2048x384xf32>, vector<384x1xf32>, vector<2048x1xf32> -> vector<2048x1xf32>
    %mul3A_116 = arith.constant 0.00260416674 : f32
    %mul3A_117 = vector.broadcast %mul3A_116 : f32 to vector<2048x1xf32>
    %mul3A_118 = arith.mulf %dot_general3A_115, %mul3A_117 : vector<2048x1xf32>
    %mul3A_119 = arith.mulf %mul3A_112, %mul3A_112 : vector<2048x1xf32>
    %sub3A_120 = arith.subf %mul3A_118, %mul3A_119 : vector<2048x1xf32>
    %sub3A_121 = vector.broadcast %mul3A_112 : vector<2048x1xf32> to vector<2048x384xf32>
    %sub3A_122 = arith.subf %add3A_99, %sub3A_121 : vector<2048x384xf32>
    %add3A_123 = arith.constant 9.99999974E-6 : f32
    %add3A_124 = vector.broadcast %add3A_123 : f32 to vector<2048x1xf32>
    %add3A_125 = arith.addf %sub3A_120, %add3A_124 : vector<2048x1xf32>
    %rsqrt3A_126 = math.rsqrt %add3A_125 : vector<2048x1xf32>
    %mul3A_127 = vector.broadcast %rsqrt3A_126 : vector<2048x1xf32> to vector<2048x384xf32>
    %mul3A_128 = arith.mulf %sub3A_122, %mul3A_127 : vector<2048x384xf32>
    %mul3A_129 = vector.broadcast %get3A_102 : vector<1x384xf32> to vector<2048x384xf32>
    %mul3A_130 = arith.mulf %mul3A_128, %mul3A_129 : vector<2048x384xf32>
    %add3A_131 = vector.broadcast %get3A_105 : vector<1x384xf32> to vector<2048x384xf32>
    %add3A_132 = arith.addf %mul3A_130, %add3A_131 : vector<2048x384xf32>
    %swap3A = arith.constant 0 : index
    %swap3A_133 = arith.constant 0 : index
    %swap3A_134 = vector.load %arg15[%swap3A, %swap3A_133] : memref<2048x384xf32, #tpu.memory_space<vmem>>, vector<2048x384xf32>
    tpu.vector_store %arg15[%swap3A, %swap3A_133], %add3A_132 {strides = array<i32>} : memref<2048x384xf32, #tpu.memory_space<vmem>>, vector<2048x384xf32>,
    return
  }
  func.func @transform_0(%arg0: i32) -> (i32, i32) {
    %c0_i32 = arith.constant 0 : i32
    %c0_i32_0 = arith.constant 0 : i32
    return %arg0, %c0_i32 : i32, i32
  }
  func.func @transform_1(%arg0: i32) -> (i32, i32) {
    %c0_i32 = arith.constant 0 : i32
    %c0_i32_0 = arith.constant 0 : i32
    return %arg0, %c0_i32 : i32, i32
  }
  func.func @transform_2(%arg0: i32) -> (i32, i32) {
    %c0_i32 = arith.constant 0 : i32
    %c0_i32_0 = arith.constant 0 : i32
    %c0_i32_1 = arith.constant 0 : i32
    return %c0_i32, %c0_i32_0 : i32, i32
  }
  func.func @transform_3(%arg0: i32) -> (i32, i32) {
    %c0_i32 = arith.constant 0 : i32
    %c0_i32_0 = arith.constant 0 : i32
    %c0_i32_1 = arith.constant 0 : i32
    return %c0_i32, %c0_i32_0 : i32, i32
  }
  func.func @transform_4(%arg0: i32) -> (i32, i32) {
    %c0_i32 = arith.constant 0 : i32
    %c0_i32_0 = arith.constant 0 : i32
    %c0_i32_1 = arith.constant 0 : i32
    return %c0_i32, %c0_i32_0 : i32, i32
  }
  func.func @transform_5(%arg0: i32) -> (i32, i32) {
    %c0_i32 = arith.constant 0 : i32
    %c0_i32_0 = arith.constant 0 : i32
    %c0_i32_1 = arith.constant 0 : i32
    return %c0_i32, %c0_i32_0 : i32, i32
  }
  func.func @transform_6(%arg0: i32) -> (i32, i32) {
    %c0_i32 = arith.constant 0 : i32
    %c0_i32_0 = arith.constant 0 : i32
    %c0_i32_1 = arith.constant 0 : i32
    return %c0_i32, %c0_i32_0 : i32, i32
  }
  func.func @transform_7(%arg0: i32) -> (i32, i32) {
    %c0_i32 = arith.constant 0 : i32
    %c0_i32_0 = arith.constant 0 : i32
    %c0_i32_1 = arith.constant 0 : i32
    return %c0_i32, %c0_i32_0 : i32, i32
  }
  func.func @transform_8(%arg0: i32) -> (i32, i32) {
    %c0_i32 = arith.constant 0 : i32
    %c0_i32_0 = arith.constant 0 : i32
    %c0_i32_1 = arith.constant 0 : i32
    return %c0_i32, %c0_i32_0 : i32, i32
  }
  func.func @transform_9(%arg0: i32) -> (i32, i32) {
    %c0_i32 = arith.constant 0 : i32
    %c0_i32_0 = arith.constant 0 : i32
    %c0_i32_1 = arith.constant 0 : i32
    return %c0_i32, %c0_i32_0 : i32, i32
  }
  func.func @transform_10(%arg0: i32) -> (i32, i32) {
    %c0_i32 = arith.constant 0 : i32
    %c0_i32_0 = arith.constant 0 : i32
    %c0_i32_1 = arith.constant 0 : i32
    return %c0_i32, %c0_i32_0 : i32, i32
  }
  func.func @transform_11(%arg0: i32) -> (i32, i32) {
    %c0_i32 = arith.constant 0 : i32
    %c0_i32_0 = arith.constant 0 : i32
    %c0_i32_1 = arith.constant 0 : i32
    return %c0_i32, %c0_i32_0 : i32, i32
  }
  func.func @transform_12(%arg0: i32) -> (i32, i32) {
    %c0_i32 = arith.constant 0 : i32
    %c0_i32_0 = arith.constant 0 : i32
    %c0_i32_1 = arith.constant 0 : i32
    return %c0_i32, %c0_i32_0 : i32, i32
  }
  func.func @transform_13(%arg0: i32) -> (i32, i32) {
    %c0_i32 = arith.constant 0 : i32
    %c0_i32_0 = arith.constant 0 : i32
    %c0_i32_1 = arith.constant 0 : i32
    return %c0_i32, %c0_i32_0 : i32, i32
  }
  func.func @transform_14(%arg0: i32) -> (i32, i32) {
    %c0_i32 = arith.constant 0 : i32
    %c0_i32_0 = arith.constant 0 : i32
    return %arg0, %c0_i32 : i32, i32
  }
}

</mosaic_0001>

<sc_bundles>
// kernel: kernel.4.cloned.1.call-start
scs
__scs_entry_jumppad:
0x0: {  	(pc) =	sbr.rel $0x88, $3  }
0x1: {  	(tag) =	ssettag $0x0;
	lr =	simm.s32 $0x1  }
0x2: {  	[smem:$0x3F92] =	sst lr;
	_ =	strace $0xD0000000  }
0x3: {  	_ = 	snop  }
0x4: {  	_ = 	snop  }
0x5: {  	_ = 	snop  }
0x6: {  	_ = 	snop  }
0x7: {  	_ = 	snop  }
__scs_overlays_trampoline_lowered:
0x8: {  	[smem:$0x3FA1] =	sst s0  }
0x9: {  	[smem:$0x3FA2] =	sst s1  }
0xa: {  	[smem:$0x3FA3] =	sst s2  }
0xb: {  	[smem:$0x3FA4] =	sst s3  }
0xc: {  	[smem:$0x3FA5] =	sst s4  }
0xd: {  	[smem:$0x3FA6] =	sst s5  }
0xe: {  	[smem:$0x3FA7] =	sst s6  }
0xf: {  	[smem:$0x3FA8] =	sst s7  }
0x10: {  	[smem:$0x3FA9] =	sst s8  }
0x11: {  	[smem:$0x3FAA] =	sst s9;
	s0 =	simm.s32 @!p0 $0x0  }
0x12: {  	s1 =	sld [smem:$0x3F90];
	s0 =	simm.s32 @p0 $0x1  }
0x13: {  	[smem:$0x3FAB] =	sst s0;
	s0 =	simm.s32 @!p1 $0x0  }
0x14: {  	s2 =	sld [smem:$0x3F8F];
	s0 =	simm.s32 @p1 $0x1  }
0x15: {  	[smem:$0x3FAC] =	sst s0;
	s0 =	simm.s32 @!p2 $0x0  }
0x16: {  	s3 =	sld [smem:$0x3FDB];
	s0 =	simm.s32 @p2 $0x1  }
0x17: {  	s4 =	simm.s32 $0x1BF5;
	[smem:$0x3FAE] =	sst s0  }
0x18: {  	s0 =	sld [smem:$0x3F91];
	_ =	swait.ge [sflag:s4], $0x0  }
0x19: {  	s7 =	sld [smem:$0x3F92]  }
0x1a: {  	s8 =	sadd.s32 $0xFFFFE003, lr  }
0x1b: {  	s9 =	sadd.s32 $0xFFFFFEF7, lr;
	s5 =	simm.s32 $0xFFFFFFFF;
	p2 =	slt.u32 s8, $0xFFFFF086  }
0x1c: {  	p1 =	slt.u32 s9, $0xF7A;
	s5 =	simm.s32 @!p2 $0x0  }
0x1d: {  	s5 =	simm.s32 @p1 $0x1;
	p0 =	seq.s32 s7, s2  }
0x1e: {  	s7 =	smul.u32 @!p0 $0xF7A, s2;
	p2 =	seq.s32 @!p0 s5, $0x0  }
0x1f: {  	s9 =	smul.u32 $0xF7A, s1;
	s8 =	simm.s32 @!p0 $0x1BF5;
	p2 =	por !p2, p0  }
0x20: {  	[sflag:s8] =	ssyncset.s32 @!p0 $0xFFFFF086;
	s6 =	sadd.s32 @!p0 s3, s7;
	s7 =	simm.s32 @!p0 $0x108  }
0x21: {  	s3 =	sadd.s32 s3, s9;
	s6 =	sadd.s32 @!p0 $0x88, s6;
	s7 =	simm.s32 @p2 $0x1082  }
0x22: {  	[simem:s7], [sflag:s8] =	dma.local @!p0 [hbm:s6], $0xF7A  }
0x23: {  	s9 =	sor.u32 $0xD0000000, s2;
	s6 =	simm.s32 $0x108;
	_ =	swait.ge @!p0 [sflag:s8], $0x0  }
0x24: {  	s3 =	sadd.s32 $0x88, s3;
	s6 =	simm.s32 @!p1 $0x1082;
	[sflag:s4] =	ssyncset.s32 $0xFFFFF086  }
0x25: {  	[simem:s6], [sflag:s4] =	dma.local [hbm:s3], $0xF7A  }
0x26: {  	[smem:$0x3F92] =	sst s1;
	(tag) =	ssettag s2;
	_ =	strace s9  }
0x27: {  	s1 =	sld [smem:$0x3FA2]  }
0x28: {  	s2 =	sld [smem:$0x3FA3]  }
0x29: {  	s4 =	sld [smem:$0x3FA5]  }
0x2a: {  	p0 =	seq.s32 s5, $0x0;
	s5 =	sld [smem:$0x3FA6]  }
0x2b: {  	s6 =	sld [smem:$0x3FA7]  }
0x2c: {  	s7 =	sld [smem:$0x3FA8]  }
0x2d: {  	s3 =	simm.s32 $0x108;
	s8 =	sld [smem:$0x3FA9]  }
0x2e: {  	s3 =	simm.s32 @!p0 $0x1082;
	s9 =	sld [smem:$0x3FAA]  }
0x2f: {  	lr =	sadd.s32 s0, s3;
	s0 =	sld [smem:$0x3FA1]  }
0x30: {  	s3 =	sld [smem:$0x3FA4]  }
0x31: {  	[smem:$0x3FAD] =	sst s10  }
0x32: {  	s10 =	sld [smem:$0x3FAB];
	_ =	sdelay $0x3  }
0x33: {  	p0 =	seq.s32 s10, $0x1;
	s10 =	sld [smem:$0x3FAD];
	_ =	sdelay $0x3  }
0x34: {  	[smem:$0x3FAD] =	sst s10  }
0x35: {  	s10 =	sld [smem:$0x3FAC];
	_ =	sdelay $0x3  }
0x36: {  	p1 =	seq.s32 s10, $0x1;
	s10 =	sld [smem:$0x3FAD];
	_ =	sdelay $0x3  }
0x37: {  	[smem:$0x3FAD] =	sst s10  }
0x38: {  	s10 =	sld [smem:$0x3FAE]  }
0x39: {  	_ = 	snop;
	(pc) =	sbr.ind lr, $3  }
0x3a: {  	_ = 	snop  }
0x3b: {  	_ = 	snop  }
0x3c: {  	p2 =	seq.s32 s10, $0x1;
	s10 =	sld [smem:$0x3FAD]  }
0x3d: {  	_ =	shalt  }
0x3e: {  	_ =	shalt  }
0x3f: {  	_ =	shalt  }
0x40: {  	_ =	shalt  }
0x41: {  	_ =	shalt  }
0x42: {  	_ =	shalt  }
0x43: {  	_ =	shalt  }
0x44: {  	_ =	shalt  }
0x45: {  	_ =	shalt  }
0x46: {  	_ =	shalt  }
0x47: {  	_ =	shalt  }
0x48: {  	_ =	shalt  }
0x49: {  	_ =	shalt  }
0x4a: {  	_ =	shalt  }
0x4b: {  	_ =	shalt  }
0x4c: {  	_ =	shalt  }
0x4d: {  	_ =	shalt  }
0x4e: {  	_ =	shalt  }
0x4f: {  	_ =	shalt  }
0x50: {  	_ =	shalt  }
0x51: {  	_ =	shalt  }
0x52: {  	_ =	shalt  }
0x53: {  	_ =	shalt  }
0x54: {  	_ =	shalt  }
0x55: {  	_ =	shalt  }
0x56: {  	_ =	shalt  }
0x57: {  	_ =	shalt  }
0x58: {  	_ =	shalt  }
0x59: {  	_ =	shalt  }
0x5a: {  	_ =	shalt  }
0x5b: {  	_ =	shalt  }
0x5c: {  	_ =	shalt  }
0x5d: {  	_ =	shalt  }
0x5e: {  	_ =	shalt  }
0x5f: {  	_ =	shalt  }
0x60: {  	_ =	shalt  }
0x61: {  	_ =	shalt  }
0x62: {  	_ =	shalt  }
0x63: {  	_ =	shalt  }
0x64: {  	_ =	shalt  }
0x65: {  	_ =	shalt  }
0x66: {  	_ =	shalt  }
0x67: {  	_ =	shalt  }
0x68: {  	_ =	shalt  }
0x69: {  	_ =	shalt  }
0x6a: {  	_ =	shalt  }
0x6b: {  	_ =	shalt  }
0x6c: {  	_ =	shalt  }
0x6d: {  	_ =	shalt  }
0x6e: {  	_ =	shalt  }
0x6f: {  	_ =	shalt  }
0x70: {  	_ =	shalt  }
0x71: {  	_ =	shalt  }
0x72: {  	_ =	shalt  }
0x73: {  	_ =	shalt  }
0x74: {  	_ =	shalt  }
0x75: {  	_ =	shalt  }
0x76: {  	_ =	shalt  }
0x77: {  	_ =	shalt  }
0x78: {  	_ =	shalt  }
0x79: {  	_ =	shalt  }
0x7a: {  	_ =	shalt  }
0x7b: {  	_ =	shalt  }
0x7c: {  	_ =	shalt  }
0x7d: {  	_ =	shalt  }
0x7e: {  	_ =	shalt  }
0x7f: {  	_ =	shalt  }
0x80: {  	_ =	shalt  }
0x81: {  	_ =	shalt  }
0x82: {  	_ =	shalt  }
0x83: {  	_ =	shalt  }
0x84: {  	_ =	shalt  }
0x85: {  	_ =	shalt  }
0x86: {  	_ =	shalt  }
0x87: {  	_ =	shalt  }
.Lfunc_end0:
.L_simem_size_0:
called_computation_lowered:
.L_overlay_start_0:
0x88: {  	s2 =	sld [smem:$0x3FD9]  }
0x89: {  	s3 =	sld [smem:$0x3FFE];
	_ =	sdelay $0x1  }
0x8a: {  	s1 =	srdreg.scid  }
0x8b: {  	s0 =	sand.u32 $0x1, s1  }
0x8c: {  	s17 =	sshll.u32 s0, $0xA;
	s2 =	sadd.s32 s3, s2  }
0x8d: {  	s2 =	sadd.s32 s2, s17  }
0x8e: {  	[smem:$0x3FB9] =	sst s2  }
0x8f: {  	_ = 	snop  }
0x90: {  	s2 =	sld [smem:$0x3FD0];
	(tm) =	ssettm $0x1  }
0x91: {  	s18 =	sld [smem:$0x3FFB];
	_ =	sdelay $0x3  }
0x92: {  	_ =	strace s18  }
0x93: {  	s3 =	sld [smem:$0x3FFC];
	_ =	sdelay $0x3  }
0x94: {  	_ =	strace s3  }
0x95: {  	s3 =	sld [smem:$0x3FFD];
	_ =	sdelay $0x3  }
0x96: {  	_ =	strace s3  }
0x97: {  	_ =	strace $0x8FFFFFFF  }
0x98: {  	s19 =	sld [smem:$0x3FDB];
	_ =	sdelay $0x1  }
0x99: {  	s4 =	simm.s32 $_scs_section_size  }
0x9a: {  	s5 =	simm.s32 $_size__tile_overlayer_lowered;
	s6 =	simm.s32 $_tile_overlayer_lowered  }
0x9b: {  	s22 =	simm.s32 $0x1BFF;
	s21 =	sshll.u32 s6, $0x1;
	s3 =	sadd.s32 s4, s19  }
0x9c: {  	s7 =	simm.s32 $0x0;
	s20 =	sshll.u32 s5, $0x1;
	s5 =	sadd.s32 s21, s3  }
0x9d: {  	[timem:s7], [sflag:s22] =	dma.local [hbm:s5], s20  }
0x9e: {  	_ =	swait.ge [sflag:s22], s20  }
0x9f: {  	s4 =	ssub.s32 $0x0, s20;
	[sflag:s22] =	ssyncset.done $0x0  }
0xa0: {  	[sflag:s22] =	ssyncadd.s32 s4;
	_ =	sdelay $0x1  }
0xa1: {  	s23 =	simm.s32 $0x1B8B  }
0xa2: {  	_ =	swait.ge [sflag:s23], $0x1  }
0xa3: {  	[sflag:s23] =	ssyncset.done $0x0  }
0xa4: {  	s25 =	simm.s32 $0x1B8E;
	s24 =	sld [smem:$0x3FFE];
	[sflag:s23] =	ssyncadd.s32 $0xFFFFFFFF  }
0xa5: {  	s26 =	simm.s32 $execute0_lowered;
	[smem:$0x3FD2] =	sst s25  }
0xa6: {  	s5 =	sshll.u32 s26, $0x1;
	_ =	strace $0x80000046;
	[dreg:$0x1] =	wrdreg $0xFFFFFFFF  }
0xa7: {  	s28 =	simm.s32 $_size_execute0_lowered;
	s3 =	sadd.s32 s3, s5;
	[dreg:$0x0] =	wrdreg $0x0  }
0xa8: {  	s5 =	sshll.u32 s28, $0x1;
	[dreg:$0x2] =	wrdreg s3  }
0xa9: {  	[dreg:$0x3] =	wrdreg s5  }
0xaa: {  	[dreg:$0x4] =	wrdreg $0xC0  }
0xab: {  	_ =	task [dreg:s7], $0x5FFFF  }
0xac: {  	[dreg:$0x1] =	wrdreg $0xFFFFFFFF  }
0xad: {  	[dreg:$0x0] =	wrdreg $0x60  }
0xae: {  	[dreg:$0x2] =	wrdreg s2  }
0xaf: {  	[dreg:$0x3] =	wrdreg s24  }
0xb0: {  	[dreg:$0x4] =	wrdreg $0x9  }
0xb1: {  	_ =	task.clear_ibuf [dreg:s7], $0x5FFFF;
	_ =	strace $0x90000046  }
0xb2: {  	s29 =	simm.s32 $0x9;
	_ =	strace $0x80000048  }
0xb3: {  	_ =	swait.ge [sflag:s29], $0x1  }
0xb4: {  	[sflag:s29] =	ssyncadd.s32 $0xFFFFFFFF  }
0xb5: {  	_ =	strace $0x90000048  }
0xb6: {  	_ =	sfence  }
0xb7: {  	s30 =	sld [smem:$0x0];
	_ =	sdelay $0x2  }
0xb8: {  	s31 =	sshll.u32 s1, $0xD;
	s1 =	sshrl.u32 s1, $0x2  }
0xb9: {  	s3 =	sand.u32 $0x4000, s31;
	s1 =	sadd.s32 s1, s30  }
0xba: {  	s0 =	sor.u32 s3, s0;
	s1 =	sshll.u32 s1, $0x11  }
0xbb: {  	s0 =	sor.u32 s1, s0  }
0xbc: {  	s0 =	sadd.s32 $0x8F2B, s0  }
0xbd: {  	[sflag:s0] =	ssyncadd.remote.s32 $0x1  }
0xbe: {  	_ =	sfence.sel $0xFFFF  }
0xbf: {  	[dreg:$0x0] =	wrdreg $0xFFFFFFFF;
	(pc) =	sbr.abs _section_cstart, $3  }
0xc0: {  	[dreg:$0x1] =	wrdreg $0xFFFFFFFF  }
0xc1: {  	_ =	task.clear_ibuf [dreg:s7], $0x2FFFF;
	_ =	strace $0x9FFFFFFF  }
0xc2: {  	(tm) =	ssettm $0x7FFFFFFF  }
0xc3: {  	_ =	shalt  }
tec
execute0_lowered:
.L_overlay_start_1:
0x0: {  	(tag) =	ssettag $0x1  }
0x1: {  	s1 =	rddreg [dreg:$0x0]  }
0x2: {  	s4 =	rddreg [dreg:$0x1];
	s2 =	simm.s32 $0x0;
	v0 =	vlaneseq.u32  }
0x3: {  	[smem:$0x7FF] =	sst s2;
	v9 =	vor.u32 $0xA0, v0  }
0x4: {  	s0 =	rddreg [dreg:$0x2];
	v11 =	vor.u32 $0xD0, v0;
	_ =	strace $0x80000047;
	[tilespmem:$0x1FF10] =	vst v9  }
0x5: {  	v63 =	vor.u32 $0x90, v0;
	[tilespmem:$0x1FF20] =	vst v11  }
0x6: {  	v10 =	vor.u32 $0xC0, v0;
	[tilespmem:$0x1FF30] =	vst v63  }
0x7: {  	v8 =	vor.u32 $0x80, v0;
	[tilespmem:$0x1FF40] =	vst v10  }
0x8: {  	v4 =	vor.u32 $0x40, v0;
	[tilespmem:$0x1FF50] =	vst v8  }
0x9: {  	v1 =	vor.u32 $0x10, v0;
	[tilespmem:$0x1FF60] =	vst v4  }
0xa: {  	v2 =	vor.u32 $0x20, v0;
	[tilespmem:$0x1FF70] =	vst v1  }
0xb: {  	v5 =	vor.u32 $0x50, v0;
	[tilespmem:$0x1FF80] =	vst v2  }
0xc: {  	v6 =	vor.u32 $0x60, v0;
	[tilespmem:$0x1FF90] =	vst v5  }
0xd: {  	s3 =	srdreg.scid;
	v7 =	vor.u32 $0x70, v0;
	[tilespmem:$0x1FFA0] =	vst v6  }
0xe: {  	s9 =	simm.s32 $0x2000;
	s10 =	simm.s32 $0x4000;
	s6 =	sand.u32 $0x1, s3;
	v12 =	vadd.s32 $0xE4, v0;
	[tilespmem:$0x1FFB0] =	vst v7  }
0xf: {  	s11 =	simm.s32 $0x0;
	v3 =	vor.u32 $0x30, v0;
	s3 =	sadd.s32 $0x2200, s4;
	s7 =	ssub.s32 $0x2, s6;
	[tilespmem:$0x1FFE0] =	vst v12  }
0x10: {  	s5 =	sadd.s32 $0x82200, s4;
	s4 =	stileid.u32;
	v16 =	vmul.u32 $0xFFFFFFFF, v0;
	v9 =	vor.u32 $0xB0, v0;
	[tilespmem:$0x1FFF0] =	vst v3;
	s8 =	sshrl.u32 s7, $0x1  }
0x11: {  	s31 =	sshll.u32 s4, $0xA;
	s6 =	sshll.u32 s6, $0x9;
	v11 =	vor.u32 $0xE0, v0;
	[tilespmem:$0x1FFC0] =	vst v9;
	s7 =	ssub.s32 s7, s8  }
0x12: {  	vm0 =	vmmov $0xfff;
	s6 =	sor.u32 s6, s31;
	v16 =	vadd.s32 $0xF, v16;
	[tilespmem:$0x1FFD0] =	vst v11;
	s8 =	simm.s32 $0x1;
	s7 =	smax.u32 s7, $0x1  }
.LBB2_1:
0x13: {  	v60 =	vld [tilespmem:$0x1FF10]  }
0x14: {  	s12 =	simm.s32 $0x0;
	v14 =	vld [tilespmem:$0x1FF20]  }
.LBB2_2:
0x15: {  	s13 =	sshll.u32 s12, $0x5  }
0x16: {  	s13 =	sadd.s32 s6, s13  }
0x17: {  	s14 =	sshll.u32 s13, $0x5  }
0x18: {  	s16 =	simm.s32 $0x0;
	s15 =	sadd.s32 s1, s14  }
0x19: {  	[tilespmem:s16], [sflag:$0x1] =	stream.linear.gather [hbm4b:s15+s16], $0x2000, $0x38;
	[tilespmem:$0x5000] =	vst v63  }
0x1a: {  	_ =	swait.ge [sflag:s8], $0x2000  }
0x1b: {  	[sflag:s8] =	ssyncset.done $0x0  }
0x1c: {  	s14 =	sadd.s32 s3, s14;
	[sflag:s8] =	ssyncadd.s32 $0xFFFFE000  }
0x1d: {  	[tilespmem:s9], [sflag:$0x1] =	stream.linear.gather [hbm4b:s14+s16], $0x2000, $0x38;
	[tilespmem:$0x5000] =	vst v63  }
0x1e: {  	s22 =	simm.s32 $0x80;
	s21 =	sand.u32 $0x1800, s16;
	_ =	swait.ge [sflag:s8], $0x2000  }
0x1f: {  	s15 =	sand.u32 $0x380, s22;
	s14 =	sor.u32 $0x2000, s21;
	[sflag:s8] =	ssyncset.done $0x0  }
0x20: {  	s15 =	sor.u32 s15, s14;
	[sflag:s8] =	ssyncadd.s32 $0xFFFFE000  }
0x21: {  	v17 =	vld [tilespmem:s15+$0x0]  }
0x22: {  	v18 =	vld [tilespmem:s15+$0x10]  }
0x23: {  	v19 =	vld [tilespmem:s15+$0x20]  }
0x24: {  	v20 =	vld [tilespmem:s15+$0x40]  }
0x25: {  	v21 =	vld [tilespmem:s15+$0x400]  }
0x26: {  	v22 =	vld [tilespmem:s15+$0x30]  }
0x27: {  	v23 =	vld [tilespmem:s15+$0x50];
	v17 =	vand.u32 $0x7FFFFFFF, v17  }
0x28: {  	v24 =	vld [tilespmem:s15+$0x410];
	v18 =	vand.u32 $0x7FFFFFFF, v18;
	(xrf1) =	vsort.dscd.msk.f32 $0xffff, v17, v0  }
0x29: {  	v17 =	vand.u32 $0x7FFFFFFF, v19;
	v19 =	vld [tilespmem:s15+$0x70];
	(xrf1) =	vsort.dscd.msk.f32 $0xffff, v18, v1  }
0x2a: {  	s17 =	sand.u32 $0x300, s16;
	v18 =	vand.u32 $0x7FFFFFFF, v20;
	v20 =	vld [tilespmem:s15+$0x430];
	(xrf1) =	vsort.dscd.msk.f32 $0xffff, v17, v2  }
0x2b: {  	s14 =	sor.u32 s17, s14;
	v17 =	vand.u32 $0x7FFFFFFF, v22;
	v22 =	vld [tilespmem:s15+$0x464];
	(xrf1) =	vsort.dscd.msk.f32 $0xffff, v18, v4  }
0x2c: {  	v23 =	vand.u32 $0x7FFFFFFF, v23;
	v18 =	vld [tilespmem:s14+$0x464];
	(xrf1) =	vsort.dscd.msk.f32 $0xffff, v17, v3  }
0x2d: {  	v24 =	vand.u32 $0x7FFFFFFF, v24;
	v17 =	vld [tilespmem:s15+$0x60];
	(xrf1) =	vsort.dscd.msk.f32 $0xffff, v23, v5  }
0x2e: {  	v19 =	vand.u32 $0x7FFFFFFF, v19;
	v23 =	vld [tilespmem:s15+$0x420];
	(xrf1) =	vsort.dscd.msk.f32 $0xffff, v24, v63  }
0x2f: {  	v20 =	vand.u32 $0x7FFFFFFF, v20;
	(xrf1) =	vsort.dscd.msk.f32 $0xffff, v19, v7;
	v19 =	vld [tilespmem:s14+$0x70]  }
0x30: {  	v21 =	vand.u32 $0x7FFFFFFF, v21;
	v22 =	vand.u32 $0x7FFFFFFF, v22;
	(xrf1) =	vsort.dscd.msk.f32 $0xffff, v20, v9;
	v20 =	vld [tilespmem:s14+$0x430]  }
0x31: {  	v22 =	vsel vm0, $0xBF800000, v22;
	(xrf1) =	vsort.dscd.msk.f32 $0xffff, v21, v8;
	v21 =	vld [tilespmem:s14+$0x450]  }
0x32: {  	v18 =	vand.u32 $0x7FFFFFFF, v18;
	v17 =	vand.u32 $0x7FFFFFFF, v17;
	(xrf1) =	vsort.dscd.msk.f32 $0xffff, v22, v12;
	v22 =	vld [tilespmem:s14+$0x460]  }
0x33: {  	v23 =	vand.u32 $0x7FFFFFFF, v23;
	(xrf1) =	vsort.dscd.msk.f32 $0xffff, v17, v6;
	v17 =	vsel vm0, $0xBF800000, v18;
	v18 =	vld [tilespmem:s14+$0x30]  }
0x34: {  	(xrf1) =	vsort.dscd.msk.f32 $0xffff, v23, v60;
	v23 =	vld [tilespmem:s14+$0x50];
	v19 =	vand.u32 $0x7FFFFFFF, v19  }
0x35: {  	(xrf1) =	vsort.dscd.msk.f32 $0xffff, v17, v12;
	v20 =	vand.u32 $0x7FFFFFFF, v20  }
0x36: {  	v17 =	vld [tilespmem:s14+$0x60];
	(xrf1) =	vsort.dscd.msk.f32 $0xffff, v19, v7  }
0x37: {  	v21 =	vand.u32 $0x7FFFFFFF, v21;
	v19, v24, _ =	vpop (xrf1);
	(xrf1) =	vsort.dscd.msk.f32 $0xffff, v20, v9  }
0x38: {  	v25 =	vld [tilespmem:s15+$0x460];
	v22 =	vand.u32 $0x7FFFFFFF, v22;
	v20, v26, _ =	vpop (xrf1);
	(xrf1) =	vsort.dscd.msk.f32 $0xffff, v21, v14  }
0x39: {  	v18 =	vand.u32 $0x7FFFFFFF, v18;
	v28, v29, _ =	vpop (xrf1);
	(xrf1) =	vsort.dscd.msk.f32 $0xffff, v22, v11;
	v22 =	vand.u32 $0x7FFFFFFF, v23;
	v23 =	vld [tilespmem:s15+$0x440]  }
0x3a: {  	v27 =	vld [tilespmem:s14+$0x410]  }
0x3b: {  	v21 =	vld [tilespmem:s14+$0x420];
	v33, v34, _ =	vpop (xrf1);
	v17 =	vand.u32 $0x7FFFFFFF, v17  }
0x3c: {  	(xrf1) =	vsort.dscd.msk.f32 $0xffff, v18, v3;
	v18, v30, _ =	vpop (xrf1)  }
0x3d: {  	v31 =	vld [tilespmem:s15+$0x450];
	(xrf1) =	vsort.dscd.msk.f32 $0xffff, v22, v5;
	v22, v32, _ =	vpop (xrf1)  }
0x3e: {  	v25 =	vand.u32 $0x7FFFFFFF, v25;
	(xrf1) =	vsort.dscd.msk.f32 $0xffff, v17, v6;
	v17, v59, _ =	vpop (xrf1);
	v23 =	vand.u32 $0x7FFFFFFF, v23  }
0x3f: {  	v27 =	vand.u32 $0x7FFFFFFF, v27;
	v20 =	vperm.xlane v20, v16;
	(xrf1) =	vsort.dscd.msk.f32 $0xffff, v25, v11;
	v61, v37, _ =	vpop (xrf1)  }
0x40: {  	v21 =	vand.u32 $0x7FFFFFFF, v21;
	v38 =	vperm.xlane v22, v16;
	v39 =	vperm.xlane v17, v16;
	(xrf1) =	vsort.dscd.msk.f32 $0xffff, v27, v63;
	v17, v22, _ =	vpop (xrf1)  }
0x41: {  	v26 =	vperm.xlane v26, v16;
	v30 =	vperm.xlane v30, v16;
	(xrf1) =	vsort.dscd.msk.f32 $0xffff, v21, v60;
	v40, v41, _ =	vpop (xrf1)  }
0x42: {  	v18 =	vperm.xlane v18, v16;
	v21 =	vand.u32 $0x7FFFFFFF, v31;
	v62 =	vperm.xlane v22, v16;
	(xrf1) =	vsort.dscd.msk.f32 $0xffff, v23, v10;
	v22, v23, _ =	vpop (xrf1)  }
0x43: {  	vm3 =	vge.f32 v19, v20;
	v35 =	vperm.xlane v32, v16;
	v36 =	vperm.xlane v59, v16;
	v31, v43, _ =	vpop (xrf1)  }
0x44: {  	vm4 =	vge.f32 v28, v18;
	v25 =	vperm.xlane v37, v16;
	v27 =	vperm.xlane v61, v16;
	v44, v45, _ =	vpop (xrf1)  }
0x45: {  	vm2 =	vge.f32 v33, v38;
	v50 =	vsel vm4, v29, v30;
	v51 =	vsel vm4, v18, v28;
	v46, v47, _ =	vpop (xrf1)  }
0x46: {  	(xrf1) =	vsort.dscd.msk.f32 $0xffff, v21, v14;
	v32 =	vperm.xlane v22, v16;
	v22 =	vsel vm3, v19, v20;
	v48, v21, _ =	vpop (xrf1)  }
0x47: {  	v17 =	vperm.xlane v17, v16;
	v42 =	vperm.xlane v23, v16;
	v23 =	vsel vm3, v24, v26;
	v49, v13, _ =	vpop (xrf1)  }
0x48: {  	v59 =	vsel vm2, v34, v35;
	v19 =	vsel vm3, v20, v19;
	v24 =	vsel vm3, v26, v24;
	[tilespmem:$0x1FB20] =	vst v13  }
0x49: {  	v26 =	vsel vm4, v28, v18;
	vm5 =	vge.f32 v31, v27;
	(xrf1) =	vsort.dscd.msk.f32 $0xffff, v22, v23  }
0x4a: {  	vm6 =	vge.f32 v44, v17;
	v63 =	vsel vm5, v31, v27;
	v23, v22, _ =	vpop (xrf1);
	(xrf1) =	vsort.dscd.msk.f32 $0xffff, v19, v24  }
0x4b: {  	v52 =	vsel vm5, v43, v25;
	v19 =	vsel vm4, v30, v29;
	v29, v28, _ =	vpop (xrf1);
	(xrf1) =	vsort.dscd.msk.f32 $0xffff, v26, v50  }
0x4c: {  	v31 =	vsel vm5, v27, v31;
	v43 =	vsel vm5, v25, v43;
	v24, v53, _ =	vpop (xrf1);
	(xrf1) =	vsort.dscd.msk.f32 $0xffff, v51, v19  }
0x4d: {  	v55 =	vsel vm6, v44, v17;
	v56 =	vsel vm6, v45, v62;
	v26, v54, _ =	vpop (xrf1);
	(xrf1) =	vsort.dscd.msk.f32 $0xffff, v63, v52  }
0x4e: {  	v30 =	vsel vm2, v33, v38;
	v27, v25, _ =	vpop (xrf1);
	(xrf1) =	vsort.dscd.msk.f32 $0xffff, v31, v43;
	v31 =	vsel vm6, v62, v45  }
0x4f: {  	v34 =	vsel vm2, v35, v34;
	v17 =	vsel vm6, v17, v44;
	v58, v57, _ =	vpop (xrf1);
	(xrf1) =	vsort.dscd.msk.f32 $0xffff, v55, v56  }
0x50: {  	v33 =	vsel vm2, v38, v33;
	[tilespmem:$0x1FB30] =	vst v53;
	vm3 =	vge.f32 v58, v32;
	(xrf1) =	vsort.dscd.msk.f32 $0xffff, v17, v31  }
0x51: {  	[tilespmem:$0x1FB40] =	vst v54;
	v62 =	vsel vm3, v58, v32;
	v63 =	vsel vm3, v57, v42;
	(xrf1) =	vsort.dscd.msk.f32 $0xffff, v30, v59;
	v31, v13, _ =	vpop (xrf1)  }
0x52: {  	v61 =	vld [tilespmem:s14+$0x440];
	v37 =	vsel vm3, v32, v58;
	v42 =	vsel vm3, v42, v57;
	(xrf1) =	vsort.dscd.msk.f32 $0xffff, v62, v63;
	v32, v30, _ =	vpop (xrf1)  }
0x53: {  	vm1 =	vge.f32 v40, v39;
	v53 =	vld [tilespmem:s14+$0x10];
	(xrf1) =	vsort.dscd.msk.f32 $0xffff, v37, v42;
	v35, v55, _ =	vpop (xrf1)  }
0x54: {  	v21 =	vperm.xlane v21, v16;
	v54 =	vld [tilespmem:s14+$0x20];
	v56 =	vsel vm1, v40, v39;
	(xrf1) =	vsort.dscd.msk.f32 $0xffff, v33, v34;
	v33, v34, _ =	vpop (xrf1)  }
0x55: {  	v39 =	vsel vm1, v39, v40;
	v57 =	vsel vm1, v41, v36;
	v33 =	vperm.xlane v33, v16  }
0x56: {  	v15 =	vmovc v14;
	v43 =	vperm.xlane v47, v16;
	v45 =	vld [tilespmem:s14+$0x400];
	v36 =	vsel vm1, v36, v41;
	(xrf1) =	vsort.dscd.msk.f32 $0xffff, v56, v57  }
0x57: {  	v47 =	vperm.xlane v49, v16;
	v58 =	vand.u32 $0x7FFFFFFF, v61;
	(xrf1) =	vsort.dscd.msk.f32 $0xffff, v39, v36;
	v36 =	vld [tilespmem:s14+$0x40];
	v38, v41, _ =	vpop (xrf1);
	vm1 =	vge.f32 v35, v33  }
0x58: {  	v51 =	vld [tilespmem:s14+$0x0];
	v59 =	vand.u32 $0x7FFFFFFF, v53;
	v34 =	vperm.xlane v34, v16;
	(xrf1) =	vsort.dscd.msk.f32 $0xffff, v58, v10;
	v39, v44, _ =	vpop (xrf1);
	v62 =	vsel vm1, v35, v33  }
0x59: {  	v40 =	vperm.xlane v46, v16;
	v46 =	vperm.xlane v48, v16;
	v61 =	vand.u32 $0x7FFFFFFF, v54;
	(xrf1) =	vsort.dscd.msk.f32 $0xffff, v59, v1;
	v54, v14, _ =	vpop (xrf1)  }
0x5a: {  	v63 =	vsel vm1, v55, v34;
	v34 =	vsel vm1, v34, v55;
	(xrf1) =	vsort.dscd.msk.f32 $0xffff, v61, v2;
	v55, v56, _ =	vpop (xrf1)  }
0x5b: {  	v45 =	vand.u32 $0x7FFFFFFF, v45;
	v33 =	vsel vm1, v33, v35;
	vm1 =	vge.f32 v29, v40;
	(xrf1) =	vsort.dscd.msk.f32 $0xffff, v62, v63;
	v57, v58, _ =	vpop (xrf1)  }
0x5c: {  	v42 =	vperm.xlane v54, v16;
	(xrf1) =	vsort.dscd.msk.f32 $0xffff, v33, v34;
	v59 =	vand.u32 $0x7FFFFFFF, v36;
	v34 =	vperm.xlane v56, v16;
	v61, v62, _ =	vpop (xrf1)  }
0x5d: {  	v51 =	vand.u32 $0x7FFFFFFF, v51;
	v36 =	vperm.xlane v14, v16;
	v35 =	vperm.xlane v55, v16;
	(xrf1) =	vsort.dscd.msk.f32 $0xffff, v59, v4;
	v63, v53, _ =	vpop (xrf1)  }
0x5e: {  	v49 =	vperm.xlane v58, v16;
	v48 =	vperm.xlane v57, v16;
	v57 =	vsel vm1, v29, v40;
	v14, v54, _ =	vpop (xrf1)  }
0x5f: {  	vm3 =	vge.f32 v39, v42;
	(xrf1) =	vsort.dscd.msk.f32 $0xffff, v45, v8;
	v45 =	vperm.xlane v54, v16  }
0x60: {  	v54, v55, _ =	vpop (xrf1);
	v58 =	vperm.xlane v14, v16;
	v14 =	vmov v60;
	v60 =	vsel vm1, v28, v43  }
0x61: {  	v50 =	vperm.xlane v62, v16;
	v37 =	vperm.xlane v61, v16;
	(xrf1) =	vsort.dscd.msk.f32 $0xffff, v51, v0;
	v51, v56, _ =	vpop (xrf1)  }
0x62: {  	vm2 =	vge.f32 v38, v35;
	v44 =	vsel vm3, v44, v36;
	v39 =	vsel vm3, v39, v42;
	v33, v59, _ =	vpop (xrf1)  }
0x63: {  	v53 =	vperm.xlane v53, v16;
	v52 =	vperm.xlane v63, v16;
	v38 =	vsel vm2, v38, v35;
	v61, v62, _ =	vpop (xrf1)  }
0x64: {  	v41 =	vsel vm2, v41, v34;
	vm2 =	vge.f32 v38, v39;
	(xrf1) =	vsort.dscd.msk.f32 $0xffff, v57, v60;
	v57, v60, _ =	vpop (xrf1)  }
0x65: {  	vm9 =	vge.f32 v54, v37;
	v56 =	vperm.xlane v56, v16;
	v51 =	vperm.xlane v51, v16;
	v17, v18, _ =	vpop (xrf1)  }
0x66: {  	v42 =	vsel vm9, v55, v50;
	v37 =	vsel vm9, v54, v37;
	v59 =	vperm.xlane v59, v16;
	v19, v20, _ =	vpop (xrf1)  }
0x67: {  	v63 =	vperm.xlane v33, v16;
	vm10 =	vge.f32 v61, v48;
	vm11 =	vge.f32 v57, v58;
	v34, v33, _ =	vpop (xrf1)  }
0x68: {  	v49 =	vsel vm10, v62, v49;
	v48 =	vsel vm10, v61, v48;
	v61 =	vsel vm2, v41, v44;
	v36, v35, _ =	vpop (xrf1)  }
0x69: {  	vm7 =	vge.f32 v17, v52;
	v45 =	vsel vm11, v60, v45;
	v54 =	vsel vm11, v57, v58;
	v60, v62, _ =	vpop (xrf1)  }
0x6a: {  	vm5 =	vge.f32 v37, v48;
	v18 =	vsel vm7, v18, v53;
	v17 =	vsel vm7, v17, v52;
	v58, v57, _ =	vpop (xrf1)  }
0x6b: {  	vm6 =	vge.f32 v54, v17;
	vm3 =	vge.f32 v60, v63;
	vm12 =	vge.f32 v58, v51  }
0x6c: {  	v53 =	vsel vm3, v62, v59;
	v50 =	vsel vm3, v60, v63;
	v60 =	vsel vm2, v38, v39  }
0x6d: {  	v38 =	vsel vm2, v39, v38;
	v62 =	vsel vm5, v37, v48;
	v63 =	vsel vm5, v42, v49  }
0x6e: {  	v37 =	vsel vm5, v48, v37;
	v42 =	vsel vm5, v49, v42;
	(xrf1) =	vsort.dscd.msk.f32 $0xffff, v60, v61  }
0x6f: {  	v51 =	vsel vm12, v58, v51;
	v52 =	vsel vm12, v57, v56;
	(xrf1) =	vsort.dscd.msk.f32 $0xffff, v62, v63  }
0x70: {  	v56 =	vsel vm2, v44, v41;
	vm2 =	vge.f32 v50, v51;
	(xrf1) =	vsort.dscd.msk.f32 $0xffff, v37, v42  }
0x71: {  	v57 =	vsel vm2, v51, v50;
	v58 =	vsel vm2, v52, v53;
	(xrf1) =	vsort.dscd.msk.f32 $0xffff, v38, v56  }
0x72: {  	v59 =	vsel vm2, v50, v51;
	v60 =	vsel vm2, v53, v52;
	(xrf1) =	vsort.dscd.msk.f32 $0xffff, v57, v58  }
0x73: {  	v61 =	vsel vm6, v54, v17;
	v62 =	vsel vm6, v45, v18;
	(xrf1) =	vsort.dscd.msk.f32 $0xffff, v59, v60  }
0x74: {  	v17 =	vsel vm6, v17, v54;
	v18 =	vsel vm6, v18, v45;
	(xrf1) =	vsort.dscd.msk.f32 $0xffff, v61, v62  }
0x75: {  	(xrf1) =	vsort.dscd.msk.f32 $0xffff, v17, v18;
	v17 =	vsel vm1, v43, v28;
	v18 =	vperm.xlane v23, v16;
	v23 =	vld [tilespmem:$0x1FB20]  }
0x76: {  	v22 =	vperm.xlane v22, v16;
	v24 =	vperm.xlane v24, v16;
	v29 =	vsel vm1, v40, v29  }
0x77: {  	v26 =	vperm.xlane v26, v16;
	v31 =	vperm.xlane v31, v16  }
0x78: {  	vm2 =	vge.f32 v32, v47;
	vm1 =	vge.f32 v27, v46;
	(xrf1) =	vsort.dscd.msk.f32 $0xffff, v29, v17;
	v17, v28, _ =	vpop (xrf1)  }
0x79: {  	v55 =	vld [tilespmem:$0x1FB40];
	v49 =	vsel vm2, v32, v47;
	v32 =	vsel vm2, v47, v32;
	v63 =	vsel vm1, v27, v46;
	v29, v37, _ =	vpop (xrf1)  }
0x7a: {  	v48 =	vsel vm1, v25, v21;
	v27 =	vsel vm1, v46, v27;
	v23 =	vperm.xlane v23, v16;
	v40, v41, _ =	vpop (xrf1)  }
0x7b: {  	v21 =	vsel vm1, v21, v25;
	vm3 =	vge.f32 v19, v18;
	(xrf1) =	vsort.dscd.msk.f32 $0xffff, v63, v48;
	v25, v42, _ =	vpop (xrf1)  }
0x7c: {  	v51 =	vsel vm3, v20, v22;
	v50 =	vsel vm2, v30, v23;
	v23 =	vsel vm2, v23, v30;
	v52, v53, _ =	vpop (xrf1)  }
0x7d: {  	v30 =	vsel vm3, v19, v18;
	v18 =	vsel vm3, v18, v19;
	v19 =	vsel vm3, v22, v20;
	v20, v22, _ =	vpop (xrf1)  }
0x7e: {  	v33 =	vperm.xlane v33, v16;
	v39 =	vperm.xlane v55, v16;
	(xrf1) =	vsort.dscd.msk.f32 $0xffff, v27, v21;
	v21, v27, _ =	vpop (xrf1)  }
0x7f: {  	(xrf1) =	vsort.dscd.msk.f32 $0xffff, v49, v50;
	v22 =	vperm.xlane v22, v16;
	v20 =	vperm.xlane v20, v16;
	v43, v44, _ =	vpop (xrf1)  }
0x80: {  	(xrf1) =	vsort.dscd.msk.f32 $0xffff, v32, v23;
	v27 =	vperm.xlane v27, v16;
	v21 =	vperm.xlane v21, v16;
	v23, v32, _ =	vpop (xrf1)  }
0x81: {  	(xrf1) =	vsort.dscd.msk.f32 $0xffff, v30, v51;
	vm2 =	vge.f32 v43, v20;
	v23 =	vperm.xlane v23, v16;
	v30, v45, _ =	vpop (xrf1)  }
0x82: {  	v32 =	vperm.xlane v32, v16;
	vm1 =	vge.f32 v52, v21;
	v30 =	vperm.xlane v30, v16;
	v56, v57, _ =	vpop (xrf1)  }
0x83: {  	v22 =	vsel vm2, v44, v22;
	v27 =	vsel vm1, v53, v27;
	v58 =	vperm.xlane v45, v16;
	v60, v59, _ =	vpop (xrf1)  }
0x84: {  	v21 =	vsel vm1, v52, v21;
	vm1 =	vge.f32 v56, v23;
	vm3 =	vge.f32 v60, v30  }
0x85: {  	v20 =	vsel vm2, v43, v20;
	v23 =	vsel vm1, v56, v23;
	v30 =	vsel vm3, v60, v30  }
0x86: {  	v54 =	vld [tilespmem:$0x1FB30];
	v32 =	vsel vm1, v57, v32;
	v61 =	vsel vm3, v59, v58;
	vm1 =	vge.f32 v23, v30  }
0x87: {  	vm2 =	vge.f32 v21, v20;
	v62 =	vsel vm1, v23, v30;
	v63 =	vsel vm1, v32, v61  }
0x88: {  	v23 =	vsel vm1, v30, v23;
	v30 =	vsel vm1, v61, v32;
	(xrf1) =	vsort.dscd.msk.f32 $0xffff, v62, v63  }
0x89: {  	v48 =	vsel vm2, v21, v20;
	v49 =	vsel vm2, v27, v22;
	(xrf1) =	vsort.dscd.msk.f32 $0xffff, v23, v30  }
0x8a: {  	v20 =	vsel vm2, v20, v21;
	v21 =	vsel vm2, v22, v27;
	(xrf1) =	vsort.dscd.msk.f32 $0xffff, v48, v49  }
0x8b: {  	v38 =	vperm.xlane v54, v16;
	v25 =	vperm.xlane v25, v16;
	(xrf1) =	vsort.dscd.msk.f32 $0xffff, v20, v21  }
0x8c: {  	v55 =	vperm.xlane v42, v16;
	v22 =	vperm.xlane v13, v16;
	vm2 =	vge.f32 v17, v26  }
0x8d: {  	vm3 =	vge.f32 v29, v31;
	v27 =	vsel vm2, v28, v39;
	vm1 =	vge.f32 v36, v24  }
0x8e: {  	v50 =	vsel vm3, v29, v31;
	v20 =	vsel vm1, v35, v38;
	(xrf1) =	vsort.dscd.msk.f32 $0xffff, v18, v19  }
0x8f: {  	v23 =	vsel vm1, v38, v35;
	v21 =	vsel vm1, v24, v36;
	v19 =	vsel vm1, v36, v24  }
0x90: {  	v24 =	vsel vm2, v17, v26;
	v17 =	vsel vm2, v26, v17;
	v26 =	vsel vm2, v39, v28;
	v28, v30, _ =	vpop (xrf1)  }
0x91: {  	v51 =	vsel vm3, v37, v22;
	v29 =	vsel vm3, v31, v29;
	v53, v52, _ =	vpop (xrf1);
	(xrf1) =	vsort.dscd.msk.f32 $0xffff, v19, v20  }
0x92: {  	v22 =	vsel vm3, v22, v37;
	v18 =	vperm.xlane v34, v16;
	(xrf1) =	vsort.dscd.msk.f32 $0xffff, v21, v23;
	v19, v20, _ =	vpop (xrf1)  }
0x93: {  	v28 =	vperm.xlane v28, v16;
	v30 =	vperm.xlane v30, v16;
	(xrf1) =	vsort.dscd.msk.f32 $0xffff, v24, v27;
	v21, v23, _ =	vpop (xrf1)  }
0x94: {  	vm1 =	vge.f32 v40, v18;
	v35 =	vperm.xlane v53, v16;
	(xrf1) =	vsort.dscd.msk.f32 $0xffff, v17, v26;
	v24, v27, _ =	vpop (xrf1)  }
0x95: {  	v31 =	vsel vm1, v40, v18;
	v54 =	vsel vm1, v41, v33;
	(xrf1) =	vsort.dscd.msk.f32 $0xffff, v50, v51;
	v17, v26, _ =	vpop (xrf1)  }
0x96: {  	v18 =	vsel vm1, v18, v40;
	v33 =	vsel vm1, v33, v41;
	(xrf1) =	vsort.dscd.msk.f32 $0xffff, v29, v22;
	v57, v56, _ =	vpop (xrf1)  }
0x97: {  	v22 =	vperm.xlane v24, v16;
	vm1 =	vge.f32 v17, v28;
	(xrf1) =	vsort.dscd.msk.f32 $0xffff, v31, v54;
	v24, v29, _ =	vpop (xrf1)  }
0x98: {  	(xrf1) =	vsort.dscd.msk.f32 $0xffff, v18, v33;
	v34 =	vperm.xlane v57, v16;
	v24 =	vperm.xlane v24, v16;
	v31, v37, _ =	vpop (xrf1)  }
0x99: {  	v17 =	vsel vm1, v17, v28;
	v26 =	vsel vm1, v26, v30;
	v30 =	vperm.xlane v56, v16;
	v18, v28, _ =	vpop (xrf1)  }
0x9a: {  	v29 =	vperm.xlane v29, v16;
	vm1 =	vge.f32 v31, v24;
	vm2 =	vge.f32 v18, v34  }
0x9b: {  	v60 =	vperm.xlane v52, v16;
	v24 =	vsel vm1, v31, v24;
	v18 =	vsel vm2, v18, v34  }
0x9c: {  	v58, v59, _ =	vpop (xrf1);
	v29 =	vsel vm1, v37, v29;
	v28 =	vsel vm2, v28, v30;
	vm1 =	vge.f32 v24, v18  }
0x9d: {  	v19 =	vperm.xlane v19, v16;
	vm3 =	vge.f32 v58, v25;
	v31 =	vsel vm1, v28, v29  }
0x9e: {  	v20 =	vperm.xlane v20, v16;
	v25 =	vsel vm3, v58, v25;
	v30 =	vsel vm1, v18, v24  }
0x9f: {  	v21 =	vperm.xlane v21, v16;
	v32 =	vsel vm3, v59, v55;
	vm2 =	vge.f32 v17, v25  }
0xa0: {  	v18 =	vsel vm1, v24, v18;
	v24 =	vsel vm1, v29, v28;
	(xrf1) =	vsort.dscd.msk.f32 $0xffff, v30, v31  }
0xa1: {  	v61 =	vsel vm2, v17, v25;
	v38 =	vsel vm2, v26, v32;
	(xrf1) =	vsort.dscd.msk.f32 $0xffff, v18, v24;
	v30, v31, _ =	vpop (xrf1)  }
0xa2: {  	v17 =	vsel vm2, v25, v17;
	v25 =	vsel vm2, v32, v26;
	(xrf1) =	vsort.dscd.msk.f32 $0xffff, v61, v38;
	v63, v62, _ =	vpop (xrf1)  }
0xa3: {  	v23 =	vperm.xlane v23, v16;
	v27 =	vperm.xlane v27, v16;
	(xrf1) =	vsort.dscd.msk.f32 $0xffff, v17, v25;
	v13, v44, _ =	vpop (xrf1)  }
0xa4: {  	v30 =	vperm.xlane v30, v16;
	v36 =	vperm.xlane v63, v16;
	vm1 =	vge.f32 v13, v19;
	v28, v29, _ =	vpop (xrf1)  }
0xa5: {  	vm3 =	vge.f32 v28, v35;
	v18, v24, _ =	vpop (xrf1);
	v19 =	vsel vm1, v13, v19;
	v17 =	vsel vm1, v44, v20  }
0xa6: {  	vm2 =	vge.f32 v18, v22;
	v26 =	vsel vm3, v28, v35;
	v28, v45, _ =	vpop (xrf1);
	v20 =	vsel vm3, v29, v60  }
0xa7: {  	v29 =	vperm.xlane v31, v16;
	v18 =	vsel vm2, v18, v22;
	vm13 =	vge.f32 v28, v21  }
0xa8: {  	s23 =	simm.s32 $0x200;
	vm14 =	vge.f32 v19, v26;
	v22, v46, _ =	vpop (xrf1);
	v24 =	vsel vm2, v24, v27;
	v27 =	vperm.xlane v62, v16  }
0xa9: {  	s24 =	simm.s32 $0x180;
	s14 =	sand.u32 $0x1800, s23;
	v21 =	vsel vm13, v28, v21;
	vm3 =	vge.f32 v22, v36;
	v23 =	vsel vm13, v45, v23  }
0xaa: {  	s15 =	sand.u32 $0x380, s24;
	s14 =	sor.u32 $0x2000, s14;
	v25, v28, _ =	vpop (xrf1);
	v31 =	vsel vm14, v19, v26;
	v47 =	vsel vm14, v17, v20;
	v19 =	vsel vm14, v26, v19  }
0xab: {  	s15 =	sor.u32 s15, s14;
	v17 =	vsel vm14, v20, v17;
	vm1 =	vge.f32 v18, v21;
	vm2 =	vge.f32 v25, v30  }
0xac: {  	v48 =	vld [tilespmem:s15+$0x60];
	(xrf1) =	vsort.dscd.msk.f32 $0xffff, v31, v47;
	v20 =	vsel vm1, v18, v21;
	v26 =	vsel vm1, v24, v23  }
0xad: {  	v49 =	vld [tilespmem:$0x1FF30];
	v18 =	vsel vm1, v21, v18;
	v21 =	vsel vm1, v23, v24;
	(xrf1) =	vsort.dscd.msk.f32 $0xffff, v19, v17  }
0xae: {  	v31 =	vld [tilespmem:s15+$0x0];
	v19 =	vsel vm3, v22, v36;
	v22 =	vsel vm2, v25, v30;
	v23 =	vsel vm3, v46, v27  }
0xaf: {  	v17 =	vld [tilespmem:s15+$0x10];
	v24 =	vsel vm2, v28, v29;
	(xrf1) =	vsort.dscd.msk.f32 $0xffff, v20, v26;
	vm1 =	vge.f32 v19, v22  }
0xb0: {  	v25 =	vld [tilespmem:s15+$0x40];
	(xrf1) =	vsort.dscd.msk.f32 $0xffff, v18, v21;
	v18 =	vsel vm1, v19, v22;
	v21 =	vsel vm1, v23, v24;
	_, v28, _ =	vpop (xrf1)  }
0xb1: {  	s25 =	simm.s32 $0x1;
	v20 =	vld [tilespmem:s15+$0x20];
	v19 =	vsel vm1, v22, v19;
	v22 =	vsel vm1, v24, v23;
	v23 =	vshll.u32 v28, $0x3  }
0xb2: {  	v27 =	vmov s25;
	v24 =	vld [tilespmem:s15+$0x410];
	(xrf1) =	vsort.dscd.msk.f32 $0xffff, v18, v21;
	v23 =	vand.u32 $0xFFFFFC00, v23  }
0xb3: {  	v0 =	vlaneseq.u32;
	v18 =	vld [tilespmem:s15+$0x30];
	v21 =	vshll.u32 v27, $0x8;
	(xrf1) =	vsort.dscd.msk.f32 $0xffff, v19, v22;
	v22 =	vand.u32 $0x7FFFFFFF, v31  }
0xb4: {  	v19 =	vld [tilespmem:s15+$0x50];
	v21 =	vand.u32 $0x1800, v21;
	v17 =	vand.u32 $0x7FFFFFFF, v17;
	(xrf1) =	vsort.dscd.msk.f32 $0xffff, v22, v0;
	v22 =	vshll.u32 v27, $0x7  }
0xb5: {  	v27 =	vand.u32 $0x7F, v28;
	v28 =	vld [tilespmem:s15+$0x70];
	v25 =	vand.u32 $0x7FFFFFFF, v25;
	(xrf1) =	vsort.dscd.msk.f32 $0xffff, v17, v1;
	v17 =	vadd.s32 v21, v23  }
0xb6: {  	s26 =	simm.s32 $0x100;
	v20 =	vand.u32 $0x7FFFFFFF, v20;
	v17 =	vor.u32 v27, v17;
	v27 =	vld [tilespmem:s15+$0x464];
	_, v23, _ =	vpop (xrf1)  }
0xb7: {  	s17 =	sand.u32 $0x300, s26;
	v29 =	vld [tilespmem:s15+$0x430];
	v22 =	vand.u32 $0x380, v22;
	(xrf1) =	vsort.dscd.msk.f32 $0xffff, v20, v2;
	v24 =	vand.u32 $0x7FFFFFFF, v24;
	v20 =	vshll.u32 v23, $0x3  }
0xb8: {  	s14 =	sor.u32 s17, s14;
	v26 =	vld [tilespmem:s15+$0x400];
	v18 =	vand.u32 $0x7FFFFFFF, v18;
	(xrf1) =	vsort.dscd.msk.f32 $0xffff, v25, v4;
	v13 =	vor.u32 v22, v17;
	v25, v30, _ =	vpop (xrf1);
	v20 =	vand.u32 $0xFFFFFC00, v20  }
0xb9: {  	v31 =	vld [tilespmem:s14+$0x464];
	v19 =	vand.u32 $0x7FFFFFFF, v19;
	(xrf1) =	vsort.dscd.msk.f32 $0xffff, v18, v3;
	v18 =	vand.u32 $0x7F, v23;
	v20 =	vadd.s32 v21, v20;
	v21, v23, _ =	vpop (xrf1)  }
0xba: {  	(xrf1) =	vsort.dscd.msk.f32 $0xffff, v19, v5;
	v18 =	vor.u32 v18, v20;
	v19 =	vperm.xlane v21, v16  }
0xbb: {  	(xrf1) =	vsort.dscd.msk.f32 $0xffff, v24, v49;
	v20 =	vand.u32 $0x7FFFFFFF, v28;
	v27 =	vand.u32 $0x7FFFFFFF, v27;
	v50 =	vor.u32 v22, v18  }
0xbc: {  	v21 =	vld [tilespmem:s15+$0x420];
	v22 =	vperm.xlane v23, v16;
	(xrf1) =	vsort.dscd.msk.f32 $0xffff, v20, v7;
	v20 =	vperm.xlane v25, v16;
	v24, v25, _ =	vpop (xrf1);
	v27 =	vsel vm0, $0xBF800000, v27  }
0xbd: {  	v23 =	vand.u32 $0x7FFFFFFF, v29;
	v29 =	vperm.xlane v30, v16;
	[tilespmem:$0x1FBB0] =	vst v50;
	v30, v51, _ =	vpop (xrf1);
	v53 =	vperm.xlane v25, v16  }
0xbe: {  	v32 =	vand.u32 $0x7FFFFFFF, v48;
	v26 =	vand.u32 $0x7FFFFFFF, v26;
	v31 =	vand.u32 $0x7FFFFFFF, v31;
	(xrf1) =	vsort.dscd.msk.f32 $0xffff, v23, v9;
	v28 =	vld [tilespmem:s14+$0x70];
	v25, v54, _ =	vpop (xrf1)  }
0xbf: {  	v52 =	vld [tilespmem:s14+$0x430];
	(xrf1) =	vsort.dscd.msk.f32 $0xffff, v26, v8;
	v30 =	vperm.xlane v30, v16;
	v26 =	vperm.xlane v51, v16;
	[tilespmem:$0x1FB50] =	vst v53;
	v61, v60, _ =	vpop (xrf1)  }
0xc0: {  	v31 =	vsel vm0, $0xBF800000, v31;
	(xrf1) =	vsort.dscd.msk.f32 $0xffff, v27, v12;
	vm1 =	vge.f32 v25, v19;
	v55 =	vld [tilespmem:s14+$0x450];
	vm2 =	vge.f32 v61, v20;
	v63, v27, _ =	vpop (xrf1)  }
0xc1: {  	v21 =	vand.u32 $0x7FFFFFFF, v21;
	(xrf1) =	vsort.dscd.msk.f32 $0xffff, v32, v6;
	v56 =	vld [tilespmem:s14+$0x30];
	v57 =	vsel vm1, v25, v19;
	v20 =	vsel vm2, v61, v20;
	v47, v58, _ =	vpop (xrf1)  }
0xc2: {  	v62 =	vld [tilespmem:s14+$0x460];
	v22 =	vsel vm1, v54, v22;
	(xrf1) =	vsort.dscd.msk.f32 $0xffff, v21, v14;
	[tilespmem:$0x1FB60] =	vst v58;
	vm1 =	vge.f32 v57, v20  }
0xc3: {  	v29 =	vsel vm2, v60, v29;
	(xrf1) =	vsort.dscd.msk.f32 $0xffff, v31, v12;
	v59 =	vld [tilespmem:s14+$0x50];
	v60 =	vsel vm1, v57, v20  }
0xc4: {  	v19 =	vand.u32 $0x7FFFFFFF, v28;
	v28 =	vld [tilespmem:s14+$0x60];
	v21 =	vand.u32 $0x7FFFFFFF, v52;
	v50 =	vsel vm1, v22, v29;
	[tilespmem:$0x1FBC0] =	vst v60  }
0xc5: {  	v34, v35, _ =	vpop (xrf1);
	v51 =	vsel vm1, v20, v57;
	v53 =	vsel vm1, v29, v22;
	(xrf1) =	vsort.dscd.msk.f32 $0xffff, v19, v7;
	v61 =	vld [tilespmem:s15+$0x460];
	[tilespmem:$0x1FBD0] =	vst v50  }
0xc6: {  	v46, v45, _ =	vpop (xrf1);
	v31 =	vand.u32 $0x7FFFFFFF, v55;
	(xrf1) =	vsort.dscd.msk.f32 $0xffff, v21, v9;
	[tilespmem:$0x1FBE0] =	vst v51;
	v29 =	vand.u32 $0x7FFFFFFF, v56  }
0xc7: {  	vm1 =	vge.f32 v63, v30;
	v42, v43, _ =	vpop (xrf1);
	v38 =	vand.u32 $0x7FFFFFFF, v62;
	v52 =	vld [tilespmem:s14+$0x410];
	(xrf1) =	vsort.dscd.msk.f32 $0xffff, v31, v15;
	[tilespmem:$0x1FBF0] =	vst v53  }
0xc8: {  	v48, v49, _ =	vpop (xrf1);
	v55 =	vmov v5;
	v5 =	vsel vm1, v63, v30;
	v54 =	vld [tilespmem:s14+$0x420];
	(xrf1) =	vsort.dscd.msk.f32 $0xffff, v38, v11;
	v30 =	vand.u32 $0x7FFFFFFF, v59  }
0xc9: {  	v56 =	vld [tilespmem:s15+$0x440];
	(xrf1) =	vsort.dscd.msk.f32 $0xffff, v29, v3;
	v29, v62, _ =	vpop (xrf1);
	v28 =	vand.u32 $0x7FFFFFFF, v28  }
0xca: {  	v37 =	vperm.xlane v46, v16;
	v33 =	vperm.xlane v62, v16;
	v62 =	vld [tilespmem:$0x1FF30]  }
0xcb: {  	v63 =	vld [tilespmem:s15+$0x450];
	(xrf1) =	vsort.dscd.msk.f32 $0xffff, v30, v55;
	v30, v57, _ =	vpop (xrf1)  }
0xcc: {  	vm15 =	vge.f32 v34, v37;
	v36 =	vand.u32 $0x7FFFFFFF, v61;
	(xrf1) =	vsort.dscd.msk.f32 $0xffff, v28, v6;
	v28, v58, _ =	vpop (xrf1)  }
0xcd: {  	v41 =	vperm.xlane v45, v16;
	v0 =	vsel vm15, v37, v34;
	v40 =	vand.u32 $0x7FFFFFFF, v52;
	(xrf1) =	vsort.dscd.msk.f32 $0xffff, v36, v11;
	v60, v59, _ =	vpop (xrf1)  }
0xce: {  	v52 =	vperm.xlane v30, v16;
	v32 =	vand.u32 $0x7FFFFFFF, v56;
	v53 =	vperm.xlane v28, v16;
	v28, v30, _ =	vpop (xrf1)  }
0xcf: {  	v29 =	vperm.xlane v29, v16;
	v50 =	vperm.xlane v57, v16;
	v61 =	vand.u32 $0x7FFFFFFF, v54;
	(xrf1) =	vsort.dscd.msk.f32 $0xffff, v40, v62;
	v54, v55, _ =	vpop (xrf1)  }
0xd0: {  	v46 =	vperm.xlane v30, v16;
	(xrf1) =	vsort.dscd.msk.f32 $0xffff, v61, v14;
	v30 =	vand.u32 $0x7FFFFFFF, v63;
	v57 =	vperm.xlane v28, v16;
	v28, v63, _ =	vpop (xrf1)  }
0xd1: {  	vm9 =	vge.f32 v42, v29;
	v56 =	vperm.xlane v60, v16;
	(xrf1) =	vsort.dscd.msk.f32 $0xffff, v32, v10;
	v32, v60, _ =	vpop (xrf1)  }
0xd2: {  	v17 =	vsel vm9, v42, v29;
	v51 =	vperm.xlane v58, v16;
	v45 =	vperm.xlane v59, v16;
	v61, v62, _ =	vpop (xrf1)  }
0xd3: {  	v29 =	vsel vm9, v29, v42;
	v58 =	vperm.xlane v28, v16;
	v59 =	vperm.xlane v63, v16;
	v63, v18, _ =	vpop (xrf1)  }
0xd4: {  	(xrf1) =	vsort.dscd.msk.f32 $0xffff, v30, v15;
	v28 =	vsel vm15, v34, v37;
	v30 =	vsel vm15, v35, v41;
	v37, v34, _ =	vpop (xrf1)  }
0xd5: {  	v41 =	vsel vm15, v41, v35;
	vm11 =	vge.f32 v32, v56;
	v40, v35, _ =	vpop (xrf1);
	(xrf1) =	vsort.dscd.msk.f32 $0xffff, v28, v30  }
0xd6: {  	vm10 =	vge.f32 v48, v52;
	v39, v36, _ =	vpop (xrf1);
	(xrf1) =	vsort.dscd.msk.f32 $0xffff, v0, v41;
	v41 =	vsel vm11, v60, v45  }
0xd7: {  	vm12 =	vge.f32 v61, v57;
	v28 =	vsel vm9, v43, v33;
	v30 =	vsel vm9, v33, v43;
	v44, v43, _ =	vpop (xrf1)  }
0xd8: {  	v33 =	vsel vm10, v48, v52;
	v45 =	vsel vm11, v45, v60;
	(xrf1) =	vsort.dscd.msk.f32 $0xffff, v17, v28;
	v38, v14, _ =	vpop (xrf1)  }
0xd9: {  	v17 =	vsel vm11, v32, v56;
	v32 =	vsel vm11, v56, v32;
	(xrf1) =	vsort.dscd.msk.f32 $0xffff, v29, v30;
	v42, v56, _ =	vpop (xrf1)  }
0xda: {  	(xrf1) =	vsort.dscd.msk.f32 $0xffff, v17, v41;
	v17 =	vsel vm12, v61, v57;
	v61 =	vsel vm12, v57, v61;
	[tilespmem:$0x1FB70] =	vst v42;
	v42, v41, _ =	vpop (xrf1)  }
0xdb: {  	v60 =	vsel vm12, v62, v46;
	v0 =	vsel vm12, v46, v62;
	(xrf1) =	vsort.dscd.msk.f32 $0xffff, v32, v45;
	v46, v57, _ =	vpop (xrf1)  }
0xdc: {  	v23 =	vperm.xlane v24, v16;
	[tilespmem:$0x1FB80] =	vst v14;
	(xrf1) =	vsort.dscd.msk.f32 $0xffff, v17, v60;
	vm13 =	vge.f32 v46, v58  }
0xdd: {  	[tilespmem:$0x1FB90] =	vst v56;
	v17 =	vsel vm10, v49, v50;
	(xrf1) =	vsort.dscd.msk.f32 $0xffff, v61, v0;
	v45 =	vsel vm13, v46, v58  }
0xde: {  	v56 =	vld [tilespmem:s14+$0x440];
	(xrf1) =	vsort.dscd.msk.f32 $0xffff, v33, v17;
	v33, v61, _ =	vpop (xrf1)  }
0xdf: {  	vm2 =	vge.f32 v47, v23;
	vm3 =	vge.f32 v54, v53;
	v49 =	vsel vm10, v50, v49;
	v17 =	vld [tilespmem:s14+$0x10];
	[tilespmem:$0x1FBA0] =	vst v61  }
0xe0: {  	v31 =	vperm.xlane v18, v16;
	v48 =	vsel vm10, v52, v48;
	v14 =	vsel vm13, v57, v59;
	v62 =	vld [tilespmem:s14+$0x20]  }
0xe1: {  	v58 =	vsel vm13, v58, v46;
	v57 =	vsel vm13, v59, v57;
	(xrf1) =	vsort.dscd.msk.f32 $0xffff, v45, v14;
	v46, v45, _ =	vpop (xrf1)  }
0xe2: {  	v14 =	vsel vm3, v54, v53;
	v53 =	vsel vm3, v53, v54;
	(xrf1) =	vsort.dscd.msk.f32 $0xffff, v58, v57;
	v50, v52, _ =	vpop (xrf1)  }
0xe3: {  	v32 =	vsel vm3, v55, v51;
	v51 =	vsel vm3, v51, v55;
	v58 =	vand.u32 $0x7FFFFFFF, v56;
	(xrf1) =	vsort.dscd.msk.f32 $0xffff, v48, v49;
	v48, v49, _ =	vpop (xrf1)  }
0xe4: {  	v0 =	vsel vm1, v27, v26;
	(xrf1) =	vsort.dscd.msk.f32 $0xffff, v14, v32;
	v48 =	vperm.xlane v48, v16  }
0xe5: {  	v54 =	vsel vm2, v47, v23;
	v26 =	vld [tilespmem:s14+$0x40];
	(xrf1) =	vsort.dscd.msk.f32 $0xffff, v53, v51;
	v27 =	vperm.xlane v49, v16;
	v47, v49, _ =	vpop (xrf1);
	v60 =	vand.u32 $0x7FFFFFFF, v62  }
0xe6: {  	vm1 =	vge.f32 v5, v54;
	v17 =	vand.u32 $0x7FFFFFFF, v17;
	(xrf1) =	vsort.dscd.msk.f32 $0xffff, v58, v10;
	v28, v53, _ =	vpop (xrf1);
	vm3 =	vge.f32 v50, v48  }
0xe7: {  	v56 =	vperm.xlane v63, v16;
	(xrf1) =	vsort.dscd.msk.f32 $0xffff, v17, v1;
	v51, v58, _ =	vpop (xrf1);
	v61 =	vsel vm3, v50, v48  }
0xe8: {  	v55 =	vld [tilespmem:s14+$0x400];
	v14 =	vmov v1;
	v62 =	vsel vm3, v52, v27;
	(xrf1) =	vsort.dscd.msk.f32 $0xffff, v60, v2;
	v48 =	vsel vm3, v48, v50;
	v50, v1, _ =	vpop (xrf1)  }
0xe9: {  	v59 =	vld [tilespmem:s14+$0x0];
	v27 =	vsel vm3, v27, v52;
	vm3 =	vge.f32 v44, v56;
	(xrf1) =	vsort.dscd.msk.f32 $0xffff, v61, v62;
	v57, v60, _ =	vpop (xrf1)  }
0xea: {  	v26 =	vand.u32 $0x7FFFFFFF, v26;
	v30 =	vperm.xlane v1, v16;
	v50 =	vperm.xlane v50, v16;
	(xrf1) =	vsort.dscd.msk.f32 $0xffff, v48, v27;
	v52, v1, _ =	vpop (xrf1)  }
0xeb: {  	v61 =	vperm.xlane v51, v16;
	v21 =	vsel vm3, v44, v56;
	v19 =	vsel vm3, v43, v31;
	v51, v32, _ =	vpop (xrf1)  }
0xec: {  	v48 =	vperm.xlane v58, v16;
	v62 =	vperm.xlane v32, v16;
	v32 =	vlaneseq.u32  }
0xed: {  	v55 =	vand.u32 $0x7FFFFFFF, v55;
	v58 =	vperm.xlane v60, v16;
	(xrf1) =	vsort.dscd.msk.f32 $0xffff, v26, v4;
	v27 =	vperm.xlane v1, v16;
	v60, v1, _ =	vpop (xrf1)  }
0xee: {  	v59 =	vand.u32 $0x7FFFFFFF, v59;
	v57 =	vperm.xlane v57, v16;
	vm14 =	vge.f32 v47, v50;
	(xrf1) =	vsort.dscd.msk.f32 $0xffff, v55, v8;
	v63, v25, _ =	vpop (xrf1)  }
0xef: {  	vm15 =	vge.f32 v28, v61;
	v51 =	vperm.xlane v51, v16;
	(xrf1) =	vsort.dscd.msk.f32 $0xffff, v59, v32;
	v32, v20, _ =	vpop (xrf1)  }
0xf0: {  	v47 =	vsel vm14, v47, v50;
	v30 =	vsel vm14, v49, v30;
	v55 =	vperm.xlane v1, v16;
	v18, v17, _ =	vpop (xrf1)  }
0xf1: {  	v48 =	vsel vm15, v53, v48;
	v1 =	vperm.xlane v52, v16;
	v29 =	vperm.xlane v20, v16;
	v20, v24, _ =	vpop (xrf1)  }
0xf2: {  	v28 =	vsel vm15, v28, v61;
	v60 =	vperm.xlane v60, v16;
	(xrf1) =	vsort.dscd.msk.f32 $0xffff, v21, v19;
	v19, v23, _ =	vpop (xrf1)  }
0xf3: {  	vm13 =	vge.f32 v47, v28;
	vm9 =	vge.f32 v63, v1;
	v26 =	vperm.xlane v17, v16;
	v17, v21, _ =	vpop (xrf1)  }
0xf4: {  	v22 =	vperm.xlane v32, v16;
	v25 =	vsel vm9, v25, v27;
	vm10 =	vge.f32 v20, v57;
	v52, v32, _ =	vpop (xrf1)  }
0xf5: {  	v18 =	vperm.xlane v18, v16;
	vm11 =	vge.f32 v19, v60;
	v27 =	vsel vm10, v24, v58;
	v49, v53, _ =	vpop (xrf1)  }
0xf6: {  	v58 =	vsel vm9, v63, v1;
	v20 =	vsel vm10, v20, v57;
	vm12 =	vge.f32 v17, v51;
	v50, v24, _ =	vpop (xrf1)  }
0xf7: {  	v23 =	vsel vm11, v23, v55;
	v19 =	vsel vm11, v19, v60;
	vm7 =	vge.f32 v58, v20;
	v61, v1, _ =	vpop (xrf1)  }
0xf8: {  	v60 =	vsel vm13, v30, v48;
	v21 =	vsel vm12, v21, v62;
	v17 =	vsel vm12, v17, v51;
	v63, v62, _ =	vpop (xrf1)  }
0xf9: {  	vm9 =	vge.f32 v19, v17;
	vm14 =	vge.f32 v61, v18;
	vm15 =	vge.f32 v63, v22  }
0xfa: {  	v26 =	vsel vm14, v1, v26;
	v18 =	vsel vm14, v61, v18;
	v1 =	vsel vm13, v47, v28  }
0xfb: {  	v28 =	vsel vm13, v28, v47;
	v61 =	vsel vm7, v58, v20;
	v20 =	vsel vm7, v20, v58  }
0xfc: {  	v29 =	vsel vm15, v62, v29;
	v62 =	vsel vm7, v25, v27;
	(xrf1) =	vsort.dscd.msk.f32 $0xffff, v1, v60  }
0xfd: {  	v22 =	vsel vm15, v63, v22;
	v25 =	vsel vm7, v27, v25;
	(xrf1) =	vsort.dscd.msk.f32 $0xffff, v61, v62  }
0xfe: {  	v27 =	vsel vm13, v48, v30;
	vm10 =	vge.f32 v18, v22;
	(xrf1) =	vsort.dscd.msk.f32 $0xffff, v20, v25  }
0xff: {  	v20 =	vsel vm10, v22, v18;
	v25 =	vsel vm10, v29, v26;
	(xrf1) =	vsort.dscd.msk.f32 $0xffff, v28, v27  }
0x100: {  	v18 =	vsel vm10, v18, v22;
	v22 =	vsel vm10, v26, v29;
	(xrf1) =	vsort.dscd.msk.f32 $0xffff, v20, v25  }
0x101: {  	v63 =	vld [tilespmem:$0x1FB50];
	v20 =	vsel vm9, v19, v17;
	v25 =	vsel vm9, v23, v21;
	(xrf1) =	vsort.dscd.msk.f32 $0xffff, v18, v22  }
0x102: {  	v17 =	vsel vm9, v17, v19;
	v19 =	vld [tilespmem:$0x1FB60];
	v18 =	vsel vm9, v21, v23;
	(xrf1) =	vsort.dscd.msk.f32 $0xffff, v20, v25  }
0x103: {  	v30 =	vperm.xlane v35, v16;
	v35 =	vperm.xlane v36, v16;
	(xrf1) =	vsort.dscd.msk.f32 $0xffff, v17, v18  }
0x104: {  	v36 =	vperm.xlane v38, v16;
	v29 =	vperm.xlane v39, v16;
	v23 =	vsel vm3, v31, v43  }
0x105: {  	v21 =	vsel vm3, v56, v44;
	v20 =	vperm.xlane v40, v16;
	v17 =	vperm.xlane v37, v16  }
0x106: {  	v22 =	vperm.xlane v34, v16;
	v18 =	vsel vm1, v54, v5;
	v25, v28, _ =	vpop (xrf1);
	(xrf1) =	vsort.dscd.msk.f32 $0xffff, v21, v23  }
0x107: {  	v31, v34, _ =	vpop (xrf1);
	vm11 =	vge.f32 v46, v20;
	v27 =	vsel vm2, v19, v63;
	vm3 =	vge.f32 v42, v17  }
0x108: {  	v19 =	vsel vm1, v5, v54;
	v21, v23, _ =	vpop (xrf1);
	v48 =	vsel vm3, v41, v22;
	v22 =	vsel vm3, v22, v41  }
0x109: {  	vm2 =	vge.f32 v52, v29;
	v37, v38, _ =	vpop (xrf1);
	v5 =	vsel vm3, v42, v17;
	v17 =	vsel vm3, v17, v42  }
0x10a: {  	v55 =	vsel vm11, v45, v30;
	v30 =	vsel vm11, v30, v45;
	(xrf1) =	vsort.dscd.msk.f32 $0xffff, v5, v48;
	v57, v56, _ =	vpop (xrf1)  }
0x10b: {  	v54 =	vsel vm11, v46, v20;
	v20 =	vsel vm11, v20, v46;
	(xrf1) =	vsort.dscd.msk.f32 $0xffff, v17, v22;
	v39, v40, _ =	vpop (xrf1)  }
0x10c: {  	v26 =	vsel vm1, v0, v27;
	v58 =	vsel vm2, v52, v29;
	(xrf1) =	vsort.dscd.msk.f32 $0xffff, v54, v55;
	v17, v22, _ =	vpop (xrf1)  }
0x10d: {  	v59 =	vsel vm2, v32, v35;
	(xrf1) =	vsort.dscd.msk.f32 $0xffff, v20, v30;
	v39 =	vperm.xlane v39, v16;
	v41, v42, _ =	vpop (xrf1)  }
0x10e: {  	v51 =	vmov v0;
	v40 =	vperm.xlane v40, v16;
	(xrf1) =	vsort.dscd.msk.f32 $0xffff, v58, v59;
	v17 =	vperm.xlane v17, v16;
	v20, v30, _ =	vpop (xrf1)  }
0x10f: {  	v22 =	vperm.xlane v22, v16;
	vm12 =	vge.f32 v41, v39;
	v20 =	vperm.xlane v20, v16;
	v45, v46, _ =	vpop (xrf1)  }
0x110: {  	v30 =	vperm.xlane v30, v16;
	vm3 =	vge.f32 v57, v17;
	v45 =	vperm.xlane v45, v16;
	v60, v61, _ =	vpop (xrf1)  }
0x111: {  	v40 =	vsel vm12, v42, v40;
	v22 =	vsel vm3, v56, v22;
	v62 =	vperm.xlane v46, v16;
	v63, v0, _ =	vpop (xrf1)  }
0x112: {  	v17 =	vsel vm3, v57, v17;
	vm3 =	vge.f32 v60, v20;
	vm13 =	vge.f32 v63, v45  }
0x113: {  	v39 =	vsel vm12, v41, v39;
	v20 =	vsel vm3, v60, v20;
	v1 =	vsel vm13, v63, v45  }
0x114: {  	v30 =	vsel vm3, v61, v30;
	v42 =	vsel vm13, v0, v62;
	vm3 =	vge.f32 v20, v1  }
0x115: {  	v58 =	vld [tilespmem:$0x1FB90];
	vm4 =	vge.f32 v17, v39;
	v5 =	vsel vm3, v20, v1;
	v48 =	vsel vm3, v30, v42  }
0x116: {  	v56 =	vld [tilespmem:$0x1FB70];
	v20 =	vsel vm3, v1, v20;
	v30 =	vsel vm3, v42, v30;
	(xrf1) =	vsort.dscd.msk.f32 $0xffff, v5, v48  }
0x117: {  	v54 =	vsel vm4, v17, v39;
	v55 =	vsel vm4, v22, v40;
	v60 =	vld [tilespmem:$0x1FBA0];
	(xrf1) =	vsort.dscd.msk.f32 $0xffff, v20, v30  }
0x118: {  	v57 =	vld [tilespmem:$0x1FB80];
	v17 =	vsel vm4, v39, v17;
	v20 =	vsel vm4, v40, v22;
	(xrf1) =	vsort.dscd.msk.f32 $0xffff, v54, v55  }
0x119: {  	(xrf1) =	vsort.dscd.msk.f32 $0xffff, v17, v20  }
0x11a: {  	v53 =	vperm.xlane v53, v16;
	v59 =	vperm.xlane v58, v16  }
0x11b: {  	v62 =	vperm.xlane v49, v16;
	v22 =	vperm.xlane v56, v16;
	v20 =	vsel vm2, v35, v32  }
0x11c: {  	v30 =	vperm.xlane v33, v16;
	v61 =	vperm.xlane v60, v16  }
0x11d: {  	v17 =	vsel vm2, v29, v52;
	v29 =	vperm.xlane v57, v16;
	vm2 =	vge.f32 v50, v36  }
0x11e: {  	vm3 =	vge.f32 v25, v22;
	v63 =	vsel vm2, v50, v36;
	(xrf1) =	vsort.dscd.msk.f32 $0xffff, v17, v20;
	v20, v0, _ =	vpop (xrf1)  }
0x11f: {  	v1 =	vsel vm3, v28, v59;
	v17 =	vsel vm2, v24, v29;
	v24 =	vsel vm2, v29, v24;
	v41, v42, _ =	vpop (xrf1)  }
0x120: {  	v29 =	vsel vm3, v25, v22;
	v22 =	vsel vm3, v22, v25;
	v25 =	vsel vm3, v59, v28;
	v28, v32, _ =	vpop (xrf1)  }
0x121: {  	vm14 =	vge.f32 v31, v30;
	v36 =	vsel vm2, v36, v50;
	(xrf1) =	vsort.dscd.msk.f32 $0xffff, v63, v17;
	v54, v55, _ =	vpop (xrf1)  }
0x122: {  	v5 =	vsel vm14, v31, v30;
	v30 =	vsel vm14, v30, v31;
	(xrf1) =	vsort.dscd.msk.f32 $0xffff, v36, v24;
	v17, v56, _ =	vpop (xrf1)  }
0x123: {  	v31 =	vsel vm14, v61, v34;
	vm2 =	vge.f32 v21, v62;
	(xrf1) =	vsort.dscd.msk.f32 $0xffff, v29, v1;
	v24, v57, _ =	vpop (xrf1)  }
0x124: {  	v52 =	vsel vm14, v34, v61;
	v58 =	vsel vm2, v21, v62;
	(xrf1) =	vsort.dscd.msk.f32 $0xffff, v22, v25;
	v22, v25, _ =	vpop (xrf1)  }
0x125: {  	v59 =	vsel vm2, v23, v53;
	v21 =	vsel vm2, v62, v21;
	(xrf1) =	vsort.dscd.msk.f32 $0xffff, v5, v52;
	v61, v62, _ =	vpop (xrf1)  }
0x126: {  	(xrf1) =	vsort.dscd.msk.f32 $0xffff, v30, v31;
	v22 =	vperm.xlane v22, v16;
	v30 =	vperm.xlane v61, v16;
	v31, v63, _ =	vpop (xrf1)  }
0x127: {  	v23 =	vsel vm2, v53, v23;
	v60 =	vperm.xlane v0, v16;
	v25 =	vperm.xlane v25, v16;
	v0, v1, _ =	vpop (xrf1)  }
0x128: {  	v40 =	vperm.xlane v62, v16;
	vm3 =	vge.f32 v31, v30;
	vm15 =	vge.f32 v0, v22  }
0x129: {  	(xrf1) =	vsort.dscd.msk.f32 $0xffff, v58, v59;
	v30 =	vsel vm3, v31, v30;
	v22 =	vsel vm15, v0, v22  }
0x12a: {  	v31 =	vsel vm3, v63, v40;
	v25 =	vsel vm15, v1, v25;
	vm3 =	vge.f32 v30, v22  }
0x12b: {  	(xrf1) =	vsort.dscd.msk.f32 $0xffff, v21, v23;
	v21 =	vsel vm3, v22, v30;
	v23 =	vsel vm3, v25, v31  }
0x12c: {  	v38 =	vperm.xlane v38, v16;
	v20 =	vperm.xlane v20, v16;
	v44, v43, _ =	vpop (xrf1);
	(xrf1) =	vsort.dscd.msk.f32 $0xffff, v21, v23  }
0x12d: {  	v29 =	vperm.xlane v37, v16;
	v28 =	vperm.xlane v28, v16  }
0x12e: {  	v17 =	vperm.xlane v17, v16;
	v33 =	vperm.xlane v56, v16;
	vm2 =	vge.f32 v24, v20  }
0x12f: {  	v20 =	vsel vm2, v24, v20;
	v5 =	vperm.xlane v41, v16;
	vm8 =	vge.f32 v44, v29  }
0x130: {  	v24 =	vsel vm8, v44, v29;
	v29 =	vsel vm8, v43, v38;
	v22 =	vsel vm3, v30, v22  }
0x131: {  	v34, v35, _ =	vpop (xrf1);
	v25 =	vsel vm3, v31, v25;
	v30 =	vperm.xlane v32, v16;
	v21 =	vperm.xlane v54, v16  }
0x132: {  	v23 =	vsel vm2, v57, v60;
	vm2 =	vge.f32 v20, v24;
	v31, v45, _ =	vpop (xrf1);
	(xrf1) =	vsort.dscd.msk.f32 $0xffff, v22, v25  }
0x133: {  	v22 =	vperm.xlane v42, v16;
	v25 =	vsel vm2, v20, v24;
	v46, v47, _ =	vpop (xrf1);
	v39 =	vsel vm2, v23, v29  }
0x134: {  	v20 =	vsel vm2, v24, v20;
	v23 =	vsel vm2, v29, v23;
	vm3 =	vge.f32 v46, v28;
	v49, v50, _ =	vpop (xrf1)  }
0x135: {  	s28 =	simm.s32 $0x3;
	(xrf1) =	vsort.dscd.msk.f32 $0xffff, v25, v39;
	v28 =	vsel vm3, v46, v28;
	vm9 =	vge.f32 v49, v5;
	v24, v53, _ =	vpop (xrf1)  }
0x136: {  	v60 =	vmov s28;
	(xrf1) =	vsort.dscd.msk.f32 $0xffff, v20, v23;
	v36 =	vsel vm9, v49, v5;
	v22 =	vsel vm9, v50, v22;
	v29, v54, _ =	vpop (xrf1)  }
0x137: {  	vm11 =	vge.f32 v28, v36;
	vm2 =	vge.f32 v24, v17;
	vm10 =	vge.f32 v29, v21  }
0x138: {  	v56 =	vsel vm11, v28, v36;
	v17 =	vsel vm2, v24, v17;
	v21 =	vsel vm10, v29, v21;
	v25, v29, _ =	vpop (xrf1)  }
0x139: {  	v28 =	vsel vm11, v36, v28;
	v24 =	vsel vm3, v47, v30;
	vm3 =	vge.f32 v17, v21;
	v58, v57, _ =	vpop (xrf1)  }
0x13a: {  	v59 =	vsel vm11, v24, v22;
	v22 =	vsel vm11, v22, v24;
	v20 =	vsel vm3, v17, v21;
	_, v61, _ =	vpop (xrf1)  }
0x13b: {  	v62 =	vld [tilespmem:$0x1FBB0];
	(xrf1) =	vsort.dscd.msk.f32 $0xffff, v56, v59;
	v17 =	vsel vm3, v21, v17;
	v21 =	vshll.u32 v60, $0x8;
	v5 =	vshll.u32 v61, $0x3  }
0x13c: {  	s29 =	simm.s32 $0x400;
	v52 =	vperm.xlane v55, v16;
	(xrf1) =	vsort.dscd.msk.f32 $0xffff, v28, v22;
	v21 =	vand.u32 $0x1800, v21;
	v22 =	vand.u32 $0xFFFFFC00, v5  }
0x13d: {  	s30 =	simm.s32 $0x280;
	s14 =	sand.u32 $0x1800, s29;
	v22 =	vadd.s32 v21, v22  }
0x13e: {  	s20 =	sand.u32 $0x380, s30;
	s31 =	sor.u32 $0x2000, s14;
	v30 =	vsel vm2, v53, v33;
	v55 =	vsel vm10, v54, v52  }
0x13f: {  	s18 =	sor.u32 s20, s31;
	v23 =	vsel vm3, v30, v55  }
0x140: {  	v48 =	vld [tilespmem:s18+$0x0];
	v30 =	vsel vm3, v55, v30;
	(xrf1) =	vsort.dscd.msk.f32 $0xffff, v20, v23;
	v20 =	vshll.u32 v60, $0x7;
	v23 =	vand.u32 $0x7F, v61  }
0x141: {  	v43 =	vld [tilespmem:$0x1FBC0];
	(xrf1) =	vsort.dscd.msk.f32 $0xffff, v17, v30;
	v17 =	vand.u32 $0x380, v20;
	v20 =	vor.u32 v23, v22;
	_, v22, _ =	vpop (xrf1)  }
0x142: {  	v44 =	vld [tilespmem:$0x1FBD0];
	v23 =	vshll.u32 v22, $0x3  }
0x143: {  	v63 =	vld.idx.msk [tilespmem:v62+s2+$0x0], $0xffff;
	v23 =	vand.u32 $0xFFFFFC00, v23  }
0x144: {  	v46 =	vld [tilespmem:$0x1FBE0];
	v22 =	vand.u32 $0x7F, v22;
	v21 =	vadd.s32 v21, v23  }
0x145: {  	v49 =	vld [tilespmem:s18+$0x10];
	v21 =	vor.u32 v22, v21  }
0x146: {  	v47 =	vld [tilespmem:$0x1FBF0];
	v20 =	vor.u32 v17, v20;
	v17 =	vor.u32 v17, v21  }
0x147: {  	v31 =	vperm.xlane v31, v16;
	v24 =	vld.idx.msk [tilespmem:v13+s9+$0x0], $0xffff  }
0x148: {  	v41 =	vperm.xlane v34, v16;
	v13 =	vld.idx.msk [tilespmem:v13+s2+$0x0], $0xffff  }
0x149: {  	vm2 =	vge.f32 v25, v31;
	v28 =	vld.idx.msk [tilespmem:v62+s9+$0x0], $0xffff  }
0x14a: {  	vm3 =	vge.f32 v58, v41;
	(xrf1) =	vsort.dscd.msk.f32 $0xffff, v43, v44;
	v23 =	vsel vm2, v25, v31;
	v31 =	vld [tilespmem:s18+$0x20]  }
0x14b: {  	v30 =	vperm.xlane v45, v16;
	v45 =	vperm.xlane v35, v16;
	(xrf1) =	vsort.dscd.msk.f32 $0xffff, v46, v47;
	v50 =	vld.idx.msk [tilespmem:v17+s2+$0x0], $0xffff  }
0x14c: {  	(xrf1) =	vsort.dscd.msk.f32 $0xffff, v19, v26;
	v25 =	vsel vm3, v58, v41;
	v19 =	vld.idx.msk [tilespmem:v20+s9+$0x0], $0xffff;
	v22 =	vsel vm1, v27, v51  }
0x14d: {  	vm1 =	vge.f32 v23, v25;
	v27 =	vld [tilespmem:s18+$0x40];
	v21 =	vsel vm2, v29, v30;
	v29 =	vsel vm3, v57, v45  }
0x14e: {  	s15 =	simm.s32 $0x4080;
	v26 =	vsel vm1, v23, v25;
	(xrf1) =	vsort.dscd.msk.f32 $0xffff, v18, v22;
	v18 =	vld [tilespmem:s18+$0x400];
	v30 =	vsel vm1, v21, v29  }
0x14f: {  	[tilespmem:s15+$0x30] =	vst v24;
	v22 =	vsel vm1, v25, v23;
	v23 =	vld [tilespmem:s18+$0x30];
	v21 =	vsel vm1, v29, v21;
	(xrf1) =	vsort.dscd.msk.f32 $0xffff, v26, v30  }
0x150: {  	(xrf1) =	vsort.dscd.msk.f32 $0xffff, v22, v21;
	v21 =	vld [tilespmem:s18+$0x50];
	[tilespmem:$0x1FE40] =	vst v50  }
0x151: {  	v0 =	vld.idx.msk [tilespmem:v20+s2+$0x0], $0xffff;
	_ =	sdelay $0x3  }
0x152: {  	[tilespmem:s15+$0x0] =	vst v63  }
0x153: {  	[tilespmem:$0x1FE50] =	vst v0  }
0x154: {  	v0 =	vld.idx.msk [tilespmem:v17+s9+$0x0], $0xffff;
	_ =	sdelay $0x3  }
0x155: {  	v25, v26, _ =	vpop (xrf1);
	[tilespmem:s15+$0x10] =	vst v13  }
0x156: {  	v22, v24, _ =	vpop (xrf1);
	[tilespmem:$0x1FE60] =	vst v0  }
0x157: {  	v22 =	vperm.xlane v22, v16;
	v29, v30, _ =	vpop (xrf1);
	[tilespmem:s15+$0x20] =	vst v28;
	v28 =	vand.u32 $0x7FFFFFFF, v48  }
0x158: {  	v35 =	vand.u32 $0x7FFFFFFF, v49;
	v20 =	vperm.xlane v24, v16;
	v24 =	vperm.xlane v25, v16;
	v25, v51, _ =	vpop (xrf1)  }
0x159: {  	s14 =	simm.s32 $0x4180;
	v17 =	vperm.xlane v26, v16;
	v26 =	vperm.xlane v29, v16;
	v29, v52, _ =	vpop (xrf1);
	v13 =	vlaneseq.u32;
	v53 =	vld [tilespmem:s18+$0x410]  }
0x15a: {  	v27 =	vand.u32 $0x7FFFFFFF, v27;
	v18 =	vand.u32 $0x7FFFFFFF, v18;
	v55 =	vld [tilespmem:s18+$0x70];
	[tilespmem:s14+$0x30] =	vst v19;
	(xrf1) =	vsort.dscd.msk.f32 $0xffff, v28, v13;
	v28, v54, _ =	vpop (xrf1)  }
0x15b: {  	v30 =	vperm.xlane v30, v16;
	vm1 =	vge.f32 v29, v22;
	v5 =	vld [tilespmem:$0x1FF90];
	vm2 =	vge.f32 v28, v24  }
0x15c: {  	s19 =	simm.s32 $0x200;
	v29 =	vsel vm1, v29, v22;
	v19 =	vand.u32 $0x7FFFFFFF, v31;
	v56 =	vld [tilespmem:s18+$0x430];
	(xrf1) =	vsort.dscd.msk.f32 $0xffff, v35, v14;
	v24 =	vsel vm2, v28, v24  }
0x15d: {  	s19 =	sand.u32 $0x300, s19;
	v22 =	vand.u32 $0x7FFFFFFF, v23;
	v23 =	vsel vm1, v52, v20;
	v44 =	vld [tilespmem:$0x1FF30];
	(xrf1) =	vsort.dscd.msk.f32 $0xffff, v19, v2;
	vm1 =	vge.f32 v29, v24  }
0x15e: {  	s17 =	sor.u32 s19, s31;
	v21 =	vand.u32 $0x7FFFFFFF, v21;
	v58 =	vld [tilespmem:s18+$0x464];
	v31, v35, _ =	vpop (xrf1);
	(xrf1) =	vsort.dscd.msk.f32 $0xffff, v27, v4;
	v17 =	vsel vm2, v54, v17;
	v59 =	vsel vm1, v29, v24  }
0x15f: {  	v27 =	vld [tilespmem:s17+$0x464];
	v19, v57, _ =	vpop (xrf1);
	(xrf1) =	vsort.dscd.msk.f32 $0xffff, v22, v3;
	v60 =	vand.u32 $0x7FFFFFFF, v53;
	v61 =	vsel vm1, v23, v17;
	[tilespmem:$0x1FC00] =	vst v59  }
0x160: {  	(xrf1) =	vsort.dscd.msk.f32 $0xffff, v21, v5;
	v34, v36, _ =	vpop (xrf1);
	v62 =	vsel vm1, v24, v29;
	v29 =	vand.u32 $0x7FFFFFFF, v55;
	v28 =	vld [tilespmem:s18+$0x60];
	[tilespmem:$0x1FC10] =	vst v61  }
0x161: {  	v33, v0, _ =	vpop (xrf1);
	v45 =	vsel vm1, v17, v23;
	v17 =	vperm.xlane v19, v16;
	v19 =	vand.u32 $0x7FFFFFFF, v56;
	[tilespmem:$0x1FC40] =	vst v62  }
0x162: {  	v25 =	vperm.xlane v25, v16;
	v32 =	vperm.xlane v51, v16;
	(xrf1) =	vsort.dscd.msk.f32 $0xffff, v60, v44;
	v63 =	vld [tilespmem:s18+$0x420];
	[tilespmem:$0x1FC20] =	vst v0  }
0x163: {  	v1 =	vld [tilespmem:$0x1FF10];
	v31 =	vperm.xlane v31, v16;
	v40 =	vand.u32 $0x7FFFFFFF, v58;
	(xrf1) =	vsort.dscd.msk.f32 $0xffff, v29, v7;
	[tilespmem:$0x1FC50] =	vst v45;
	v29, v46, _ =	vpop (xrf1)  }
0x164: {  	v39 =	vperm.xlane v57, v16;
	v40 =	vsel vm0, $0xBF800000, v40;
	(xrf1) =	vsort.dscd.msk.f32 $0xffff, v19, v9;
	v47 =	vld [tilespmem:s17+$0x70];
	vm1 =	vge.f32 v29, v25;
	v19, v48, _ =	vpop (xrf1)  }
0x165: {  	v27 =	vand.u32 $0x7FFFFFFF, v27;
	(xrf1) =	vsort.dscd.msk.f32 $0xffff, v18, v8;
	v18 =	vld [tilespmem:s17+$0x450];
	vm2 =	vge.f32 v19, v26;
	v29 =	vsel vm1, v29, v25  }
0x166: {  	v49 =	vld [tilespmem:s17+$0x430];
	(xrf1) =	vsort.dscd.msk.f32 $0xffff, v40, v12;
	v19 =	vsel vm2, v19, v26;
	v30 =	vsel vm2, v48, v30;
	v28 =	vand.u32 $0x7FFFFFFF, v28  }
0x167: {  	v50 =	vld [tilespmem:s17+$0x460];
	v26 =	vsel vm0, $0xBF800000, v27;
	(xrf1) =	vsort.dscd.msk.f32 $0xffff, v28, v6;
	v28 =	vsel vm1, v46, v32;
	vm1 =	vge.f32 v29, v19  }
0x168: {  	v59 =	vld [tilespmem:s17+$0x30];
	vm2 =	vge.f32 v33, v31;
	v25 =	vand.u32 $0x7FFFFFFF, v63;
	v62 =	vsel vm1, v29, v19  }
0x169: {  	v60 =	vld [tilespmem:s17+$0x50];
	(xrf1) =	vsort.dscd.msk.f32 $0xffff, v25, v1;
	v61 =	vand.u32 $0x7FFFFFFF, v47;
	v52 =	vsel vm1, v28, v30;
	[tilespmem:$0x1FC60] =	vst v62  }
0x16a: {  	v20 =	vmovc v15;
	v53 =	vsel vm1, v19, v29;
	v18 =	vand.u32 $0x7FFFFFFF, v18;
	(xrf1) =	vsort.dscd.msk.f32 $0xffff, v26, v12;
	v63 =	vld [tilespmem:s17+$0x60];
	[tilespmem:$0x1FC70] =	vst v52  }
0x16b: {  	v51 =	vand.u32 $0x7FFFFFFF, v49;
	v19, v43, _ =	vpop (xrf1);
	v54 =	vsel vm1, v30, v28;
	[tilespmem:$0x1FC80] =	vst v53;
	(xrf1) =	vsort.dscd.msk.f32 $0xffff, v61, v7  }
0x16c: {  	vm1 =	vge.f32 v34, v17;
	v57, v56, _ =	vpop (xrf1);
	[tilespmem:$0x1FC90] =	vst v54;
	(xrf1) =	vsort.dscd.msk.f32 $0xffff, v51, v9;
	v51 =	vperm.xlane v35, v16  }
0x16d: {  	v40 =	vand.u32 $0x7FFFFFFF, v50;
	v21 =	vsel vm1, v36, v39;
	v39 =	vperm.xlane v57, v16;
	v55 =	vld [tilespmem:s18+$0x460];
	(xrf1) =	vsort.dscd.msk.f32 $0xffff, v18, v15;
	v18, v47, _ =	vpop (xrf1)  }
0x16e: {  	v52 =	vand.u32 $0x7FFFFFFF, v59;
	v58 =	vld [tilespmem:s17+$0x410];
	v15 =	vsel vm1, v34, v17;
	v17 =	vand.u32 $0x7FFFFFFF, v60;
	[tilespmem:$0x1FC30] =	vst v51;
	v48, v49, _ =	vpop (xrf1)  }
0x16f: {  	v59 =	vmov v3;
	v3 =	vsel vm2, v33, v31;
	vm12 =	vge.f32 v19, v39;
	(xrf1) =	vsort.dscd.msk.f32 $0xffff, v40, v11;
	v53 =	vld [tilespmem:s17+$0x420];
	v60, v61, _ =	vpop (xrf1)  }
0x170: {  	[tilespmem:$0x1FCA0] =	vst v21;
	(xrf1) =	vsort.dscd.msk.f32 $0xffff, v52, v59;
	v62 =	vand.u32 $0x7FFFFFFF, v63;
	v44 =	vperm.xlane v61, v16;
	v61 =	vld [tilespmem:$0x1FF30]  }
0x171: {  	v40 =	vperm.xlane v56, v16;
	v33 =	vld [tilespmem:s18+$0x440];
	(xrf1) =	vsort.dscd.msk.f32 $0xffff, v17, v5;
	v17, v54, _ =	vpop (xrf1);
	v34 =	vperm.xlane v60, v16  }
0x172: {  	v63 =	vld [tilespmem:s18+$0x450];
	v55 =	vand.u32 $0x7FFFFFFF, v55;
	v45 =	vperm.xlane v54, v16;
	(xrf1) =	vsort.dscd.msk.f32 $0xffff, v62, v6;
	v56, v57, _ =	vpop (xrf1);
	v51 =	vperm.xlane v17, v16  }
0x173: {  	v58 =	vand.u32 $0x7FFFFFFF, v58;
	v46 =	vperm.xlane v57, v16;
	v60, v59, _ =	vpop (xrf1);
	(xrf1) =	vsort.dscd.msk.f32 $0xffff, v55, v11;
	v52 =	vperm.xlane v56, v16  }
0x174: {  	vm13 =	vge.f32 v18, v34;
	v41 =	vperm.xlane v59, v16;
	v38 =	vperm.xlane v60, v16;
	v17, v62, _ =	vpop (xrf1)  }
0x175: {  	vm14 =	vge.f32 v48, v51;
	v37 =	vand.u32 $0x7FFFFFFF, v53;
	(xrf1) =	vsort.dscd.msk.f32 $0xffff, v58, v61;
	v42 =	vperm.xlane v62, v16;
	v50, v53, _ =	vpop (xrf1)  }
0x176: {  	v33 =	vand.u32 $0x7FFFFFFF, v33;
	v54 =	vperm.xlane v17, v16;
	(xrf1) =	vsort.dscd.msk.f32 $0xffff, v37, v1;
	v17, v0, _ =	vpop (xrf1);
	vm3 =	vge.f32 v50, v52  }
0x177: {  	v63 =	vand.u32 $0x7FFFFFFF, v63;
	v1 =	vsel vm12, v40, v43;
	(xrf1) =	vsort.dscd.msk.f32 $0xffff, v33, v10;
	v55 =	vperm.xlane v17, v16  }
0x178: {  	v56 =	vperm.xlane v0, v16;
	v57, v58, _ =	vpop (xrf1);
	v17 =	vsel vm12, v19, v39;
	v33 =	vsel vm12, v43, v40  }
0x179: {  	v19 =	vsel vm12, v39, v19;
	v0 =	vsel vm13, v18, v34;
	v34 =	vsel vm13, v34, v18;
	v59, v60, _ =	vpop (xrf1)  }
0x17a: {  	v43 =	vsel vm14, v48, v51;
	(xrf1) =	vsort.dscd.msk.f32 $0xffff, v63, v20;
	vm15 =	vge.f32 v57, v38;
	v61, v62, _ =	vpop (xrf1)  }
0x17b: {  	v48 =	vsel vm14, v51, v48;
	vm8 =	vge.f32 v59, v54;
	v39 =	vsel vm15, v57, v38;
	v63, v35, _ =	vpop (xrf1)  }
0x17c: {  	v40 =	vsel vm15, v58, v41;
	v38 =	vsel vm15, v38, v57;
	v20, v36, _ =	vpop (xrf1);
	(xrf1) =	vsort.dscd.msk.f32 $0xffff, v17, v33  }
0x17d: {  	v41 =	vsel vm15, v41, v58;
	v17 =	vsel vm13, v47, v44;
	v32, v37, _ =	vpop (xrf1);
	(xrf1) =	vsort.dscd.msk.f32 $0xffff, v19, v1  }
0x17e: {  	v57 =	vsel vm8, v59, v54;
	v19 =	vsel vm13, v44, v47;
	v44, v47, _ =	vpop (xrf1);
	(xrf1) =	vsort.dscd.msk.f32 $0xffff, v0, v17  }
0x17f: {  	v58 =	vsel vm8, v60, v42;
	v60 =	vsel vm8, v42, v60;
	v33, v0, _ =	vpop (xrf1);
	(xrf1) =	vsort.dscd.msk.f32 $0xffff, v34, v19  }
0x180: {  	v1 =	vsel vm8, v54, v59;
	v59 =	vsel vm3, v53, v46;
	v31, v34, _ =	vpop (xrf1);
	(xrf1) =	vsort.dscd.msk.f32 $0xffff, v39, v40  }
0x181: {  	v46 =	vsel vm3, v46, v53;
	v30 =	vperm.xlane v20, v16;
	v40, v39, _ =	vpop (xrf1);
	(xrf1) =	vsort.dscd.msk.f32 $0xffff, v38, v41  }
0x182: {  	v34 =	vperm.xlane v34, v16;
	v42, v54, _ =	vpop (xrf1);
	(xrf1) =	vsort.dscd.msk.f32 $0xffff, v57, v58;
	v57 =	vsel vm14, v49, v45  }
0x183: {  	v58 =	vld [tilespmem:s17+$0x440];
	v45 =	vsel vm14, v45, v49;
	vm9 =	vge.f32 v42, v55;
	(xrf1) =	vsort.dscd.msk.f32 $0xffff, v1, v60  }
0x184: {  	v1 =	vsel vm9, v42, v55;
	v60 =	vsel vm9, v54, v56;
	(xrf1) =	vsort.dscd.msk.f32 $0xffff, v43, v57;
	v57 =	vld [tilespmem:s17+$0x10]  }
0x185: {  	v43, v38, _ =	vpop (xrf1);
	v55 =	vsel vm9, v55, v42;
	v54 =	vsel vm9, v56, v54;
	v56 =	vld [tilespmem:s17+$0x20];
	(xrf1) =	vsort.dscd.msk.f32 $0xffff, v1, v60  }
0x186: {  	v42, v41, _ =	vpop (xrf1);
	v1 =	vsel vm3, v50, v52;
	(xrf1) =	vsort.dscd.msk.f32 $0xffff, v55, v54;
	v54 =	vperm.xlane v61, v16  }
0x187: {  	v50 =	vsel vm3, v52, v50;
	v38 =	vperm.xlane v38, v16;
	v49, v51, _ =	vpop (xrf1);
	(xrf1) =	vsort.dscd.msk.f32 $0xffff, v48, v45  }
0x188: {  	v55 =	vperm.xlane v62, v16;
	v60 =	vand.u32 $0x7FFFFFFF, v58;
	v45, v48, _ =	vpop (xrf1);
	vm3 =	vge.f32 v44, v54  }
0x189: {  	(xrf1) =	vsort.dscd.msk.f32 $0xffff, v1, v59;
	v52 =	vld [tilespmem:s17+$0x40];
	v45 =	vperm.xlane v45, v16;
	v1 =	vand.u32 $0x7FFFFFFF, v57;
	v48 =	vperm.xlane v48, v16  }
0x18a: {  	v56 =	vand.u32 $0x7FFFFFFF, v56;
	v22 =	vsel vm3, v44, v54;
	v21 =	vsel vm3, v47, v55;
	(xrf1) =	vsort.dscd.msk.f32 $0xffff, v50, v46;
	v46 =	vld [tilespmem:s17+$0x400]  }
0x18b: {  	v58 =	vld [tilespmem:s17+$0x0];
	v54 =	vsel vm3, v54, v44;
	v53, v57, _ =	vpop (xrf1);
	(xrf1) =	vsort.dscd.msk.f32 $0xffff, v60, v10;
	vm10 =	vge.f32 v49, v45  }
0x18c: {  	v47 =	vsel vm3, v55, v47;
	v50, v59, _ =	vpop (xrf1);
	(xrf1) =	vsort.dscd.msk.f32 $0xffff, v1, v14;
	v60 =	vsel vm10, v49, v45  }
0x18d: {  	v61 =	vsel vm10, v51, v48;
	v45 =	vsel vm10, v45, v49;
	(xrf1) =	vsort.dscd.msk.f32 $0xffff, v56, v2;
	v56, v14, _ =	vpop (xrf1)  }
0x18e: {  	v48 =	vsel vm10, v48, v51;
	v49, v1, _ =	vpop (xrf1);
	(xrf1) =	vsort.dscd.msk.f32 $0xffff, v60, v61;
	v52 =	vand.u32 $0x7FFFFFFF, v52;
	v60 =	vperm.xlane v63, v16  }
0x18f: {  	v56 =	vperm.xlane v56, v16;
	(xrf1) =	vsort.dscd.msk.f32 $0xffff, v45, v48;
	v45 =	vand.u32 $0x7FFFFFFF, v46;
	v46 =	vperm.xlane v1, v16  }
0x190: {  	v58 =	vand.u32 $0x7FFFFFFF, v58;
	v61, v63, _ =	vpop (xrf1);
	v48 =	vperm.xlane v14, v16;
	v49 =	vperm.xlane v49, v16;
	(xrf1) =	vsort.dscd.msk.f32 $0xffff, v52, v4  }
0x191: {  	v51, v14, _ =	vpop (xrf1);
	v63 =	vperm.xlane v63, v16;
	v61 =	vperm.xlane v61, v16;
	vm11 =	vge.f32 v50, v56  }
0x192: {  	v1 =	vmov v4;
	(xrf1) =	vsort.dscd.msk.f32 $0xffff, v45, v8;
	v4, v62, _ =	vpop (xrf1);
	v52 =	vperm.xlane v14, v16;
	v51 =	vperm.xlane v51, v16  }
0x193: {  	vm3 =	vge.f32 v53, v49;
	v48 =	vsel vm11, v59, v48;
	v50 =	vsel vm11, v50, v56;
	v14, v17, _ =	vpop (xrf1)  }
0x194: {  	(xrf1) =	vsort.dscd.msk.f32 $0xffff, v58, v13;
	v62 =	vperm.xlane v62, v16;
	v45 =	vperm.xlane v4, v16;
	v20, v25, _ =	vpop (xrf1)  }
0x195: {  	v49 =	vsel vm3, v53, v49;
	v53 =	vsel vm3, v57, v46;
	v26 =	vperm.xlane v17, v16;
	v19, v18, _ =	vpop (xrf1)  }
0x196: {  	v58 =	vperm.xlane v14, v16;
	vm12 =	vge.f32 v20, v51;
	v4, v17, _ =	vpop (xrf1);
	v28 =	vperm.xlane v18, v16  }
0x197: {  	v19 =	vperm.xlane v19, v16;
	(xrf1) =	vsort.dscd.msk.f32 $0xffff, v22, v21;
	v25 =	vsel vm12, v25, v52;
	v13, v23, _ =	vpop (xrf1)  }
0x198: {  	v20 =	vsel vm12, v20, v51;
	v27 =	vperm.xlane v17, v16;
	v22, v21, _ =	vpop (xrf1);
	vm13 =	vge.f32 v13, v61  }
0x199: {  	v44 =	vperm.xlane v4, v16;
	v17, v18, _ =	vpop (xrf1);
	vm14 =	vge.f32 v22, v58;
	v23 =	vsel vm13, v23, v63  }
0x19a: {  	v55 =	vsel vm13, v13, v61;
	v24, v29, _ =	vpop (xrf1);
	vm3 =	vge.f32 v17, v45;
	v21 =	vsel vm14, v21, v26  }
0x19b: {  	v22 =	vsel vm14, v22, v58;
	vm6 =	vge.f32 v20, v55;
	v57, v46, _ =	vpop (xrf1);
	v18 =	vsel vm3, v18, v62  }
0x19c: {  	v17 =	vsel vm3, v17, v45;
	vm3 =	vge.f32 v49, v50;
	v13 =	vsel vm6, v20, v55;
	v52, v56, _ =	vpop (xrf1)  }
0x19d: {  	v20 =	vsel vm6, v55, v20;
	vm7 =	vge.f32 v22, v17;
	v63 =	vsel vm3, v49, v50;
	v26, v14, _ =	vpop (xrf1)  }
0x19e: {  	v4 =	vsel vm3, v53, v48;
	v49 =	vsel vm3, v50, v49;
	v62, v61, _ =	vpop (xrf1);
	vm15 =	vge.f32 v26, v44  }
0x19f: {  	(xrf1) =	vsort.dscd.msk.f32 $0xffff, v63, v4;
	vm9 =	vge.f32 v62, v19;
	v27 =	vsel vm15, v14, v27  }
0x1a0: {  	v26 =	vsel vm15, v26, v44;
	v14 =	vsel vm6, v25, v23;
	v23 =	vsel vm6, v23, v25  }
0x1a1: {  	v25 =	vsel vm3, v48, v53;
	v19 =	vsel vm9, v62, v19;
	(xrf1) =	vsort.dscd.msk.f32 $0xffff, v13, v14  }
0x1a2: {  	v28 =	vsel vm9, v61, v28;
	vm3 =	vge.f32 v26, v19;
	(xrf1) =	vsort.dscd.msk.f32 $0xffff, v20, v23  }
0x1a3: {  	v20 =	vsel vm3, v19, v26;
	v23 =	vsel vm3, v28, v27;
	(xrf1) =	vsort.dscd.msk.f32 $0xffff, v49, v25  }
0x1a4: {  	v19 =	vsel vm3, v26, v19;
	v25 =	vsel vm3, v27, v28;
	(xrf1) =	vsort.dscd.msk.f32 $0xffff, v20, v23  }
0x1a5: {  	v20 =	vsel vm7, v22, v17;
	v23 =	vsel vm7, v21, v18;
	(xrf1) =	vsort.dscd.msk.f32 $0xffff, v19, v25  }
0x1a6: {  	v17 =	vsel vm7, v17, v22;
	v18 =	vsel vm7, v18, v21;
	(xrf1) =	vsort.dscd.msk.f32 $0xffff, v20, v23  }
0x1a7: {  	vm10 =	vge.f32 v42, v30;
	v55 =	vperm.xlane v0, v16;
	(xrf1) =	vsort.dscd.msk.f32 $0xffff, v17, v18  }
0x1a8: {  	v50 =	vsel vm10, v42, v30;
	v30 =	vsel vm10, v30, v42;
	vm3 =	vge.f32 v40, v60  }
0x1a9: {  	v49 =	vperm.xlane v43, v16;
	v26 =	vsel vm3, v40, v60;
	v19 =	vperm.xlane v35, v16  }
0x1aa: {  	v21, v22, _ =	vpop (xrf1);
	v48 =	vsel vm3, v60, v40;
	v25 =	vperm.xlane v31, v16;
	v20 =	vperm.xlane v32, v16  }
0x1ab: {  	v27, v28, _ =	vpop (xrf1);
	v23 =	vperm.xlane v33, v16;
	v18 =	vperm.xlane v37, v16;
	v31 =	vsel vm3, v39, v19  }
0x1ac: {  	v17 =	vperm.xlane v36, v16;
	v35, v36, _ =	vpop (xrf1);
	v19 =	vsel vm3, v19, v39;
	vm11 =	vge.f32 v24, v20  }
0x1ad: {  	(xrf1) =	vsort.dscd.msk.f32 $0xffff, v54, v47;
	v40, v43, _ =	vpop (xrf1);
	v53 =	vsel vm11, v24, v20;
	v54 =	vsel vm11, v29, v18  }
0x1ae: {  	v20 =	vsel vm11, v20, v24;
	v18 =	vsel vm11, v18, v29;
	(xrf1) =	vsort.dscd.msk.f32 $0xffff, v26, v31;
	v24, v29, _ =	vpop (xrf1)  }
0x1af: {  	v51 =	vsel vm10, v41, v17;
	v17 =	vsel vm10, v17, v41;
	(xrf1) =	vsort.dscd.msk.f32 $0xffff, v48, v19;
	v26, v31, _ =	vpop (xrf1)  }
0x1b0: {  	vm9 =	vge.f32 v21, v25;
	vm3 =	vge.f32 v52, v23;
	(xrf1) =	vsort.dscd.msk.f32 $0xffff, v50, v51;
	v19, v32, _ =	vpop (xrf1)  }
0x1b1: {  	vm10 =	vge.f32 v27, v49;
	(xrf1) =	vsort.dscd.msk.f32 $0xffff, v30, v17;
	v26 =	vperm.xlane v26, v16;
	v37, v39, _ =	vpop (xrf1)  }
0x1b2: {  	(xrf1) =	vsort.dscd.msk.f32 $0xffff, v53, v54;
	v31 =	vperm.xlane v31, v16;
	v19 =	vperm.xlane v19, v16;
	v17, v30, _ =	vpop (xrf1)  }
0x1b3: {  	v32 =	vperm.xlane v32, v16;
	vm13 =	vge.f32 v37, v26;
	v17 =	vperm.xlane v17, v16;
	v41, v42, _ =	vpop (xrf1)  }
0x1b4: {  	v30 =	vperm.xlane v30, v16;
	vm12 =	vge.f32 v24, v19;
	v41 =	vperm.xlane v41, v16;
	v58, v59, _ =	vpop (xrf1)  }
0x1b5: {  	v31 =	vsel vm13, v39, v31;
	v29 =	vsel vm12, v29, v32;
	v60 =	vperm.xlane v42, v16;
	v61, v62, _ =	vpop (xrf1)  }
0x1b6: {  	v19 =	vsel vm12, v24, v19;
	vm14 =	vge.f32 v58, v17;
	vm15 =	vge.f32 v61, v41  }
0x1b7: {  	v24 =	vsel vm13, v37, v26;
	v17 =	vsel vm14, v58, v17;
	v26 =	vsel vm15, v61, v41  }
0x1b8: {  	v30 =	vsel vm14, v59, v30;
	v32 =	vsel vm15, v62, v60;
	vm8 =	vge.f32 v17, v26  }
0x1b9: {  	vm5 =	vge.f32 v19, v24;
	v63 =	vsel vm8, v17, v26;
	v0 =	vsel vm8, v30, v32  }
0x1ba: {  	v17 =	vsel vm8, v26, v17;
	v26 =	vsel vm8, v32, v30;
	(xrf1) =	vsort.dscd.msk.f32 $0xffff, v63, v0  }
0x1bb: {  	v4 =	vsel vm5, v29, v31;
	v30 =	vsel vm5, v19, v24;
	(xrf1) =	vsort.dscd.msk.f32 $0xffff, v17, v26  }
0x1bc: {  	v17 =	vsel vm5, v24, v19;
	v19 =	vsel vm5, v31, v29;
	(xrf1) =	vsort.dscd.msk.f32 $0xffff, v30, v4  }
0x1bd: {  	v13 =	vsel vm10, v27, v49;
	v14 =	vsel vm10, v28, v38;
	(xrf1) =	vsort.dscd.msk.f32 $0xffff, v17, v19  }
0x1be: {  	v48 =	vperm.xlane v46, v16;
	v27 =	vsel vm10, v49, v27;
	(xrf1) =	vsort.dscd.msk.f32 $0xffff, v20, v18  }
0x1bf: {  	v28 =	vsel vm10, v38, v28;
	v29 =	vsel vm9, v21, v25;
	v21 =	vsel vm9, v25, v21  }
0x1c0: {  	v17 =	vperm.xlane v57, v16;
	v19 =	vsel vm3, v52, v23;
	v18 =	vsel vm3, v56, v55  }
0x1c1: {  	v24, v26, _ =	vpop (xrf1);
	v20 =	vsel vm3, v23, v52;
	v23 =	vsel vm3, v55, v56;
	(xrf1) =	vsort.dscd.msk.f32 $0xffff, v19, v18  }
0x1c2: {  	v30 =	vsel vm9, v22, v34;
	v22 =	vsel vm9, v34, v22;
	v25, v31, _ =	vpop (xrf1);
	(xrf1) =	vsort.dscd.msk.f32 $0xffff, v20, v23  }
0x1c3: {  	v24 =	vperm.xlane v24, v16;
	vm3 =	vge.f32 v35, v17;
	v25 =	vperm.xlane v25, v16  }
0x1c4: {  	v37, v39, _ =	vpop (xrf1);
	v31 =	vperm.xlane v31, v16;
	v51 =	vsel vm3, v35, v17;
	v52 =	vsel vm3, v36, v48  }
0x1c5: {  	v49, v50, _ =	vpop (xrf1);
	v17 =	vsel vm3, v17, v35;
	v53 =	vsel vm3, v48, v36;
	(xrf1) =	vsort.dscd.msk.f32 $0xffff, v29, v30  }
0x1c6: {  	v18, v19, _ =	vpop (xrf1);
	v29 =	vperm.xlane v40, v16;
	v30 =	vperm.xlane v49, v16;
	(xrf1) =	vsort.dscd.msk.f32 $0xffff, v21, v22  }
0x1c7: {  	v38 =	vperm.xlane v50, v16;
	v20, v23, _ =	vpop (xrf1);
	v21 =	vperm.xlane v26, v16;
	(xrf1) =	vsort.dscd.msk.f32 $0xffff, v13, v14  }
0x1c8: {  	v22 =	vperm.xlane v43, v16;
	v26 =	vperm.xlane v37, v16;
	(xrf1) =	vsort.dscd.msk.f32 $0xffff, v27, v28;
	v27, v28, _ =	vpop (xrf1)  }
0x1c9: {  	v18 =	vperm.xlane v18, v16;
	v19 =	vperm.xlane v19, v16;
	(xrf1) =	vsort.dscd.msk.f32 $0xffff, v51, v52;
	v54, v55, _ =	vpop (xrf1)  }
0x1ca: {  	vm3 =	vge.f32 v20, v24;
	(xrf1) =	vsort.dscd.msk.f32 $0xffff, v17, v53;
	v32 =	vperm.xlane v54, v16;
	v17, v56, _ =	vpop (xrf1)  }
0x1cb: {  	v20 =	vsel vm3, v20, v24;
	v21 =	vsel vm3, v23, v21;
	v27 =	vperm.xlane v27, v16;
	v24, v57, _ =	vpop (xrf1)  }
0x1cc: {  	v28 =	vperm.xlane v28, v16;
	v23 =	vperm.xlane v55, v16;
	vm3 =	vge.f32 v17, v32;
	v58, v36, _ =	vpop (xrf1)  }
0x1cd: {  	vm11 =	vge.f32 v24, v27;
	vm12 =	vge.f32 v58, v29;
	v17 =	vsel vm3, v17, v32  }
0x1ce: {  	v24 =	vsel vm11, v24, v27;
	v23 =	vsel vm3, v56, v23;
	v27 =	vsel vm11, v57, v28  }
0x1cf: {  	v62, v61, _ =	vpop (xrf1);
	vm3 =	vge.f32 v17, v24;
	v28 =	vsel vm12, v58, v29;
	v22 =	vsel vm12, v36, v22  }
0x1d0: {  	v33 =	vperm.xlane v62, v16;
	v4, v0, _ =	vpop (xrf1);
	v29 =	vsel vm3, v24, v17;
	v59 =	vsel vm3, v27, v23  }
0x1d1: {  	vm13 =	vge.f32 v20, v28;
	v36 =	vperm.xlane v4, v16;
	v17 =	vsel vm3, v17, v24  }
0x1d2: {  	v23 =	vsel vm3, v23, v27;
	(xrf1) =	vsort.dscd.msk.f32 $0xffff, v29, v59;
	v29 =	vperm.xlane v39, v16  }
0x1d3: {  	v60 =	vsel vm13, v20, v28;
	v63 =	vsel vm13, v21, v22;
	v24, v27, _ =	vpop (xrf1);
	(xrf1) =	vsort.dscd.msk.f32 $0xffff, v17, v23  }
0x1d4: {  	v17 =	vsel vm13, v28, v20;
	v20 =	vsel vm13, v22, v21;
	vm3 =	vge.f32 v24, v26;
	v14, v13, _ =	vpop (xrf1)  }
0x1d5: {  	v45 =	vld [tilespmem:$0x1FC60];
	(xrf1) =	vsort.dscd.msk.f32 $0xffff, v60, v63;
	vm14 =	vge.f32 v14, v25;
	v21, v22, _ =	vpop (xrf1);
	v23 =	vsel vm3, v24, v26  }
0x1d6: {  	v44 =	vld [tilespmem:$0x1FC50];
	(xrf1) =	vsort.dscd.msk.f32 $0xffff, v17, v20;
	v24 =	vsel vm14, v14, v25;
	vm15 =	vge.f32 v21, v18;
	v25, v26, _ =	vpop (xrf1)  }
0x1d7: {  	v47 =	vld [tilespmem:$0x1FC80];
	v18 =	vsel vm15, v21, v18;
	vm9 =	vge.f32 v25, v30;
	vm10 =	vge.f32 v23, v24  }
0x1d8: {  	v42 =	vld [tilespmem:$0x1FC30];
	v17, v20, _ =	vpop (xrf1);
	v19 =	vsel vm15, v22, v19;
	v21 =	vsel vm9, v25, v30;
	v25 =	vsel vm3, v27, v29  }
0x1d9: {  	v41 =	vld [tilespmem:$0x1FC20];
	v27 =	vsel vm14, v13, v31;
	vm11 =	vge.f32 v17, v36;
	v28 =	vsel vm10, v23, v24  }
0x1da: {  	v40 =	vld [tilespmem:$0x1FC10];
	v23 =	vsel vm10, v24, v23;
	v29 =	vsel vm10, v25, v27;
	v24 =	vsel vm10, v27, v25  }
0x1db: {  	v39 =	vld [tilespmem:$0x1FC00];
	v22 =	vsel vm9, v26, v38;
	vm3 =	vge.f32 v18, v21;
	(xrf1) =	vsort.dscd.msk.f32 $0xffff, v28, v29  }
0x1dc: {  	s21 =	simm.s32 $0x600;
	v43 =	vld [tilespmem:$0x1FC40];
	v26 =	vperm.xlane v0, v16;
	v17 =	vsel vm11, v17, v36;
	v25 =	vsel vm3, v18, v21  }
0x1dd: {  	s22 =	simm.s32 $0x380;
	s17 =	sand.u32 $0x1800, s21;
	v46 =	vld [tilespmem:$0x1FC70];
	v27 =	vsel vm3, v19, v22;
	v18 =	vsel vm3, v21, v18;
	(xrf1) =	vsort.dscd.msk.f32 $0xffff, v23, v24  }
0x1de: {  	s18 =	sand.u32 $0x380, s22;
	s17 =	sor.u32 $0x2000, s17;
	v48 =	vld [tilespmem:$0x1FC90];
	v19 =	vsel vm3, v22, v19;
	v21 =	vperm.xlane v61, v16;
	(xrf1) =	vsort.dscd.msk.f32 $0xffff, v25, v27;
	v23, v24, _ =	vpop (xrf1)  }
0x1df: {  	s18 =	sor.u32 s18, s17;
	v49 =	vld [tilespmem:$0x1FCA0];
	v20 =	vsel vm11, v20, v26;
	(xrf1) =	vsort.dscd.msk.f32 $0xffff, v18, v19;
	vm3 =	vge.f32 v23, v33  }
0x1e0: {  	v22 =	vld [tilespmem:s18+$0x0];
	v19 =	vsel vm2, v41, v42;
	(xrf1) =	vsort.dscd.msk.f32 $0xffff, v39, v40;
	v18 =	vsel vm3, v23, v33  }
0x1e1: {  	v26 =	vld [tilespmem:s18+$0x20];
	(xrf1) =	vsort.dscd.msk.f32 $0xffff, v43, v44;
	v21 =	vsel vm3, v24, v21;
	vm2 =	vge.f32 v17, v18  }
0x1e2: {  	v23 =	vld [tilespmem:s18+$0x10];
	(xrf1) =	vsort.dscd.msk.f32 $0xffff, v45, v46;
	v24 =	vsel vm2, v17, v18;
	v25 =	vsel vm2, v20, v21  }
0x1e3: {  	(xrf1) =	vsort.dscd.msk.f32 $0xffff, v47, v48;
	v17 =	vsel vm2, v18, v17;
	v18 =	vsel vm2, v21, v20;
	v20 =	vld [tilespmem:s18+$0x40];
	_, v47, _ =	vpop (xrf1)  }
0x1e4: {  	vm1 =	vge.f32 v15, v3;
	(xrf1) =	vsort.dscd.msk.f32 $0xffff, v24, v25;
	v25 =	vld [tilespmem:s18+$0x30];
	_, v50, _ =	vpop (xrf1)  }
0x1e5: {  	v21 =	vsel vm1, v15, v3;
	(xrf1) =	vsort.dscd.msk.f32 $0xffff, v17, v18;
	v17 =	vld [tilespmem:s18+$0x400];
	v18 =	vsel vm1, v49, v19;
	[tilespmem:$0x1FCB0] =	vst v50;
	v51, v52, _ =	vpop (xrf1)  }
0x1e6: {  	(xrf1) =	vsort.dscd.msk.f32 $0xffff, v21, v18;
	v18 =	vld [tilespmem:s18+$0x50];
	[tilespmem:$0x1FCD0] =	vst v51  }
0x1e7: {  	v14 =	vld [tilespmem:$0x1FF70];
	v24 =	vsel vm1, v3, v15;
	v19 =	vsel vm1, v19, v49;
	[tilespmem:$0x1FD00] =	vst v52;
	v53, v54, _ =	vpop (xrf1)  }
0x1e8: {  	(xrf1) =	vsort.dscd.msk.f32 $0xffff, v24, v19;
	v19 =	vand.u32 $0x7FFFFFFF, v22;
	v22 =	vld [tilespmem:s18+$0x410];
	[tilespmem:$0x1FCC0] =	vst v53  }
0x1e9: {  	[tilespmem:$0x1FCE0] =	vst v54;
	v55, v56, _ =	vpop (xrf1)  }
0x1ea: {  	v13 =	vlaneseq.u32;
	v21 =	vand.u32 $0x7FFFFFFF, v23;
	v23 =	vld [tilespmem:s18+$0x70];
	[tilespmem:$0x1FD30] =	vst v55  }
0x1eb: {  	(xrf1) =	vsort.dscd.msk.f32 $0xffff, v19, v13;
	[tilespmem:$0x1FD70] =	vst v56;
	v58, v57, _ =	vpop (xrf1)  }
0x1ec: {  	(xrf1) =	vsort.dscd.msk.f32 $0xffff, v21, v14;
	v21 =	vld [tilespmem:s18+$0x430];
	[tilespmem:$0x1FD40] =	vst v58  }
0x1ed: {  	s23 =	simm.s32 $0x300;
	v4 =	vld [tilespmem:$0x1FFF0];
	[tilespmem:$0x1FD60] =	vst v57;
	v60, v59, _ =	vpop (xrf1)  }
0x1ee: {  	s19 =	sand.u32 $0x300, s23;
	v19 =	vand.u32 $0x7FFFFFFF, v26;
	v24 =	vld [tilespmem:s18+$0x464];
	[tilespmem:$0x1FCF0] =	vst v60  }
0x1ef: {  	s17 =	sor.u32 s19, s17;
	v20 =	vand.u32 $0x7FFFFFFF, v20;
	(xrf1) =	vsort.dscd.msk.f32 $0xffff, v19, v2;
	[tilespmem:$0x1FD20] =	vst v59;
	v61, v62, _ =	vpop (xrf1)  }
0x1f0: {  	(xrf1) =	vsort.dscd.msk.f32 $0xffff, v20, v1;
	v20 =	vld [tilespmem:s17+$0x464];
	[tilespmem:$0x1FD10] =	vst v61  }
0x1f1: {  	v33 =	vld [tilespmem:$0x1FF30];
	v19 =	vand.u32 $0x7FFFFFFF, v25;
	[tilespmem:$0x1FD50] =	vst v62;
	v63, v32, _ =	vpop (xrf1)  }
0x1f2: {  	(xrf1) =	vsort.dscd.msk.f32 $0xffff, v19, v4;
	v19 =	vld [tilespmem:s18+$0x60];
	[tilespmem:$0x1FDA0] =	vst v63  }
0x1f3: {  	v18 =	vand.u32 $0x7FFFFFFF, v18;
	[tilespmem:$0x1FDE0] =	vst v32;
	v34, v35, _ =	vpop (xrf1)  }
0x1f4: {  	(xrf1) =	vsort.dscd.msk.f32 $0xffff, v18, v5;
	v18 =	vand.u32 $0x7FFFFFFF, v23;
	v23 =	vld [tilespmem:s18+$0x420];
	[tilespmem:$0x1FD90] =	vst v34  }
0x1f5: {  	[tilespmem:$0x1FDC0] =	vst v35;
	v37, v38, _ =	vpop (xrf1)  }
0x1f6: {  	v22 =	vand.u32 $0x7FFFFFFF, v22;
	[tilespmem:$0x1FDD0] =	vst v37  }
0x1f7: {  	v15 =	vld [tilespmem:$0x1FF20];
	(xrf1) =	vsort.dscd.msk.f32 $0xffff, v22, v33;
	[tilespmem:$0x1FE00] =	vst v38;
	v39, v40, _ =	vpop (xrf1)  }
0x1f8: {  	(xrf1) =	vsort.dscd.msk.f32 $0xffff, v18, v7;
	v18 =	vld [tilespmem:s17+$0x70];
	[tilespmem:$0x1FDF0] =	vst v39  }
0x1f9: {  	v36 =	vmov v2;
	v3 =	vmov v1;
	v2 =	vld [tilespmem:$0x1FF10];
	v21 =	vand.u32 $0x7FFFFFFF, v21;
	[tilespmem:$0x1FE10] =	vst v40;
	v1, v41, _ =	vpop (xrf1)  }
0x1fa: {  	v17 =	vand.u32 $0x7FFFFFFF, v17;
	v22 =	vand.u32 $0x7FFFFFFF, v24;
	(xrf1) =	vsort.dscd.msk.f32 $0xffff, v21, v9;
	v21 =	vld [tilespmem:s17+$0x430];
	[tilespmem:$0x1FD80] =	vst v41;
	v46, v42, _ =	vpop (xrf1)  }
0x1fb: {  	v22 =	vsel vm0, $0xBF800000, v22;
	(xrf1) =	vsort.dscd.msk.f32 $0xffff, v17, v8;
	v17 =	vld [tilespmem:s17+$0x450];
	[tilespmem:$0x1FDB0] =	vst v42;
	_, v43, _ =	vpop (xrf1)  }
0x1fc: {  	v20 =	vand.u32 $0x7FFFFFFF, v20;
	v19 =	vand.u32 $0x7FFFFFFF, v19;
	(xrf1) =	vsort.dscd.msk.f32 $0xffff, v22, v12;
	v22 =	vld [tilespmem:s17+$0x460];
	[tilespmem:$0x1FE20] =	vst v43;
	_, v44, _ =	vpop (xrf1)  }
0x1fd: {  	v23 =	vand.u32 $0x7FFFFFFF, v23;
	(xrf1) =	vsort.dscd.msk.f32 $0xffff, v19, v6;
	v19 =	vsel vm0, $0xBF800000, v20;
	v20 =	vld [tilespmem:s17+$0x30];
	[tilespmem:$0x1FE30] =	vst v44  }
0x1fe: {  	(xrf1) =	vsort.dscd.msk.f32 $0xffff, v23, v2;
	v23 =	vld [tilespmem:s17+$0x50]  }
0x1ff: {  	v18 =	vand.u32 $0x7FFFFFFF, v18;
	(xrf1) =	vsort.dscd.msk.f32 $0xffff, v19, v12;
	v19 =	vld [tilespmem:s17+$0x60];
	v21 =	vand.u32 $0x7FFFFFFF, v21  }
0x200: {  	v25 =	vld [tilespmem:s18+$0x460];
	(xrf1) =	vsort.dscd.msk.f32 $0xffff, v18, v7  }
0x201: {  	v45, v54, _ =	vpop (xrf1);
	v27 =	vld [tilespmem:s17+$0x410];
	v17 =	vand.u32 $0x7FFFFFFF, v17;
	(xrf1) =	vsort.dscd.msk.f32 $0xffff, v21, v9  }
0x202: {  	v29 =	vld [tilespmem:s17+$0x420];
	v22 =	vand.u32 $0x7FFFFFFF, v22;
	v21, v26, _ =	vpop (xrf1);
	(xrf1) =	vsort.dscd.msk.f32 $0xffff, v17, v15  }
0x203: {  	v20 =	vand.u32 $0x7FFFFFFF, v20;
	v28, v32, _ =	vpop (xrf1);
	(xrf1) =	vsort.dscd.msk.f32 $0xffff, v22, v11;
	v22 =	vand.u32 $0x7FFFFFFF, v23;
	v23 =	vld [tilespmem:s18+$0x440];
	_ =	sdelay $0x1  }
0x204: {  	v42 =	vld [tilespmem:$0x1FF30];
	v19 =	vand.u32 $0x7FFFFFFF, v19;
	v56, v58, _ =	vpop (xrf1);
	(xrf1) =	vsort.dscd.msk.f32 $0xffff, v20, v4  }
0x205: {  	v20, v30, _ =	vpop (xrf1);
	(xrf1) =	vsort.dscd.msk.f32 $0xffff, v22, v5  }
0x206: {  	v53 =	vld [tilespmem:s18+$0x450];
	v21 =	vperm.xlane v21, v16;
	v37 =	vperm.xlane v26, v16;
	v25 =	vand.u32 $0x7FFFFFFF, v25;
	v22, v38, _ =	vpop (xrf1);
	(xrf1) =	vsort.dscd.msk.f32 $0xffff, v19, v6  }
0x207: {  	v27 =	vand.u32 $0x7FFFFFFF, v27;
	v19, v39, _ =	vpop (xrf1);
	(xrf1) =	vsort.dscd.msk.f32 $0xffff, v25, v11;
	v25 =	vand.u32 $0x7FFFFFFF, v29;
	v23 =	vand.u32 $0x7FFFFFFF, v23  }
0x208: {  	vm3 =	vge.f32 v45, v21;
	v30 =	vperm.xlane v30, v16;
	v20 =	vperm.xlane v20, v16;
	v41, v40, _ =	vpop (xrf1)  }
0x209: {  	v29 =	vperm.xlane v22, v16;
	v63 =	vperm.xlane v19, v16;
	(xrf1) =	vsort.dscd.msk.f32 $0xffff, v27, v42;
	v19, v22, _ =	vpop (xrf1)  }
0x20a: {  	v43 =	vsel vm3, v45, v21;
	v0 =	vsel vm3, v54, v37;
	(xrf1) =	vsort.dscd.msk.f32 $0xffff, v25, v2;
	v25, v33, _ =	vpop (xrf1)  }
0x20b: {  	v48 =	vand.u32 $0x7FFFFFFF, v53;
	v26 =	vsel vm3, v21, v45;
	v52 =	vperm.xlane v19, v16;
	(xrf1) =	vsort.dscd.msk.f32 $0xffff, v23, v10;
	v19, v23, _ =	vpop (xrf1)  }
0x20c: {  	v17 =	vsel vm3, v37, v54;
	v59 =	vperm.xlane v38, v16;
	v53 =	vperm.xlane v19, v16;
	v19, v51, _ =	vpop (xrf1)  }
0x20d: {  	v60 =	vperm.xlane v39, v16;
	vm12 =	vge.f32 v28, v20;
	v31 =	vperm.xlane v22, v16;
	v24, v22, _ =	vpop (xrf1)  }
0x20e: {  	v27 =	vperm.xlane v40, v16;
	v49 =	vperm.xlane v41, v16;
	vm2 =	vge.f32 v56, v29;
	v34, v35, _ =	vpop (xrf1)  }
0x20f: {  	v18 =	vsel vm12, v28, v20;
	v37 =	vsel vm12, v32, v30;
	(xrf1) =	vsort.dscd.msk.f32 $0xffff, v48, v15;
	v45, v62, _ =	vpop (xrf1)  }
0x210: {  	v20 =	vsel vm12, v20, v28;
	v23 =	vperm.xlane v23, v16;
	v61, v57, _ =	vpop (xrf1);
	(xrf1) =	vsort.dscd.msk.f32 $0xffff, v43, v0  }
0x211: {  	vm13 =	vge.f32 v19, v49;
	vm14 =	vge.f32 v24, v52;
	v55, v54, _ =	vpop (xrf1);
	(xrf1) =	vsort.dscd.msk.f32 $0xffff, v26, v17  }
0x212: {  	v38 =	vsel vm13, v51, v27;
	v17 =	vsel vm12, v30, v32;
	v40, v43, _ =	vpop (xrf1);
	(xrf1) =	vsort.dscd.msk.f32 $0xffff, v18, v37  }
0x213: {  	v30 =	vsel vm2, v56, v29;
	v18 =	vsel vm13, v19, v49;
	(xrf1) =	vsort.dscd.msk.f32 $0xffff, v20, v17;
	v50, v48, _ =	vpop (xrf1)  }
0x214: {  	v17 =	vsel vm13, v49, v19;
	v19 =	vsel vm13, v27, v51;
	v51, v49, _ =	vpop (xrf1);
	(xrf1) =	vsort.dscd.msk.f32 $0xffff, v18, v38  }
0x215: {  	v20 =	vsel vm14, v22, v31;
	v18 =	vsel vm14, v24, v52;
	(xrf1) =	vsort.dscd.msk.f32 $0xffff, v17, v19;
	v38, v42, _ =	vpop (xrf1)  }
0x216: {  	v22 =	vsel vm14, v31, v22;
	v17 =	vsel vm14, v52, v24;
	v24, v31, _ =	vpop (xrf1);
	(xrf1) =	vsort.dscd.msk.f32 $0xffff, v18, v20  }
0x217: {  	v18 =	vsel vm2, v58, v59;
	vm3 =	vge.f32 v24, v53;
	(xrf1) =	vsort.dscd.msk.f32 $0xffff, v17, v22  }
0x218: {  	v17 =	vld [tilespmem:s17+$0x440];
	v20 =	vsel vm3, v24, v53;
	v22 =	vsel vm3, v31, v23;
	v24 =	vsel vm3, v53, v24  }
0x219: {  	(xrf1) =	vsort.dscd.msk.f32 $0xffff, v30, v18;
	v23 =	vsel vm3, v23, v31;
	v31 =	vsel vm2, v59, v58  }
0x21a: {  	vm1 =	vge.f32 v25, v63;
	v29 =	vsel vm2, v29, v56;
	v18 =	vld [tilespmem:s17+$0x10];
	v53, v52, _ =	vpop (xrf1);
	(xrf1) =	vsort.dscd.msk.f32 $0xffff, v20, v22  }
0x21b: {  	v39 =	vsel vm1, v25, v63;
	v20 =	vld [tilespmem:s17+$0x20];
	v41, v44, _ =	vpop (xrf1);
	(xrf1) =	vsort.dscd.msk.f32 $0xffff, v24, v23  }
0x21c: {  	v0 =	vsel vm1, v33, v60;
	v33 =	vsel vm1, v60, v33;
	v23, v24, _ =	vpop (xrf1);
	(xrf1) =	vsort.dscd.msk.f32 $0xffff, v29, v31  }
0x21d: {  	v25 =	vsel vm1, v63, v25;
	v17 =	vand.u32 $0x7FFFFFFF, v17;
	v29, v31, _ =	vpop (xrf1);
	(xrf1) =	vsort.dscd.msk.f32 $0xffff, v39, v0  }
0x21e: {  	v32 =	vld [tilespmem:s17+$0x40];
	v29 =	vperm.xlane v29, v16;
	(xrf1) =	vsort.dscd.msk.f32 $0xffff, v25, v33  }
0x21f: {  	v18 =	vand.u32 $0x7FFFFFFF, v18;
	v31 =	vperm.xlane v31, v16;
	(xrf1) =	vsort.dscd.msk.f32 $0xffff, v17, v10  }
0x220: {  	v20 =	vand.u32 $0x7FFFFFFF, v20;
	v17, v33, _ =	vpop (xrf1);
	vm1 =	vge.f32 v23, v29;
	(xrf1) =	vsort.dscd.msk.f32 $0xffff, v18, v14  }
0x221: {  	v25 =	vld [tilespmem:s17+$0x400];
	v58, v19, _ =	vpop (xrf1);
	(xrf1) =	vsort.dscd.msk.f32 $0xffff, v20, v36;
	v20 =	vsel vm1, v24, v31;
	v24 =	vsel vm1, v31, v24  }
0x222: {  	v37 =	vld [tilespmem:s17+$0x0];
	v39 =	vsel vm1, v23, v29;
	v23 =	vsel vm1, v29, v23  }
0x223: {  	v0, v63, _ =	vpop (xrf1);
	v31 =	vand.u32 $0x7FFFFFFF, v32  }
0x224: {  	v32 =	vperm.xlane v34, v16;
	(xrf1) =	vsort.dscd.msk.f32 $0xffff, v39, v20;
	v20, v29, _ =	vpop (xrf1)  }
0x225: {  	v10 =	vmov v36;
	v34 =	vperm.xlane v35, v16;
	(xrf1) =	vsort.dscd.msk.f32 $0xffff, v23, v24;
	v23, v24, _ =	vpop (xrf1)  }
0x226: {  	v0 =	vperm.xlane v0, v16;
	v25 =	vand.u32 $0x7FFFFFFF, v25;
	vm1 =	vge.f32 v40, v32;
	(xrf1) =	vsort.dscd.msk.f32 $0xffff, v31, v3;
	v31, v35, _ =	vpop (xrf1)  }
0x227: {  	v39 =	vsel vm1, v43, v34;
	v20 =	vperm.xlane v20, v16;
	(xrf1) =	vsort.dscd.msk.f32 $0xffff, v25, v8;
	v25 =	vand.u32 $0x7FFFFFFF, v37;
	v37, v36, _ =	vpop (xrf1)  }
0x228: {  	v23 =	vperm.xlane v23, v16;
	(xrf1) =	vsort.dscd.msk.f32 $0xffff, v25, v13;
	v25 =	vsel vm1, v40, v32;
	v30, v28, _ =	vpop (xrf1)  }
0x229: {  	vm2 =	vge.f32 v17, v20;
	(xrf1) =	vsort.dscd.msk.f32 $0xffff, v25, v39;
	v25 =	vperm.xlane v29, v16;
	v29, v56, _ =	vpop (xrf1)  }
0x22a: {  	v24 =	vperm.xlane v24, v16;
	v17 =	vsel vm2, v17, v20;
	v20 =	vperm.xlane v63, v16;
	v63, v27, _ =	vpop (xrf1)  }
0x22b: {  	v33 =	vsel vm2, v33, v25;
	v25 =	vperm.xlane v31, v16;
	vm2 =	vge.f32 v58, v0;
	v31, v21, _ =	vpop (xrf1)  }
0x22c: {  	v35 =	vperm.xlane v35, v16;
	v19 =	vsel vm2, v19, v20;
	v58 =	vsel vm2, v58, v0;
	v39, v18, _ =	vpop (xrf1)  }
0x22d: {  	vm3 =	vge.f32 v29, v25;
	vm2 =	vge.f32 v17, v58;
	vm15 =	vge.f32 v39, v23  }
0x22e: {  	v18 =	vsel vm15, v18, v24;
	v24 =	vsel vm3, v29, v25;
	v23 =	vsel vm15, v39, v23  }
0x22f: {  	v35 =	vsel vm3, v56, v35;
	v25 =	vsel vm2, v17, v58;
	vm3 =	vge.f32 v24, v23  }
0x230: {  	v59 =	vsel vm2, v33, v19;
	v29, v26, _ =	vpop (xrf1);
	v60 =	vsel vm3, v24, v23  }
0x231: {  	v20, v22, _ =	vpop (xrf1);
	(xrf1) =	vsort.dscd.msk.f32 $0xffff, v25, v59;
	v0 =	vsel vm3, v35, v18  }
0x232: {  	v23 =	vsel vm3, v23, v24;
	v18 =	vsel vm3, v18, v35;
	v25, v39, _ =	vpop (xrf1);
	(xrf1) =	vsort.dscd.msk.f32 $0xffff, v60, v0  }
0x233: {  	(xrf1) =	vsort.dscd.msk.f32 $0xffff, v23, v18;
	v18 =	vsel vm2, v19, v33;
	v60, v56, _ =	vpop (xrf1)  }
0x234: {  	v17 =	vsel vm2, v58, v17;
	v59, v58, _ =	vpop (xrf1)  }
0x235: {  	v19 =	vperm.xlane v31, v16;
	v23 =	vperm.xlane v63, v16;
	v24, v31, _ =	vpop (xrf1)  }
0x236: {  	(xrf1) =	vsort.dscd.msk.f32 $0xffff, v17, v18;
	v17 =	vperm.xlane v21, v16;
	v18, v21, _ =	vpop (xrf1)  }
0x237: {  	v27 =	vperm.xlane v27, v16;
	vm2 =	vge.f32 v24, v19;
	vm3 =	vge.f32 v18, v23  }
0x238: {  	v17 =	vsel vm2, v31, v17;
	v19 =	vsel vm2, v24, v19;
	v24 =	vperm.xlane v30, v16  }
0x239: {  	v18 =	vsel vm3, v18, v23;
	v21 =	vsel vm3, v21, v27;
	v23 =	vperm.xlane v28, v16  }
0x23a: {  	v27 =	vperm.xlane v36, v16;
	v28 =	vperm.xlane v37, v16;
	vm2 =	vge.f32 v19, v18  }
0x23b: {  	vm3 =	vge.f32 v29, v24;
	v30 =	vsel vm2, v18, v19;
	v31 =	vsel vm2, v21, v17  }
0x23c: {  	v23 =	vsel vm3, v26, v23;
	vm8 =	vge.f32 v20, v28;
	v24 =	vsel vm3, v29, v24  }
0x23d: {  	v18 =	vsel vm2, v19, v18;
	v17 =	vsel vm2, v17, v21;
	v20 =	vsel vm8, v20, v28  }
0x23e: {  	(xrf1) =	vsort.dscd.msk.f32 $0xffff, v30, v31;
	v22 =	vsel vm8, v22, v27;
	vm3 =	vge.f32 v24, v20  }
0x23f: {  	(xrf1) =	vsort.dscd.msk.f32 $0xffff, v18, v17;
	v19 =	vsel vm3, v24, v20;
	v17 =	vsel vm3, v23, v22  }
0x240: {  	v18 =	vsel vm3, v20, v24;
	v20 =	vsel vm3, v22, v23;
	(xrf1) =	vsort.dscd.msk.f32 $0xffff, v19, v17  }
0x241: {  	(xrf1) =	vsort.dscd.msk.f32 $0xffff, v18, v20;
	_ =	sdelay $0x2  }
0x242: {  	v20 =	vperm.xlane v45, v16;
	v17, v23, _ =	vpop (xrf1)  }
0x243: {  	v26 =	vperm.xlane v62, v16;
	v18, v24, _ =	vpop (xrf1)  }
0x244: {  	v27 =	vsel vm1, v34, v43;
	v30 =	vperm.xlane v61, v16;
	vm2 =	vge.f32 v38, v20;
	v19, v29, _ =	vpop (xrf1)  }
0x245: {  	s24 =	simm.s32 $0x5;
	v22 =	vsel vm1, v32, v40;
	v28 =	vsel vm2, v38, v20;
	v37 =	vsel vm2, v42, v26;
	v21, v63, _ =	vpop (xrf1)  }
0x246: {  	v31 =	vmov s24;
	(xrf1) =	vsort.dscd.msk.f32 $0xffff, v22, v27;
	v22 =	vsel vm2, v26, v42;
	v26 =	vperm.xlane v57, v16;
	v43, v45, _ =	vpop (xrf1)  }
0x247: {  	vm1 =	vge.f32 v41, v30;
	v20 =	vsel vm2, v20, v38;
	(xrf1) =	vsort.dscd.msk.f32 $0xffff, v28, v37;
	v28 =	vshll.u32 v47, $0x3;
	v61, v62, _ =	vpop (xrf1)  }
0x248: {  	v27 =	vshll.u32 v31, $0x8;
	v42, v57, _ =	vpop (xrf1);
	(xrf1) =	vsort.dscd.msk.f32 $0xffff, v20, v22;
	v20 =	vand.u32 $0xFFFFFC00, v28;
	v28 =	vsel vm1, v44, v26  }
0x249: {  	v27 =	vand.u32 $0x1800, v27;
	v37 =	vld [tilespmem:$0x1FCB0];
	v22 =	vsel vm1, v41, v30;
	v40, v32, _ =	vpop (xrf1)  }
0x24a: {  	(xrf1) =	vsort.dscd.msk.f32 $0xffff, v22, v28;
	v22 =	vand.u32 $0x7F, v47;
	v20 =	vadd.s32 v27, v20;
	v38, v34, _ =	vpop (xrf1)  }
0x24b: {  	v54 =	vperm.xlane v54, v16;
	v20 =	vor.u32 v22, v20;
	v28, v35, _ =	vpop (xrf1);
	v22 =	vperm.xlane v38, v16  }
0x24c: {  	v30 =	vsel vm1, v30, v41;
	v26 =	vsel vm1, v26, v44;
	v28 =	vperm.xlane v28, v16;
	v0, v36, _ =	vpop (xrf1)  }
0x24d: {  	v44 =	vperm.xlane v55, v16;
	v34 =	vperm.xlane v34, v16;
	v41, v47, _ =	vpop (xrf1);
	vm1 =	vge.f32 v0, v22  }
0x24e: {  	(xrf1) =	vsort.dscd.msk.f32 $0xffff, v30, v26;
	v26 =	vshll.u32 v37, $0x3;
	vm2 =	vge.f32 v41, v28;
	v22 =	vsel vm1, v0, v22  }
0x24f: {  	v55 =	vsel vm1, v36, v34;
	vm1 =	vge.f32 v25, v44;
	v36 =	vperm.xlane v35, v16  }
0x250: {  	v33 =	vld [tilespmem:$0x1FCE0];
	v28 =	vsel vm2, v41, v28;
	v30 =	vsel vm1, v25, v44;
	v41 =	vsel vm1, v39, v54  }
0x251: {  	v26 =	vand.u32 $0xFFFFFC00, v26;
	(xrf1) =	vsort.dscd.msk.f32 $0xffff, v30, v41;
	v30 =	vsel vm2, v47, v36;
	vm2 =	vge.f32 v22, v28;
	v47 =	vld [tilespmem:$0x1FCC0]  }
0x252: {  	v26 =	vadd.s32 v27, v26;
	v36 =	vld [tilespmem:$0x1FD20];
	v27 =	vsel vm2, v22, v28;
	v34 =	vsel vm2, v55, v30  }
0x253: {  	(xrf1) =	vsort.dscd.msk.f32 $0xffff, v27, v34;
	v34 =	vld [tilespmem:$0x1FCF0]  }
0x254: {  	v41 =	vld [tilespmem:$0x1FD40];
	v22 =	vsel vm2, v28, v22;
	v27 =	vsel vm2, v30, v55  }
0x255: {  	v28 =	vshll.u32 v31, $0x7;
	v55 =	vld [tilespmem:$0x1FCD0];
	(xrf1) =	vsort.dscd.msk.f32 $0xffff, v22, v27;
	v27 =	vand.u32 $0x7F, v37  }
0x256: {  	v35 =	vld [tilespmem:$0x1FD00];
	v22 =	vand.u32 $0x380, v28;
	v26 =	vor.u32 v27, v26;
	v28 =	vperm.xlane v47, v16  }
0x257: {  	v30 =	vld [tilespmem:$0x1FD10];
	v47 =	vor.u32 v22, v20;
	v38 =	vor.u32 v22, v26;
	v22 =	vperm.xlane v33, v16  }
0x258: {  	v37 =	vld [tilespmem:$0x1FD30];
	vm2 =	vge.f32 v34, v28  }
0x259: {  	v27 =	vsel vm2, v34, v28;
	v28 =	vsel vm2, v36, v22;
	v36 =	vld [tilespmem:$0x1FD50]  }
0x25a: {  	v20 =	vperm.xlane v55, v16;
	v55 =	vperm.xlane v41, v16;
	v41 =	vld [tilespmem:$0x1FD70];
	_ =	sdelay $0x1  }
0x25b: {  	v26 =	vperm.xlane v35, v16;
	vm3 =	vge.f32 v30, v20  }
0x25c: {  	v31 =	vperm.xlane v37, v16;
	v37 =	vld [tilespmem:$0x1FD60];
	v20 =	vsel vm3, v30, v20  }
0x25d: {  	vm2 =	vge.f32 v27, v20;
	v30 =	vsel vm3, v36, v26  }
0x25e: {  	v35 =	vsel vm2, v28, v30;
	v30 =	vsel vm2, v30, v28;
	v28 =	vperm.xlane v41, v16;
	v41 =	vld [tilespmem:$0x1FDB0]  }
0x25f: {  	vm3 =	vge.f32 v46, v31;
	v36 =	vld [tilespmem:$0x1FD90]  }
0x260: {  	v31 =	vsel vm3, v46, v31;
	v46 =	vld [tilespmem:$0x1FD80]  }
0x261: {  	v22 =	vsel vm2, v20, v27;
	v26 =	vsel vm2, v27, v20;
	v20 =	vperm.xlane v37, v16;
	v37 =	vld [tilespmem:$0x1FDA0];
	_ =	sdelay $0x1  }
0x262: {  	vm2 =	vge.f32 v1, v55;
	v28 =	vsel vm3, v41, v28;
	v41 =	vld [tilespmem:$0x1FDD0]  }
0x263: {  	v27 =	vsel vm2, v1, v55  }
0x264: {  	v34 =	vperm.xlane v36, v16;
	v55 =	vsel vm2, v46, v20;
	vm2 =	vge.f32 v27, v31  }
0x265: {  	v46 =	vperm.xlane v37, v16;
	v37 =	vsel vm2, v55, v28;
	v33 =	vsel vm2, v28, v55;
	v55 =	vld [tilespmem:$0x1FDC0];
	_ =	sdelay $0x1  }
0x266: {  	v36 =	vsel vm2, v27, v31;
	v20 =	vsel vm2, v31, v27;
	vm2 =	vge.f32 v41, v34  }
0x267: {  	v41 =	vsel vm2, v41, v34;
	v34 =	vld [tilespmem:$0x1FDF0];
	_ =	sdelay $0x1  }
0x268: {  	v27 =	vperm.xlane v55, v16;
	v55 =	vld [tilespmem:$0x1FDE0];
	_ =	sdelay $0x2  }
0x269: {  	vm3 =	vge.f32 v34, v46  }
0x26a: {  	v34 =	vsel vm3, v34, v46;
	v46 =	vld [tilespmem:$0x1FE00]  }
0x26b: {  	v21 =	vperm.xlane v21, v16;
	v31 =	vperm.xlane v55, v16;
	v55 =	vld [tilespmem:$0x1FE10]  }
0x26c: {  	v57 =	vperm.xlane v57, v16;
	v0 =	vperm.xlane v61, v16  }
0x26d: {  	v1 =	vperm.xlane v50, v16;
	v50 =	vperm.xlane v53, v16  }
0x26e: {  	v25 =	vsel vm1, v44, v25;
	v39 =	vsel vm1, v54, v39;
	v54 =	vperm.xlane v62, v16  }
0x26f: {  	vm9 =	vge.f32 v18, v50;
	v28 =	vsel vm2, v46, v27;
	v27 =	vperm.xlane v42, v16  }
0x270: {  	v31 =	vsel vm3, v55, v31;
	v55 =	vperm.xlane v48, v16;
	v48 =	vperm.xlane v49, v16  }
0x271: {  	vm3 =	vge.f32 v59, v1;
	vm2 =	vge.f32 v40, v0;
	vm1 =	vge.f32 v43, v27  }
0x272: {  	v46 =	vperm.xlane v51, v16;
	v40 =	vsel vm2, v40, v0;
	v43 =	vsel vm1, v43, v27  }
0x273: {  	v32 =	vsel vm2, v32, v54;
	v42 =	vsel vm1, v45, v57;
	vm2 =	vge.f32 v43, v40  }
0x274: {  	v51 =	vperm.xlane v52, v16;
	v57 =	vsel vm2, v43, v40;
	v61 =	vsel vm2, v42, v32  }
0x275: {  	v40 =	vsel vm2, v40, v43;
	v32 =	vsel vm2, v32, v42;
	(xrf1) =	vsort.dscd.msk.f32 $0xffff, v57, v61  }
0x276: {  	v62 =	vsel vm3, v59, v1;
	vm1 =	vge.f32 v41, v34;
	(xrf1) =	vsort.dscd.msk.f32 $0xffff, v40, v32  }
0x277: {  	v0 =	vsel vm3, v1, v59;
	v1 =	vsel vm3, v55, v58;
	v27 =	vsel vm1, v41, v34  }
0x278: {  	vm2 =	vge.f32 v17, v46;
	(xrf1) =	vsort.dscd.msk.f32 $0xffff, v25, v39;
	v25 =	vsel vm3, v58, v55  }
0x279: {  	v59 =	vsel vm2, v23, v48;
	v23 =	vsel vm2, v48, v23;
	(xrf1) =	vsort.dscd.msk.f32 $0xffff, v62, v25  }
0x27a: {  	v48 =	vsel vm9, v18, v50;
	v32 =	vperm.xlane v60, v16;
	(xrf1) =	vsort.dscd.msk.f32 $0xffff, v0, v1;
	v0 =	vld [tilespmem:$0x1FE20]  }
0x27b: {  	v18 =	vsel vm9, v50, v18;
	v61 =	vperm.xlane v56, v16;
	v60 =	vsel vm9, v24, v51;
	v57, v44, _ =	vpop (xrf1)  }
0x27c: {  	v58 =	vsel vm2, v17, v46;
	v17 =	vsel vm2, v46, v17;
	v46, v52, _ =	vpop (xrf1);
	vm2 =	vge.f32 v19, v32  }
0x27d: {  	v24 =	vsel vm9, v51, v24;
	v43 =	vperm.xlane v57, v16;
	v50, v53, _ =	vpop (xrf1);
	v62 =	vsel vm2, v19, v32  }
0x27e: {  	v32 =	vsel vm2, v32, v19;
	v56 =	vsel vm2, v29, v61;
	v25, v40, _ =	vpop (xrf1);
	(xrf1) =	vsort.dscd.msk.f32 $0xffff, v58, v59  }
0x27f: {  	v29 =	vsel vm2, v61, v29;
	v1 =	vld [tilespmem:$0x1FE30];
	v46 =	vperm.xlane v46, v16;
	v39, v42, _ =	vpop (xrf1);
	(xrf1) =	vsort.dscd.msk.f32 $0xffff, v17, v23;
	v17 =	vshll.u32 v0, $0x3  }
0x280: {  	v50 =	vperm.xlane v50, v16;
	v23 =	vperm.xlane v44, v16;
	v45, v49, _ =	vpop (xrf1);
	(xrf1) =	vsort.dscd.msk.f32 $0xffff, v48, v60  }
0x281: {  	v44 =	vperm.xlane v63, v16;
	v25 =	vperm.xlane v25, v16;
	(xrf1) =	vsort.dscd.msk.f32 $0xffff, v18, v24;
	v24, v59, _ =	vpop (xrf1)  }
0x282: {  	v40 =	vperm.xlane v40, v16;
	vm2 =	vge.f32 v45, v43;
	(xrf1) =	vsort.dscd.msk.f32 $0xffff, v62, v56;
	v19 =	vand.u32 $0xFFFFFC00, v17;
	v17, v60, _ =	vpop (xrf1)  }
0x283: {  	v24 =	vperm.xlane v24, v16;
	(xrf1) =	vsort.dscd.msk.f32 $0xffff, v32, v29;
	v17 =	vperm.xlane v17, v16;
	v29, v32, _ =	vpop (xrf1)  }
0x284: {  	v58 =	vshll.u32 v1, $0x3;
	v43 =	vsel vm2, v45, v43;
	v23 =	vsel vm2, v49, v23;
	v62, v63, _ =	vpop (xrf1)  }
0x285: {  	v61 =	vperm.xlane v60, v16;
	vm2 =	vge.f32 v29, v17;
	vm3 =	vge.f32 v62, v24  }
0x286: {  	v57 =	vperm.xlane v59, v16;
	v29 =	vsel vm2, v29, v17;
	v24 =	vsel vm3, v62, v24  }
0x287: {  	v39 =	vperm.xlane v39, v16;
	v32 =	vsel vm2, v32, v61;
	vm2 =	vge.f32 v29, v24  }
0x288: {  	v18 =	vand.u32 $0xFFFFFC00, v58;
	v60 =	vsel vm3, v63, v57;
	v48 =	vsel vm2, v24, v29  }
0x289: {  	v59, v58, _ =	vpop (xrf1);
	v49 =	vsel vm2, v60, v32;
	v24 =	vsel vm2, v29, v24;
	v29 =	vsel vm2, v32, v60  }
0x28a: {  	vm10 =	vge.f32 v59, v21;
	(xrf1) =	vsort.dscd.msk.f32 $0xffff, v48, v49;
	v48 =	vperm.xlane v53, v16;
	v61, v53, _ =	vpop (xrf1)  }
0x28b: {  	v42 =	vperm.xlane v42, v16;
	v17 =	vand.u32 $0x7F, v0;
	v21 =	vsel vm10, v59, v21;
	v0, v63, _ =	vpop (xrf1)  }
0x28c: {  	v44 =	vsel vm10, v58, v44;
	vm3 =	vge.f32 v43, v21;
	v49 =	vperm.xlane v52, v16;
	v32, v45, _ =	vpop (xrf1)  }
0x28d: {  	v51 =	vsel vm3, v43, v21;
	v62 =	vsel vm3, v23, v44;
	(xrf1) =	vsort.dscd.msk.f32 $0xffff, v24, v29;
	v24, v29, _ =	vpop (xrf1)  }
0x28e: {  	v21 =	vsel vm3, v21, v43;
	v23 =	vsel vm3, v44, v23;
	v43 =	vmov s16;
	v58, v59, _ =	vpop (xrf1);
	(xrf1) =	vsort.dscd.msk.f32 $0xffff, v51, v62;
	v62 =	vld [tilespmem:$0x1FE40]  }
0x28f: {  	v52 =	vperm.xlane v61, v16;
	v55 =	vperm.xlane v0, v16;
	vm2 =	vge.f32 v32, v50  }
0x290: {  	v44 =	vperm.xlane v63, v16;
	vm11 =	vge.f32 v24, v46;
	v32 =	vsel vm2, v32, v50  }
0x291: {  	v45 =	vsel vm2, v45, v48;
	v50 =	vperm.xlane v53, v16;
	v24 =	vsel vm11, v24, v46  }
0x292: {  	vm3 =	vge.f32 v58, v39;
	v61, v60, _ =	vpop (xrf1);
	(xrf1) =	vsort.dscd.msk.f32 $0xffff, v21, v23;
	v21 =	vshll.u32 v43, $0x8;
	v29 =	vsel vm11, v29, v49  }
0x293: {  	v39 =	vsel vm3, v58, v39;
	vm12 =	vge.f32 v61, v25;
	vm13 =	vge.f32 v32, v24;
	[tilespmem:s14+$0x0] =	vst v62  }
0x294: {  	v23, v46, _ =	vpop (xrf1);
	v42 =	vsel vm3, v59, v42;
	v21 =	vand.u32 $0x1800, v21;
	v25 =	vsel vm12, v61, v25;
	v0 =	vld [tilespmem:$0x1FE50]  }
0x295: {  	vm2 =	vge.f32 v23, v55;
	v40 =	vsel vm12, v60, v40;
	v63 =	vsel vm13, v32, v24  }
0x296: {  	v58 =	vsel vm13, v45, v29;
	v24 =	vsel vm13, v24, v32;
	v29 =	vsel vm13, v29, v45  }
0x297: {  	v54 =	vld.idx.msk [tilespmem:v47+s9+$0x0], $0xffff;
	v48, v49, _ =	vpop (xrf1);
	v19 =	vadd.s32 v21, v19;
	v18 =	vadd.s32 v21, v18;
	vm14 =	vge.f32 v39, v25  }
0x298: {  	v51 =	vld.idx.msk [tilespmem:v38+s2+$0x0], $0xffff;
	vm3 =	vge.f32 v48, v52;
	(xrf1) =	vsort.dscd.msk.f32 $0xffff, v63, v58;
	v23 =	vsel vm2, v23, v55  }
0x299: {  	s25 =	simm.s32 $0x7;
	v59 =	vsel vm14, v39, v25;
	v60 =	vsel vm14, v42, v40;
	(xrf1) =	vsort.dscd.msk.f32 $0xffff, v24, v29;
	[tilespmem:s14+$0x10] =	vst v0  }
0x29a: {  	v25 =	vsel vm14, v25, v39;
	v61 =	vsel vm14, v40, v42;
	v62 =	vmov s25;
	(xrf1) =	vsort.dscd.msk.f32 $0xffff, v59, v60;
	v0 =	vld [tilespmem:$0x1FE60]  }
0x29b: {  	s22 =	simm.s32 $0x800;
	v57 =	vand.u32 $0x7F, v1;
	v24 =	vld.idx.msk [tilespmem:v47+s2+$0x0], $0xffff;
	v29 =	vsel vm3, v48, v52;
	v56 =	vshll.u32 v62, $0x7;
	(xrf1) =	vsort.dscd.msk.f32 $0xffff, v25, v61  }
0x29c: {  	s28 =	simm.s32 $0x480;
	s26 =	sand.u32 $0x1800, s22;
	vm15 =	vge.f32 v23, v29;
	v25 =	vand.u32 $0x380, v56;
	(xrf1) =	vsort.dscd.msk.f32 $0xffff, v26, v35;
	v26 =	vsel vm2, v46, v44;
	_, v63, _ =	vpop (xrf1)  }
0x29d: {  	s30 =	sand.u32 $0x380, s28;
	s29 =	sor.u32 $0x2000, s26;
	v38 =	vld.idx.msk [tilespmem:v38+s9+$0x0], $0xffff;
	(xrf1) =	vsort.dscd.msk.f32 $0xffff, v22, v30;
	v30 =	vsel vm3, v49, v50;
	v1 =	vshll.u32 v63, $0x3;
	v58 =	vand.u32 $0x7F, v63  }
0x29e: {  	s31 =	sor.u32 s30, s29;
	_, v61, _ =	vpop (xrf1);
	v63 =	vsel vm15, v23, v29;
	(xrf1) =	vsort.dscd.msk.f32 $0xffff, v36, v37;
	v23 =	vsel vm15, v29, v23;
	v55 =	vand.u32 $0xFFFFFC00, v1  }
0x29f: {  	v52 =	vld [tilespmem:s31+$0x40];
	v1 =	vsel vm15, v26, v30;
	v39 =	vand.u32 $0x7F, v61;
	[tilespmem:s14+$0x20] =	vst v0;
	v0 =	vshll.u32 v62, $0x8  }
0x2a0: {  	s23 =	simm.s32 $0x400;
	s16 =	simm.s32 $0x4280;
	v22 =	vld [tilespmem:s31+$0x0];
	v26 =	vsel vm15, v30, v26;
	v48, v49, _ =	vpop (xrf1);
	(xrf1) =	vsort.dscd.msk.f32 $0xffff, v20, v33;
	v62 =	vshll.u32 v61, $0x3;
	v53 =	vand.u32 $0x1800, v0  }
0x2a1: {  	s20 =	sand.u32 $0x300, s23;
	[tilespmem:s16+$0x10] =	vst v24;
	v24 =	vld [tilespmem:s31+$0x30];
	v30, v50, _ =	vpop (xrf1);
	(xrf1) =	vsort.dscd.msk.f32 $0xffff, v63, v1;
	v35 =	vand.u32 $0xFFFFFC00, v62;
	v59 =	vadd.s32 v53, v55  }
0x2a2: {  	s25 =	sor.u32 s20, s29;
	v20 =	vld [tilespmem:s31+$0x20];
	v35 =	vadd.s32 v53, v35;
	v53 =	vperm.xlane v30, v16;
	v60 =	vor.u32 v58, v59  }
0x2a3: {  	v63 =	vld [tilespmem:s25+$0x464];
	v30 =	vsel vm1, v28, v31;
	v29 =	vor.u32 v39, v35;
	v32 =	vor.u32 v25, v60  }
0x2a4: {  	(xrf1) =	vsort.dscd.msk.f32 $0xffff, v23, v26;
	v23 =	vld [tilespmem:s31+$0x400];
	v28 =	vsel vm1, v31, v28;
	v31 =	vshll.u32 v43, $0x7;
	v25 =	vor.u32 v25, v29  }
0x2a5: {  	v17 =	vor.u32 v17, v19;
	v56 =	vsel vm1, v34, v41;
	v0 =	vld [tilespmem:s31+$0x10];
	(xrf1) =	vsort.dscd.msk.f32 $0xffff, v27, v30;
	v30 =	vand.u32 $0x300, v31  }
0x2a6: {  	[tilespmem:s16+$0x30] =	vst v54;
	v54 =	vperm.xlane v48, v16;
	v61 =	vld [tilespmem:s31+$0x430];
	v19, v21, _ =	vpop (xrf1);
	v34 =	vor.u32 v30, v17;
	v17 =	vor.u32 v57, v18  }
0x2a7: {  	v26 =	vperm.xlane v49, v16;
	v27 =	vld [tilespmem:s31+$0x50];
	v33 =	vor.u32 v30, v17;
	v17 =	vand.u32 $0x7FFFFFFF, v22  }
0x2a8: {  	v29 =	vperm.xlane v50, v16;
	(xrf1) =	vsort.dscd.msk.f32 $0xffff, v56, v28;
	v28 =	vperm.xlane v19, v16;
	v18, v19, _ =	vpop (xrf1);
	v55 =	vld.idx.msk [tilespmem:v32+s9+$0x0], $0xffff  }
0x2a9: {  	v13 =	vlaneseq.u32;
	[tilespmem:s16+$0x20] =	vst v38;
	v22 =	vperm.xlane v18, v16;
	v38 =	vperm.xlane v19, v16;
	v18, v19, _ =	vpop (xrf1);
	v31 =	vld.idx.msk [tilespmem:v25+s2+$0x0], $0xffff  }
0x2aa: {  	(xrf1) =	vsort.dscd.msk.f32 $0xffff, v17, v13;
	vm1 =	vge.f32 v18, v53;
	v17, v58, _ =	vpop (xrf1);
	v30 =	vld.idx.msk [tilespmem:v25+s9+$0x0], $0xffff;
	v25 =	vand.u32 $0x7FFFFFFF, v0  }
0x2ab: {  	v20 =	vand.u32 $0x7FFFFFFF, v20;
	v59 =	vld [tilespmem:s31+$0x70];
	vm2 =	vge.f32 v17, v54;
	(xrf1) =	vsort.dscd.msk.f32 $0xffff, v25, v14;
	v25 =	vsel vm1, v18, v53  }
0x2ac: {  	s17 =	simm.s32 $0x4380;
	[tilespmem:s16+$0x0] =	vst v51;
	v57 =	vld [tilespmem:s31+$0x410];
	(xrf1) =	vsort.dscd.msk.f32 $0xffff, v20, v10;
	v20 =	vsel vm1, v19, v29;
	v19 =	vsel vm2, v17, v54  }
0x2ad: {  	v32 =	vld.idx.msk [tilespmem:v32+s2+$0x0], $0xffff;
	vm1 =	vge.f32 v25, v19;
	[tilespmem:s17+$0x30] =	vst v55  }
0x2ae: {  	v26 =	vsel vm2, v58, v26;
	v10 =	vsel vm1, v25, v19;
	v51 =	vld [tilespmem:$0x1FF30]  }
0x2af: {  	v18 =	vand.u32 $0x7FFFFFFF, v52;
	v17 =	vand.u32 $0x7FFFFFFF, v24;
	v24 =	vld [tilespmem:s31+$0x464];
	v13 =	vsel vm1, v20, v26;
	[tilespmem:$0x1FE70] =	vst v10  }
0x2b0: {  	v60, v42, _ =	vpop (xrf1);
	(xrf1) =	vsort.dscd.msk.f32 $0xffff, v18, v3;
	v49 =	vsel vm1, v19, v25;
	[tilespmem:$0x1FE80] =	vst v13  }
0x2b1: {  	v27 =	vand.u32 $0x7FFFFFFF, v27;
	v29, v62, _ =	vpop (xrf1);
	(xrf1) =	vsort.dscd.msk.f32 $0xffff, v17, v4;
	v50 =	vsel vm1, v26, v20;
	v14 =	vld [tilespmem:s31+$0x60];
	[tilespmem:$0x1FE90] =	vst v49  }
0x2b2: {  	v36 =	vand.u32 $0x7FFFFFFF, v57;
	v43, v45, _ =	vpop (xrf1);
	v25 =	vand.u32 $0x7FFFFFFF, v59;
	(xrf1) =	vsort.dscd.msk.f32 $0xffff, v27, v5;
	[tilespmem:$0x1FEA0] =	vst v50  }
0x2b3: {  	v21 =	vperm.xlane v21, v16;
	v46, v47, _ =	vpop (xrf1);
	v26 =	vld [tilespmem:s31+$0x420];
	(xrf1) =	vsort.dscd.msk.f32 $0xffff, v36, v51  }
0x2b4: {  	v23 =	vand.u32 $0x7FFFFFFF, v23;
	v35 =	vand.u32 $0x7FFFFFFF, v61;
	v39 =	vperm.xlane v60, v16;
	v27, v52, _ =	vpop (xrf1);
	(xrf1) =	vsort.dscd.msk.f32 $0xffff, v25, v7  }
0x2b5: {  	v42 =	vperm.xlane v42, v16;
	vm1 =	vge.f32 v27, v22;
	v24 =	vand.u32 $0x7FFFFFFF, v24;
	v53 =	vld [tilespmem:s25+$0x70];
	v25, v54, _ =	vpop (xrf1);
	(xrf1) =	vsort.dscd.msk.f32 $0xffff, v35, v9  }
0x2b6: {  	v49 =	vperm.xlane v62, v16;
	v55 =	vld [tilespmem:s25+$0x430];
	v24 =	vsel vm0, $0xBF800000, v24;
	vm2 =	vge.f32 v25, v28;
	(xrf1) =	vsort.dscd.msk.f32 $0xffff, v23, v8  }
0x2b7: {  	v57 =	vand.u32 $0x7FFFFFFF, v63;
	v22 =	vsel vm1, v27, v22;
	v56 =	vld [tilespmem:s25+$0x450];
	(xrf1) =	vsort.dscd.msk.f32 $0xffff, v24, v12;
	v24 =	vsel vm2, v25, v28  }
0x2b8: {  	v59 =	vld [tilespmem:s25+$0x50];
	v25 =	vand.u32 $0x7FFFFFFF, v26;
	v26 =	vsel vm1, v52, v38;
	vm1 =	vge.f32 v22, v24  }
0x2b9: {  	v58 =	vand.u32 $0x7FFFFFFF, v14;
	v23 =	vld [tilespmem:s25+$0x460];
	v61 =	vsel vm2, v54, v21;
	v62 =	vsel vm1, v22, v24  }
0x2ba: {  	v27 =	vsel vm0, $0xBF800000, v57;
	v28 =	vld [tilespmem:s25+$0x30];
	(xrf1) =	vsort.dscd.msk.f32 $0xffff, v58, v6;
	v8 =	vsel vm1, v26, v61;
	[tilespmem:$0x1FEB0] =	vst v62  }
0x2bb: {  	_, v36, _ =	vpop (xrf1);
	v60 =	vand.u32 $0x7FFFFFFF, v53;
	(xrf1) =	vsort.dscd.msk.f32 $0xffff, v25, v2;
	v10 =	vsel vm1, v24, v22;
	v48 =	vld [tilespmem:s25+$0x60];
	[tilespmem:$0x1FEC0] =	vst v8  }
0x2bc: {  	v29 =	vperm.xlane v29, v16;
	_, v35, _ =	vpop (xrf1);
	v13 =	vsel vm1, v61, v26;
	(xrf1) =	vsort.dscd.msk.f32 $0xffff, v27, v12;
	[tilespmem:$0x1FED0] =	vst v10  }
0x2bd: {  	v17 =	vmovc v15;
	v63 =	vand.u32 $0x7FFFFFFF, v55;
	vm2 =	vge.f32 v46, v39;
	(xrf1) =	vsort.dscd.msk.f32 $0xffff, v60, v7;
	v12 =	vld [tilespmem:s25+$0x410];
	[tilespmem:$0x1FEE0] =	vst v13  }
0x2be: {  	v41, v37, _ =	vpop (xrf1);
	v24 =	vand.u32 $0x7FFFFFFF, v56;
	vm1 =	vge.f32 v43, v29;
	v22 =	vmov v2;
	(xrf1) =	vsort.dscd.msk.f32 $0xffff, v63, v9;
	v14 =	vld [tilespmem:s31+$0x460]  }
0x2bf: {  	v26 =	vand.u32 $0x7FFFFFFF, v23;
	v61, v60, _ =	vpop (xrf1);
	v23 =	vsel vm1, v43, v29;
	v55 =	vld [tilespmem:s25+$0x420];
	(xrf1) =	vsort.dscd.msk.f32 $0xffff, v24, v15;
	v24 =	vsel vm2, v46, v39  }
0x2c0: {  	v62 =	vand.u32 $0x7FFFFFFF, v59;
	v44, v40, _ =	vpop (xrf1);
	v63 =	vsel vm1, v45, v49;
	v57 =	vld [tilespmem:s25+$0x440];
	vm1 =	vge.f32 v23, v24  }
0x2c1: {  	v28 =	vand.u32 $0x7FFFFFFF, v28;
	v39, v38, _ =	vpop (xrf1);
	[tilespmem:$0x1FEF0] =	vst v63;
	v63 =	vld [tilespmem:$0x1FF30];
	(xrf1) =	vsort.dscd.msk.f32 $0xffff, v26, v11;
	v8 =	vsel vm1, v23, v24  }
0x2c2: {  	v43 =	vperm.xlane v60, v16;
	v45 =	vld [tilespmem:s31+$0x440];
	(xrf1) =	vsort.dscd.msk.f32 $0xffff, v28, v4;
	v7, v4, _ =	vpop (xrf1);
	v28 =	vsel vm2, v47, v42;
	[tilespmem:$0x1FF00] =	vst v8  }
0x2c3: {  	v42 =	vperm.xlane v61, v16;
	v48 =	vand.u32 $0x7FFFFFFF, v48;
	(xrf1) =	vsort.dscd.msk.f32 $0xffff, v62, v5;
	v9 =	vand.u32 $0x7FFFFFFF, v12;
	v46 =	vld [tilespmem:s31+$0x450];
	v10, v12, _ =	vpop (xrf1)  }
0x2c4: {  	v54 =	vperm.xlane v4, v16;
	v47 =	vperm.xlane v7, v16;
	v62 =	vld [tilespmem:s25+$0x10];
	(xrf1) =	vsort.dscd.msk.f32 $0xffff, v48, v6;
	v13 =	vand.u32 $0x7FFFFFFF, v14;
	v14, v56, _ =	vpop (xrf1)  }
0x2c5: {  	s21 =	simm.s32 $0x2;
	s19 =	simm.s32 $0x6;
	v61 =	vld [tilespmem:s25+$0x20];
	v53 =	vperm.xlane v12, v16;
	v50 =	vand.u32 $0x7FFFFFFF, v55;
	v58 =	vperm.xlane v10, v16;
	v49, v51, _ =	vpop (xrf1);
	(xrf1) =	vsort.dscd.msk.f32 $0xffff, v13, v11  }
0x2c6: {  	s18 =	simm.s32 $0x8;
	s24 =	simm.s32 $0xA;
	s20 =	simm.s32 $0x4;
	v48 =	vand.u32 $0x7FFFFFFF, v57;
	v52 =	vperm.xlane v56, v16;
	v56 =	vld [tilespmem:s25+$0x40];
	v57 =	vperm.xlane v14, v16;
	(xrf1) =	vsort.dscd.msk.f32 $0xffff, v9, v63;
	v55, v59, _ =	vpop (xrf1)  }
.LBB2_3:
0x2c7: {  	v21 =	vld [tilespmem:$0x1FF40];
	_ =	sdelay $0x1  }
0x2c8: {  	v51 =	vperm.xlane v51, v16;
	v59 =	vperm.xlane v59, v16  }
0x2c9: {  	(xrf1) =	vsort.dscd.msk.f32 $0xffff, v50, v22;
	v63, v0, _ =	vpop (xrf1);
	v49 =	vperm.xlane v49, v16;
	v55 =	vperm.xlane v55, v16  }
0x2ca: {  	v14, v1, _ =	vpop (xrf1);
	vm6 =	vge.f32 v41, v42;
	vm7 =	vge.f32 v44, v47;
	v2 =	vand.u32 $0x7FFFFFFF, v45  }
0x2cb: {  	vm3 =	vge.f32 v39, v58;
	vm2 =	vge.f32 v63, v57;
	v46 =	vand.u32 $0x7FFFFFFF, v46;
	v45, v3, _ =	vpop (xrf1);
	(xrf1) =	vsort.dscd.msk.f32 $0xffff, v2, v21  }
0x2cc: {  	v6 =	vld.idx.msk [tilespmem:v34+s2+$0x0], $0xffff;
	v1 =	vperm.xlane v1, v16;
	v15 =	vsel vm6, v41, v42;
	v4, v5, _ =	vpop (xrf1);
	(xrf1) =	vsort.dscd.msk.f32 $0xffff, v46, v17  }
0x2cd: {  	v12 =	vld.idx.msk [tilespmem:v34+s9+$0x0], $0xffff;
	v10 =	vsel vm6, v37, v43;
	v41 =	vsel vm6, v42, v41;
	v34 =	vsel vm6, v43, v37;
	v7, v8, _ =	vpop (xrf1)  }
0x2ce: {  	v50 =	vld [tilespmem:s25+$0x0];
	v37 =	vsel vm7, v44, v47;
	v20 =	vsel vm3, v38, v53;
	v2 =	vperm.xlane v14, v16;
	v11, v42, _ =	vpop (xrf1)  }
0x2cf: {  	vm5 =	vge.f32 v45, v49;
	v14 =	vsel vm7, v47, v44;
	v13, v43, _ =	vpop (xrf1);
	(xrf1) =	vsort.dscd.msk.f32 $0xffff, v15, v10  }
0x2d0: {  	v60 =	vld [tilespmem:s25+$0x400];
	vm4 =	vge.f32 v4, v55;
	v10 =	vand.u32 $0x7FFFFFFF, v56;
	v56 =	vsel vm7, v40, v54;
	v46, v44, _ =	vpop (xrf1);
	(xrf1) =	vsort.dscd.msk.f32 $0xffff, v41, v34  }
0x2d1: {  	v34 =	vsel vm7, v54, v40;
	v54 =	vsel vm5, v3, v51;
	v17, v18, _ =	vpop (xrf1);
	(xrf1) =	vsort.dscd.msk.f32 $0xffff, v37, v56  }
0x2d2: {  	v37 =	vsel vm5, v45, v49;
	v56 =	vsel vm5, v49, v45;
	v45 =	vshll.u32 v36, $0x3;
	v47, v40, _ =	vpop (xrf1);
	(xrf1) =	vsort.dscd.msk.f32 $0xffff, v14, v34  }
0x2d3: {  	v19 =	vand.u32 $0x7FFFFFFF, v50;
	v3 =	vsel vm5, v51, v3;
	v50, v41, _ =	vpop (xrf1);
	(xrf1) =	vsort.dscd.msk.f32 $0xffff, v37, v54;
	v54 =	vsel vm4, v4, v55  }
0x2d4: {  	v22 =	vsel vm4, v5, v59;
	v5 =	vsel vm4, v59, v5;
	v51, v49, _ =	vpop (xrf1);
	(xrf1) =	vsort.dscd.msk.f32 $0xffff, v56, v3  }
0x2d5: {  	v15 =	vand.u32 $0x7FFFFFFF, v60;
	v60 =	vsel vm3, v39, v58;
	v4 =	vsel vm4, v55, v4;
	v14, v59, _ =	vpop (xrf1);
	(xrf1) =	vsort.dscd.msk.f32 $0xffff, v54, v22  }
0x2d6: {  	v37 =	vand.u32 $0xFFFFFC00, v45;
	v3 =	vshll.u32 v35, $0x3;
	vm13 =	vge.f32 v14, v2;
	v55, v45, _ =	vpop (xrf1);
	(xrf1) =	vsort.dscd.msk.f32 $0xffff, v4, v5  }
0x2d7: {  	v34 =	vand.u32 $0xFFFFFC00, v3;
	v3 =	vsel vm13, v14, v2;
	v4 =	vsel vm13, v59, v1;
	v56, v54, _ =	vpop (xrf1);
	(xrf1) =	vsort.dscd.msk.f32 $0xffff, v60, v20  }
0x2d8: {  	v9 =	vld.idx.msk [tilespmem:v33+s2+$0x0], $0xffff;
	v2 =	vsel vm13, v2, v14;
	v1 =	vsel vm13, v1, v59;
	v60 =	vsel vm3, v53, v38  }
0x2d9: {  	v29 =	vld [tilespmem:$0x1FF70];
	[tilespmem:s17+$0x20] =	vst v30;
	v59 =	vsel vm2, v0, v52;
	v0 =	vsel vm2, v52, v0;
	v5, v14, _ =	vpop (xrf1);
	(xrf1) =	vsort.dscd.msk.f32 $0xffff, v3, v4  }
0x2da: {  	v26 =	vld [tilespmem:$0x1FF80];
	v62 =	vand.u32 $0x7FFFFFFF, v62;
	v3 =	vsel vm3, v58, v39;
	v58 =	vsel vm2, v63, v57;
	v20, v38, _ =	vpop (xrf1);
	(xrf1) =	vsort.dscd.msk.f32 $0xffff, v2, v1  }
0x2db: {  	v53 =	vld.idx.msk [tilespmem:v33+s9+$0x0], $0xffff;
	v2 =	vperm.xlane v7, v16;
	(xrf1) =	vsort.dscd.msk.f32 $0xffff, v3, v60;
	v60 =	vsel vm2, v57, v63  }
0x2dc: {  	[tilespmem:s15+$0xFFFFFFA0] =	vst v12;
	v63 =	vperm.xlane v20, v16;
	v12 =	vperm.xlane v38, v16;
	(xrf1) =	vsort.dscd.msk.f32 $0xffff, v58, v59  }
0x2dd: {  	v61 =	vand.u32 $0x7FFFFFFF, v61;
	vm2 =	vge.f32 v17, v2;
	(xrf1) =	vsort.dscd.msk.f32 $0xffff, v60, v0;
	v0 =	vperm.xlane v8, v16  }
0x2de: {  	v27 =	vld [tilespmem:$0x1FF60];
	[tilespmem:s15+$0xFFFFFF80] =	vst v6;
	v6, v7, _ =	vpop (xrf1);
	vm3 =	vge.f32 v5, v63;
	v60 =	vperm.xlane v13, v16;
	(xrf1) =	vsort.dscd.msk.f32 $0xffff, v48, v21  }
0x2df: {  	v25 =	vld [tilespmem:$0x1FF50];
	[tilespmem:s15+$0xFFFFFF90] =	vst v9;
	v8, v9, _ =	vpop (xrf1);
	v30 =	vsel vm2, v17, v2;
	v2 =	vsel vm2, v2, v17;
	(xrf1) =	vsort.dscd.msk.f32 $0xffff, v62, v29  }
0x2e0: {  	[tilespmem:s17+$0x0] =	vst v31;
	v21 =	vsel vm3, v5, v63;
	v20 =	vsel vm3, v14, v12;
	v31, v38, _ =	vpop (xrf1);
	(xrf1) =	vsort.dscd.msk.f32 $0xffff, v61, v26  }
0x2e1: {  	v39 =	vsel vm3, v63, v5;
	v3 =	vsel vm3, v12, v14;
	v4, v5, _ =	vpop (xrf1);
	(xrf1) =	vsort.dscd.msk.f32 $0xffff, v21, v20  }
0x2e2: {  	v13 =	vperm.xlane v31, v16;
	v33 =	vsel vm2, v18, v0;
	v52, v48, _ =	vpop (xrf1);
	(xrf1) =	vsort.dscd.msk.f32 $0xffff, v39, v3  }
0x2e3: {  	[tilespmem:s15+$0xFFFFFFB0] =	vst v53;
	v0 =	vsel vm2, v0, v18;
	v61 =	vperm.xlane v11, v16;
	v53, v57, _ =	vpop (xrf1);
	(xrf1) =	vsort.dscd.msk.f32 $0xffff, v10, v27  }
0x2e4: {  	v1 =	vperm.xlane v5, v16;
	v4 =	vperm.xlane v4, v16;
	v21 =	vlaneseq.u32;
	(xrf1) =	vsort.dscd.msk.f32 $0xffff, v15, v25;
	v58, v15, _ =	vpop (xrf1)  }
0x2e5: {  	v12 =	vperm.xlane v48, v16;
	v11 =	vperm.xlane v52, v16;
	(xrf1) =	vsort.dscd.msk.f32 $0xffff, v19, v21;
	v19, v20, _ =	vpop (xrf1)  }
0x2e6: {  	[tilespmem:s17+$0x10] =	vst v32;
	vm3 =	vge.f32 v8, v13;
	v3 =	vperm.xlane v38, v16;
	vm2 =	vge.f32 v6, v4;
	v31, v32, _ =	vpop (xrf1)  }
0x2e7: {  	v5 =	vperm.xlane v53, v16;
	v10 =	vperm.xlane v57, v16;
	v4 =	vsel vm2, v6, v4;
	v62, v59, _ =	vpop (xrf1)  }
0x2e8: {  	v1 =	vsel vm2, v7, v1;
	v6 =	vsel vm3, v8, v13;
	v17 =	vperm.xlane v19, v16;
	v19, v63, _ =	vpop (xrf1)  }
0x2e9: {  	v3 =	vsel vm3, v9, v3;
	v15 =	vperm.xlane v15, v16;
	v48, v52, _ =	vpop (xrf1);
	(xrf1) =	vsort.dscd.msk.f32 $0xffff, v30, v33  }
0x2ea: {  	vm3 =	vge.f32 v4, v6;
	v14 =	vperm.xlane v58, v16;
	v20 =	vperm.xlane v20, v16  }
0x2eb: {  	vm14 =	vge.f32 v31, v5;
	v58 =	vperm.xlane v59, v16;
	v59 =	vperm.xlane v62, v16;
	v53, v57, _ =	vpop (xrf1)  }
0x2ec: {  	v7 =	vsel vm14, v32, v10;
	v5 =	vsel vm14, v31, v5;
	v18 =	vperm.xlane v63, v16;
	v62, v63, _ =	vpop (xrf1)  }
0x2ed: {  	v19 =	vperm.xlane v19, v16;
	vm15 =	vge.f32 v48, v11;
	vm9 =	vge.f32 v53, v17;
	v21, v22, _ =	vpop (xrf1)  }
0x2ee: {  	v8 =	vsel vm15, v52, v12;
	v11 =	vsel vm15, v48, v11;
	vm10 =	vge.f32 v62, v14;
	v39, v30, _ =	vpop (xrf1)  }
0x2ef: {  	v9 =	vsel vm9, v57, v20;
	vm13 =	vge.f32 v5, v11;
	v10 =	vsel vm10, v63, v15;
	v38, v33, _ =	vpop (xrf1)  }
0x2f0: {  	v15 =	vsel vm9, v53, v17;
	v14 =	vsel vm10, v62, v14;
	v62 =	vsel vm13, v7, v8;
	v32, v13, _ =	vpop (xrf1)  }
0x2f1: {  	v7 =	vsel vm13, v8, v7;
	vm2 =	vge.f32 v15, v14;
	v17, v20, _ =	vpop (xrf1);
	vm11 =	vge.f32 v32, v19  }
0x2f2: {  	vm12 =	vge.f32 v17, v59;
	v57, v53, _ =	vpop (xrf1);
	v13 =	vsel vm11, v13, v18;
	v12 =	vsel vm11, v32, v19  }
0x2f3: {  	v19 =	vsel vm3, v4, v6;
	v52, v48, _ =	vpop (xrf1);
	v18 =	vsel vm12, v20, v58;
	v20 =	vsel vm3, v1, v3  }
0x2f4: {  	v4 =	vsel vm3, v6, v4;
	v6 =	vsel vm13, v5, v11;
	v32, v31, _ =	vpop (xrf1);
	(xrf1) =	vsort.dscd.msk.f32 $0xffff, v19, v20  }
0x2f5: {  	v5 =	vsel vm13, v11, v5;
	v17 =	vsel vm12, v17, v59;
	(xrf1) =	vsort.dscd.msk.f32 $0xffff, v6, v62  }
0x2f6: {  	v1 =	vsel vm3, v3, v1;
	vm3 =	vge.f32 v12, v17;
	(xrf1) =	vsort.dscd.msk.f32 $0xffff, v5, v7  }
0x2f7: {  	v3 =	vsel vm3, v17, v12;
	v11 =	vsel vm3, v18, v13;
	v59, v58, _ =	vpop (xrf1);
	(xrf1) =	vsort.dscd.msk.f32 $0xffff, v4, v1  }
0x2f8: {  	v62 =	vsel vm3, v12, v17;
	v8 =	vsel vm3, v13, v18;
	(xrf1) =	vsort.dscd.msk.f32 $0xffff, v3, v11  }
0x2f9: {  	v12 =	vsel vm2, v9, v10;
	v11 =	vsel vm2, v15, v14;
	(xrf1) =	vsort.dscd.msk.f32 $0xffff, v62, v8  }
0x2fa: {  	v13 =	vsel vm2, v14, v15;
	v14 =	vsel vm2, v10, v9;
	(xrf1) =	vsort.dscd.msk.f32 $0xffff, v11, v12  }
0x2fb: {  	(xrf1) =	vsort.dscd.msk.f32 $0xffff, v13, v14  }
0x2fc: {  	v42 =	vperm.xlane v42, v16;
	v5 =	vperm.xlane v46, v16  }
0x2fd: {  	vm3 =	vge.f32 v56, v60;
	v18 =	vperm.xlane v40, v16;
	v46 =	vperm.xlane v43, v16  }
0x2fe: {  	v43 =	vsel vm3, v60, v56;
	v4 =	vperm.xlane v44, v16;
	vm14 =	vge.f32 v21, v5  }
0x2ff: {  	v1 =	vsel vm3, v46, v54;
	vm2 =	vge.f32 v51, v61;
	v9 =	vperm.xlane v55, v16  }
0x300: {  	v44 =	vsel vm14, v21, v5;
	v5 =	vsel vm14, v5, v21;
	(xrf1) =	vsort.dscd.msk.f32 $0xffff, v2, v0  }
0x301: {  	v3 =	vsel vm2, v42, v49;
	v62 =	vsel vm3, v56, v60;
	v0 =	vperm.xlane v47, v16  }
0x302: {  	v2 =	vperm.xlane v50, v16;
	v47 =	vsel vm2, v51, v61;
	v50 =	vsel vm2, v49, v42;
	v15, v17, _ =	vpop (xrf1)  }
0x303: {  	v61 =	vsel vm2, v61, v51;
	v42 =	vsel vm3, v54, v46;
	(xrf1) =	vsort.dscd.msk.f32 $0xffff, v47, v50;
	v6, v7, _ =	vpop (xrf1)  }
0x304: {  	v46 =	vsel vm14, v22, v4;
	v4 =	vsel vm14, v4, v22;
	(xrf1) =	vsort.dscd.msk.f32 $0xffff, v61, v3;
	v3, v8, _ =	vpop (xrf1)  }
0x305: {  	v7 =	vperm.xlane v7, v16;
	(xrf1) =	vsort.dscd.msk.f32 $0xffff, v62, v42;
	v3 =	vperm.xlane v3, v16;
	v10, v11, _ =	vpop (xrf1)  }
0x306: {  	v6 =	vperm.xlane v6, v16;
	v8 =	vperm.xlane v8, v16;
	(xrf1) =	vsort.dscd.msk.f32 $0xffff, v43, v1;
	v1, v12, _ =	vpop (xrf1)  }
0x307: {  	(xrf1) =	vsort.dscd.msk.f32 $0xffff, v44, v46;
	vm3 =	vge.f32 v15, v3;
	v1 =	vperm.xlane v1, v16;
	v13, v14, _ =	vpop (xrf1)  }
0x308: {  	vm15 =	vge.f32 v10, v6;
	v12 =	vperm.xlane v12, v16;
	v13 =	vperm.xlane v13, v16;
	v21, v22, _ =	vpop (xrf1)  }
0x309: {  	v8 =	vsel vm3, v17, v8;
	v7 =	vsel vm15, v11, v7;
	v3 =	vsel vm3, v15, v3;
	v49, v17, _ =	vpop (xrf1)  }
0x30a: {  	v47 =	vperm.xlane v14, v16;
	vm3 =	vge.f32 v21, v1;
	vm8 =	vge.f32 v49, v13  }
0x30b: {  	v6 =	vsel vm15, v10, v6;
	v1 =	vsel vm3, v21, v1;
	v50 =	vsel vm8, v49, v13  }
0x30c: {  	v12 =	vsel vm3, v22, v12;
	v11 =	vsel vm8, v17, v47;
	vm3 =	vge.f32 v1, v50  }
0x30d: {  	vm4 =	vge.f32 v3, v6;
	v13 =	vsel vm3, v1, v50;
	v51 =	vsel vm3, v12, v11  }
0x30e: {  	v15, v40, _ =	vpop (xrf1);
	v1 =	vsel vm3, v50, v1;
	v54 =	vsel vm3, v11, v12;
	(xrf1) =	vsort.dscd.msk.f32 $0xffff, v13, v51  }
0x30f: {  	v55 =	vsel vm4, v3, v6;
	v56 =	vsel vm4, v8, v7;
	(xrf1) =	vsort.dscd.msk.f32 $0xffff, v1, v54  }
0x310: {  	v60 =	vsel vm4, v6, v3;
	v61 =	vsel vm4, v7, v8;
	(xrf1) =	vsort.dscd.msk.f32 $0xffff, v55, v56  }
0x311: {  	v30 =	vperm.xlane v30, v16;
	v62, v7, _ =	vpop (xrf1);
	(xrf1) =	vsort.dscd.msk.f32 $0xffff, v60, v61  }
0x312: {  	v19 =	vperm.xlane v41, v16;
	v20 =	vperm.xlane v45, v16;
	v44, v43, _ =	vpop (xrf1);
	(xrf1) =	vsort.dscd.msk.f32 $0xffff, v5, v4  }
0x313: {  	v41 =	vperm.xlane v39, v16;
	vm9 =	vge.f32 v52, v9;
	vm2 =	vge.f32 v38, v0;
	v11, v12, _ =	vpop (xrf1)  }
0x314: {  	v45 =	vsel vm2, v33, v18;
	v42 =	vsel vm2, v38, v0;
	v46 =	vsel vm2, v18, v33;
	v17, v18, _ =	vpop (xrf1)  }
0x315: {  	v0 =	vsel vm2, v0, v38;
	vm3 =	vge.f32 v57, v2;
	v51, v50, _ =	vpop (xrf1);
	(xrf1) =	vsort.dscd.msk.f32 $0xffff, v42, v45  }
0x316: {  	v47 =	vsel vm3, v57, v2;
	v49 =	vsel vm3, v53, v19;
	(xrf1) =	vsort.dscd.msk.f32 $0xffff, v0, v46  }
0x317: {  	v2 =	vsel vm3, v2, v57;
	v19 =	vsel vm3, v19, v53;
	(xrf1) =	vsort.dscd.msk.f32 $0xffff, v47, v49  }
0x318: {  	vm2 =	vge.f32 v32, v41;
	v21 =	vsel vm9, v52, v9;
	(xrf1) =	vsort.dscd.msk.f32 $0xffff, v2, v19  }
0x319: {  	v22 =	vsel vm9, v48, v20;
	v9 =	vsel vm9, v9, v52;
	v20 =	vsel vm9, v20, v48  }
0x31a: {  	v52 =	vsel vm2, v32, v41;
	v15 =	vperm.xlane v15, v16;
	v53 =	vsel vm2, v31, v30  }
0x31b: {  	v57 =	vperm.xlane v40, v16;
	v54 =	vsel vm2, v41, v32;
	v56 =	vperm.xlane v59, v16  }
0x31c: {  	v55 =	vsel vm2, v30, v31;
	v59 =	vperm.xlane v58, v16;
	v6 =	vperm.xlane v62, v16;
	v61, v60, _ =	vpop (xrf1)  }
0x31d: {  	v7 =	vperm.xlane v7, v16;
	vm2 =	vge.f32 v51, v15;
	(xrf1) =	vsort.dscd.msk.f32 $0xffff, v21, v22;
	v3, v4, _ =	vpop (xrf1)  }
0x31e: {  	v15 =	vsel vm2, v51, v15;
	v2 =	vsel vm2, v50, v57;
	(xrf1) =	vsort.dscd.msk.f32 $0xffff, v9, v20;
	v0, v1, _ =	vpop (xrf1)  }
0x31f: {  	(xrf1) =	vsort.dscd.msk.f32 $0xffff, v52, v53;
	v9 =	vperm.xlane v61, v16;
	v3 =	vperm.xlane v3, v16;
	v19, v20, _ =	vpop (xrf1)  }
0x320: {  	(xrf1) =	vsort.dscd.msk.f32 $0xffff, v54, v55;
	v14 =	vperm.xlane v60, v16;
	v4 =	vperm.xlane v4, v16;
	v21, v22, _ =	vpop (xrf1)  }
0x321: {  	vm2 =	vge.f32 v0, v3;
	vm3 =	vge.f32 v19, v9;
	vm10 =	vge.f32 v21, v56  }
0x322: {  	v0 =	vsel vm2, v0, v3;
	v62 =	vsel vm3, v19, v9;
	v1 =	vsel vm2, v1, v4  }
0x323: {  	v32 =	vsel vm3, v20, v14;
	vm2 =	vge.f32 v0, v62;
	v5 =	vsel vm10, v21, v56;
	v39, v19, _ =	vpop (xrf1)  }
0x324: {  	v13 =	vsel vm10, v22, v59;
	v9 =	vsel vm2, v62, v0;
	v20 =	vsel vm2, v32, v1;
	v21, v22, _ =	vpop (xrf1)  }
0x325: {  	v0 =	vsel vm2, v0, v62;
	v1 =	vsel vm2, v1, v32;
	(xrf1) =	vsort.dscd.msk.f32 $0xffff, v9, v20;
	v40, v41, _ =	vpop (xrf1)  }
0x326: {  	v8 =	vperm.xlane v44, v16;
	v33 =	vperm.xlane v43, v16;
	v30, v31, _ =	vpop (xrf1);
	(xrf1) =	vsort.dscd.msk.f32 $0xffff, v0, v1  }
0x327: {  	v11 =	vperm.xlane v11, v16;
	v12 =	vperm.xlane v12, v16  }
0x328: {  	v17 =	vperm.xlane v17, v16;
	v18 =	vperm.xlane v18, v16;
	vm3 =	vge.f32 v15, v5  }
0x329: {  	v14 =	vperm.xlane v39, v16;
	v38 =	vsel vm3, v15, v5;
	v20 =	vsel vm3, v2, v13  }
0x32a: {  	v21 =	vperm.xlane v21, v16;
	v42 =	vsel vm3, v5, v15;
	v43 =	vsel vm3, v13, v2  }
0x32b: {  	v52 =	vperm.xlane v22, v16;
	vm2 =	vge.f32 v40, v8;
	vm11 =	vge.f32 v30, v6;
	v45, v44, _ =	vpop (xrf1)  }
0x32c: {  	v3 =	vsel vm2, v40, v8;
	v49 =	vsel vm2, v41, v33;
	vm3 =	vge.f32 v45, v17  }
0x32d: {  	v6 =	vsel vm11, v30, v6;
	v47, v46, _ =	vpop (xrf1);
	v50 =	vsel vm11, v31, v7;
	v2 =	vsel vm3, v45, v17  }
0x32e: {  	v10 =	vmov s21;
	vm12 =	vge.f32 v47, v11;
	vm13 =	vge.f32 v3, v6;
	v15, v17, _ =	vpop (xrf1);
	(xrf1) =	vsort.dscd.msk.f32 $0xffff, v38, v20  }
0x32f: {  	s21 =	smov.u32 s20;
	s20 =	smov.u32 s19;
	s19 =	smov.u32 s18;
	v5 =	vsel vm3, v44, v18;
	v8 =	vsel vm12, v47, v11;
	v51 =	vsel vm12, v46, v12  }
0x330: {  	s29 =	sadd.s32 $0x1, s19;
	v41 =	vld [tilespmem:$0x1FE70];
	v54 =	vsel vm13, v3, v6;
	v18 =	vsel vm13, v49, v50;
	v3 =	vsel vm13, v6, v3  }
0x331: {  	v57 =	vmov s29;
	v44 =	vld [tilespmem:$0x1FE90];
	v1 =	vsel vm13, v50, v49;
	vm14 =	vge.f32 v2, v8;
	v48, v20, _ =	vpop (xrf1);
	(xrf1) =	vsort.dscd.msk.f32 $0xffff, v42, v43  }
0x332: {  	v45 =	vld [tilespmem:$0x1FEA0];
	vm2 =	vge.f32 v15, v21;
	v55 =	vsel vm14, v2, v8;
	v56 =	vsel vm14, v5, v51  }
0x333: {  	v49 =	vld [tilespmem:$0x1FEC0];
	v2 =	vsel vm14, v8, v2;
	v5 =	vsel vm14, v51, v5;
	vm3 =	vge.f32 v48, v14;
	_, v58, _ =	vpop (xrf1)  }
0x334: {  	v42 =	vld [tilespmem:$0x1FE80];
	(xrf1) =	vsort.dscd.msk.f32 $0xffff, v54, v18;
	v59 =	vsel vm2, v15, v21;
	v15 =	vshll.u32 v57, $0x8;
	v18 =	vshll.u32 v58, $0x3;
	_, v40, _ =	vpop (xrf1)  }
0x335: {  	v60 =	vsel vm3, v48, v14;
	v48 =	vld [tilespmem:$0x1FEB0];
	(xrf1) =	vsort.dscd.msk.f32 $0xffff, v3, v1;
	v62 =	vand.u32 $0xFFFFFC00, v18;
	v18 =	vshll.u32 v40, $0x3  }
0x336: {  	s22 =	sadd.s32 $0x200, s22;
	s23 =	sadd.s32 $0x100, s23;
	v43 =	vsel vm2, v17, v52;
	v61 =	vand.u32 $0x1800, v15;
	(xrf1) =	vsort.dscd.msk.f32 $0xffff, v55, v56;
	v17 =	vand.u32 $0xFFFFFC00, v18;
	v18 =	vld [tilespmem:$0x1FEE0]  }
0x337: {  	s30 =	sand.u32 $0x1800, s22;
	s28 =	sadd.s32 $0x80, s23;
	(xrf1) =	vsort.dscd.msk.f32 $0xffff, v2, v5;
	v3 =	vadd.s32 v61, v17;
	v17 =	vld [tilespmem:$0x1FED0]  }
0x338: {  	s28 =	sand.u32 $0x380, s28;
	s29 =	sor.u32 $0x2000, s30  }
0x339: {  	s31 =	sor.u32 s28, s29;
	(xrf1) =	vsort.dscd.msk.f32 $0xffff, v41, v42  }
0x33a: {  	v53 =	vperm.xlane v19, v16;
	v46 =	vld [tilespmem:s31+$0x0];
	(xrf1) =	vsort.dscd.msk.f32 $0xffff, v44, v45  }
0x33b: {  	v50 =	vld [tilespmem:s31+$0x10];
	v14 =	vshll.u32 v57, $0x7;
	v32 =	vand.u32 $0x7F, v58;
	v33 =	vadd.s32 v61, v62;
	(xrf1) =	vsort.dscd.msk.f32 $0xffff, v48, v49  }
0x33c: {  	v38 =	vand.u32 $0x380, v14;
	v19 =	vand.u32 $0x7F, v40;
	v39 =	vor.u32 v32, v33;
	v52, v15, _ =	vpop (xrf1);
	(xrf1) =	vsort.dscd.msk.f32 $0xffff, v17, v18;
	v18 =	vld [tilespmem:$0x1FEF0]  }
0x33d: {  	v4 =	vor.u32 v38, v39;
	v3 =	vor.u32 v19, v3;
	v19 =	vld [tilespmem:$0x1FF00]  }
0x33e: {  	v20 =	vsel vm3, v20, v53;
	vm15 =	vge.f32 v59, v60;
	v55 =	vld [tilespmem:s31+$0x40];
	v2 =	vor.u32 v38, v3  }
0x33f: {  	v47 =	vsel vm15, v59, v60;
	v51 =	vsel vm15, v43, v20;
	v6 =	vsel vm15, v20, v43;
	v58 =	vld [tilespmem:s31+$0x400]  }
0x340: {  	v0 =	vshll.u32 v10, $0x8;
	v1 =	vsel vm15, v60, v59;
	v54, v53, _ =	vpop (xrf1);
	v59 =	vperm.xlane v15, v16;
	v15 =	vld [tilespmem:s31+$0x30];
	(xrf1) =	vsort.dscd.msk.f32 $0xffff, v47, v51  }
0x341: {  	v0 =	vand.u32 $0x1800, v0;
	v17 =	vld [tilespmem:s31+$0x20];
	(xrf1) =	vsort.dscd.msk.f32 $0xffff, v1, v6;
	v32 =	vsel vm1, v18, v28  }
0x342: {  	v33 =	vsel vm1, v24, v23;
	v57 =	vld.idx.msk [tilespmem:v4+s9+$0x0], $0xffff;
	v20 =	vsel vm1, v28, v18;
	v38, v18, _ =	vpop (xrf1);
	(xrf1) =	vsort.dscd.msk.f32 $0xffff, v19, v32  }
0x343: {  	v22 =	vand.u32 $0x7FFFFFFF, v46;
	v31 =	vld.idx.msk [tilespmem:v2+s2+$0x0], $0xffff;
	v14 =	vperm.xlane v18, v16;
	v39, v18, _ =	vpop (xrf1);
	(xrf1) =	vsort.dscd.msk.f32 $0xffff, v33, v20;
	v20 =	vlaneseq.u32  }
0x344: {  	v35 =	vand.u32 $0x7F, v35;
	v37 =	vadd.s32 v0, v37;
	v21 =	vand.u32 $0x7FFFFFFF, v50;
	v30 =	vld.idx.msk [tilespmem:v2+s9+$0x0], $0xffff;
	v41, v42, _ =	vpop (xrf1);
	(xrf1) =	vsort.dscd.msk.f32 $0xffff, v22, v20  }
0x345: {  	s15 =	smov.u32 s14;
	v10 =	vshll.u32 v10, $0x7;
	v0 =	vadd.s32 v0, v34;
	v40 =	vperm.xlane v18, v16;
	v44, v18, _ =	vpop (xrf1);
	(xrf1) =	vsort.dscd.msk.f32 $0xffff, v21, v29;
	v29 =	vld [tilespmem:$0x1FFF0]  }
0x346: {  	s14 =	smov.u32 s16;
	s16 =	smov.u32 s17;
	s17 =	sadd.s32 $0x100, s17;
	v10 =	vand.u32 $0x300, v10;
	v0 =	vor.u32 v35, v0;
	v5 =	vperm.xlane v54, v16;
	v19 =	vld [tilespmem:s31+$0x50]  }
0x347: {  	v7 =	vperm.xlane v52, v16;
	v56 =	vperm.xlane v53, v16;
	v17 =	vand.u32 $0x7FFFFFFF, v17;
	v32 =	vld.idx.msk [tilespmem:v4+s2+$0x0], $0xffff;
	[tilespmem:s17+$0x30] =	vst v57  }
0x348: {  	v63 =	vld [tilespmem:$0x1FF30];
	v33 =	vor.u32 v10, v0;
	vm1 =	vge.f32 v41, v5;
	v22 =	vand.u32 $0x7FFFFFFF, v55;
	v46, v45, _ =	vpop (xrf1);
	(xrf1) =	vsort.dscd.msk.f32 $0xffff, v17, v26  }
0x349: {  	v43 =	vld [tilespmem:s31+$0x410];
	v2 =	vsel vm1, v41, v5;
	vm2 =	vge.f32 v44, v7;
	v48, v47, _ =	vpop (xrf1);
	v26 =	vand.u32 $0x7FFFFFFF, v15;
	(xrf1) =	vsort.dscd.msk.f32 $0xffff, v22, v27  }
0x34a: {  	v0 =	vsel vm2, v44, v7;
	v24 =	vsel vm2, v18, v59;
	v13, v18, _ =	vpop (xrf1);
	(xrf1) =	vsort.dscd.msk.f32 $0xffff, v26, v29;
	v26 =	vld [tilespmem:$0x1FF90]  }
0x34b: {  	v20 =	vld [tilespmem:s31+$0x70];
	v3 =	vsel vm1, v42, v56;
	vm1 =	vge.f32 v2, v0  }
0x34c: {  	v23 =	vsel vm1, v3, v24;
	v51 =	vsel vm1, v24, v3;
	v24 =	vld [tilespmem:$0x1FFB0]  }
0x34d: {  	s26 =	sand.u32 $0x300, s23  }
0x34e: {  	s25 =	sor.u32 s26, s29;
	v21 =	vld [tilespmem:s31+$0x430];
	v19 =	vand.u32 $0x7FFFFFFF, v19  }
0x34f: {  	v22 =	vld [tilespmem:s25+$0x464];
	v12 =	vand.u32 $0x7FFFFFFF, v43;
	v15, v28, _ =	vpop (xrf1);
	(xrf1) =	vsort.dscd.msk.f32 $0xffff, v19, v26  }
0x350: {  	[tilespmem:$0x1FE80] =	vst v23;
	v23 =	vld [tilespmem:s31+$0x60];
	v27 =	vand.u32 $0x7FFFFFFF, v20;
	(xrf1) =	vsort.dscd.msk.f32 $0xffff, v12, v63  }
0x351: {  	v54, v53, _ =	vpop (xrf1);
	(xrf1) =	vsort.dscd.msk.f32 $0xffff, v27, v24;
	v27 =	vld [tilespmem:$0x1FFC0];
	_ =	sdelay $0x2  }
0x352: {  	v17 =	vld [tilespmem:s31+$0x464]  }
0x353: {  	v22 =	vand.u32 $0x7FFFFFFF, v22;
	v19 =	vand.u32 $0x7FFFFFFF, v21  }
0x354: {  	v1 =	vand.u32 $0x7FFFFFFF, v58;
	v56, v20, _ =	vpop (xrf1);
	v59 =	vsel vm0, $0xBF800000, v22;
	v22 =	vand.u32 $0x7FFFFFFF, v23;
	v23 =	vld [tilespmem:$0x1FFE0];
	(xrf1) =	vsort.dscd.msk.f32 $0xffff, v19, v27  }
0x355: {  	v36 =	vand.u32 $0x7F, v36;
	(xrf1) =	vsort.dscd.msk.f32 $0xffff, v1, v25;
	v25 =	vld [tilespmem:$0x1FFA0];
	_ =	sdelay $0x1  }
0x356: {  	v61 =	vld [tilespmem:s25+$0x30];
	v17 =	vand.u32 $0x7FFFFFFF, v17  }
0x357: {  	v11 =	vor.u32 v36, v37;
	v58 =	vld [tilespmem:s25+$0x460];
	v17 =	vsel vm0, $0xBF800000, v17  }
0x358: {  	v34 =	vor.u32 v10, v11;
	v52 =	vld [tilespmem:s31+$0x420];
	_, v36, _ =	vpop (xrf1);
	(xrf1) =	vsort.dscd.msk.f32 $0xffff, v17, v23  }
0x359: {  	v11 =	vperm.xlane v38, v16;
	v4 =	vperm.xlane v39, v16;
	_, v35, _ =	vpop (xrf1);
	(xrf1) =	vsort.dscd.msk.f32 $0xffff, v22, v25;
	v22 =	vld [tilespmem:$0x1FF10]  }
0x35a: {  	v55 =	vld [tilespmem:s25+$0x70];
	v49 =	vsel vm1, v2, v0  }
0x35b: {  	v50 =	vsel vm1, v0, v2;
	vm1 =	vge.f32 v54, v4;
	vm2 =	vge.f32 v56, v11;
	v21 =	vld [tilespmem:s25+$0x430]  }
0x35c: {  	[tilespmem:$0x1FEA0] =	vst v51;
	v51 =	vld [tilespmem:s25+$0x60];
	v57 =	vsel vm1, v54, v4;
	v0 =	vsel vm2, v56, v11  }
0x35d: {  	v2 =	vand.u32 $0x7FFFFFFF, v52;
	[tilespmem:$0x1FE70] =	vst v49;
	v6 =	vsel vm1, v53, v40;
	v53 =	vld [tilespmem:s25+$0x410];
	vm1 =	vge.f32 v57, v0  }
0x35e: {  	v7 =	vperm.xlane v48, v16;
	[tilespmem:$0x1FE90] =	vst v50;
	v56 =	vld [tilespmem:s31+$0x460];
	v50 =	vsel vm1, v57, v0;
	(xrf1) =	vsort.dscd.msk.f32 $0xffff, v2, v22  }
0x35f: {  	v49 =	vsel vm2, v20, v14;
	v12 =	vand.u32 $0x7FFFFFFF, v55;
	[tilespmem:$0x1FEB0] =	vst v50;
	v50 =	vld [tilespmem:s25+$0x420];
	(xrf1) =	vsort.dscd.msk.f32 $0xffff, v59, v23  }
0x360: {  	v52 =	vsel vm1, v6, v49;
	v0 =	vsel vm1, v0, v57;
	v19 =	vld [tilespmem:s25+$0x450];
	v17 =	vand.u32 $0x7FFFFFFF, v21;
	(xrf1) =	vsort.dscd.msk.f32 $0xffff, v12, v24  }
0x361: {  	v41, v37, _ =	vpop (xrf1);
	v2 =	vsel vm1, v49, v6;
	vm1 =	vge.f32 v13, v7;
	(xrf1) =	vsort.dscd.msk.f32 $0xffff, v17, v27;
	v17 =	vld [tilespmem:$0x1FF20]  }
0x362: {  	v5 =	vperm.xlane v46, v16;
	v23 =	vsel vm1, v13, v7;
	v13 =	vld [tilespmem:$0x1FFD0]  }
0x363: {  	v60 =	vlaneseq.u32;
	v62 =	vld [tilespmem:s25+$0x50];
	v10 =	vperm.xlane v45, v16;
	v9 =	vperm.xlane v47, v16  }
0x364: {  	vm2 =	vge.f32 v15, v5;
	v11 =	vand.u32 $0x7FFFFFFF, v61;
	v14 =	vand.u32 $0x7FFFFFFF, v51  }
0x365: {  	v28 =	vsel vm2, v28, v10;
	v55 =	vand.u32 $0x7FFFFFFF, v58;
	[tilespmem:$0x1FEC0] =	vst v52;
	v54 =	vand.u32 $0x7FFFFFFF, v19;
	v48, v49, _ =	vpop (xrf1)  }
0x366: {  	[tilespmem:$0x1FED0] =	vst v0;
	v0 =	vand.u32 $0x7FFFFFFF, v53;
	v3 =	vand.u32 $0x7FFFFFFF, v56;
	v44, v40, _ =	vpop (xrf1);
	(xrf1) =	vsort.dscd.msk.f32 $0xffff, v54, v17  }
0x367: {  	p0 =	slt.u32 s24, $0x1E;
	v50 =	vand.u32 $0x7FFFFFFF, v50;
	v57 =	vsel vm1, v18, v9;
	v24 =	vsel vm2, v15, v5;
	v5 =	vld [tilespmem:s25+$0x440];
	v39, v38, _ =	vpop (xrf1);
	(xrf1) =	vsort.dscd.msk.f32 $0xffff, v55, v13  }
.Ltmp0:
0x368: {  	v45 =	vld [tilespmem:s31+$0x440];
	v42 =	vperm.xlane v48, v16;
	v15 =	vand.u32 $0x7FFFFFFF, v62;
	vm1 =	vge.f32 v23, v24;
	v58, v59, _ =	vpop (xrf1);
	(xrf1) =	vsort.dscd.msk.f32 $0xffff, v11, v29;
	(pc) =	sbr.rel @p0 .LBB2_3-.Ltmp0, $4  }
0x369: {  	v46 =	vld [tilespmem:s31+$0x450];
	[tilespmem:$0x1FEE0] =	vst v2;
	v43 =	vperm.xlane v49, v16;
	v2 =	vsel vm1, v23, v24;
	v10, v11, _ =	vpop (xrf1);
	(xrf1) =	vsort.dscd.msk.f32 $0xffff, v15, v26  }
0x36a: {  	v61 =	vld [tilespmem:s25+$0x20];
	[tilespmem:$0x1FEF0] =	vst v57;
	v47 =	vperm.xlane v58, v16;
	v54 =	vperm.xlane v59, v16;
	(xrf1) =	vsort.dscd.msk.f32 $0xffff, v14, v25;
	v14, v59, _ =	vpop (xrf1)  }
0x36b: {  	v56 =	vld [tilespmem:s25+$0x40];
	[tilespmem:$0x1FF00] =	vst v2;
	v53 =	vperm.xlane v11, v16;
	v58 =	vperm.xlane v10, v16;
	v49, v51, _ =	vpop (xrf1);
	(xrf1) =	vsort.dscd.msk.f32 $0xffff, v3, v13  }
0x36c: {  	s18 =	smov.u32 s24;
	s24 =	sadd.s32 $0x2, s24;
	v62 =	vld [tilespmem:s25+$0x10];
	v48 =	vand.u32 $0x7FFFFFFF, v5;
	v52 =	vperm.xlane v59, v16;
	v57 =	vperm.xlane v14, v16;
	(xrf1) =	vsort.dscd.msk.f32 $0xffff, v0, v63;
	v55, v59, _ =	vpop (xrf1)  }
0x36d: {  	v20 =	vld [tilespmem:$0x1FF40];
	_ =	sdelay $0x1  }
0x36e: {  	v0 =	vand.u32 $0x7FFFFFFF, v45  }
0x36f: {  	v1 =	vperm.xlane v51, v16  }
0x370: {  	v2 =	vperm.xlane v59, v16;
	(xrf1) =	vsort.dscd.msk.f32 $0xffff, v50, v22;
	v3, v4, _ =	vpop (xrf1);
	v6 =	vperm.xlane v49, v16;
	v5 =	vand.u32 $0x7FFFFFFF, v46  }
0x371: {  	v7 =	vperm.xlane v55, v16;
	vm4 =	vge.f32 v41, v42;
	(xrf1) =	vsort.dscd.msk.f32 $0xffff, v0, v20;
	v0, v8, _ =	vpop (xrf1)  }
0x372: {  	vm5 =	vge.f32 v44, v47;
	vm3 =	vge.f32 v39, v58;
	v14 =	vsel vm4, v41, v42;
	v9, v10, _ =	vpop (xrf1)  }
0x373: {  	v15 =	vsel vm4, v37, v43;
	v18 =	vsel vm4, v43, v37;
	(xrf1) =	vsort.dscd.msk.f32 $0xffff, v5, v17;
	v5, v11, _ =	vpop (xrf1)  }
0x374: {  	v19 =	vsel vm5, v44, v47;
	v0 =	vperm.xlane v0, v16;
	v8 =	vperm.xlane v8, v16;
	v12, v13, _ =	vpop (xrf1)  }
0x375: {  	v17 =	vsel vm4, v42, v41;
	vm6 =	vge.f32 v9, v6;
	(xrf1) =	vsort.dscd.msk.f32 $0xffff, v14, v15;
	v49, v45, _ =	vpop (xrf1)  }
0x376: {  	v14 =	vsel vm5, v40, v54;
	v15 =	vsel vm5, v47, v44;
	(xrf1) =	vsort.dscd.msk.f32 $0xffff, v17, v18;
	v51, v46, _ =	vpop (xrf1)  }
0x377: {  	v17 =	vsel vm5, v54, v40;
	(xrf1) =	vsort.dscd.msk.f32 $0xffff, v19, v14;
	v14 =	vsel vm6, v9, v6;
	v50, v47, _ =	vpop (xrf1)  }
0x378: {  	v19 =	vsel vm6, v10, v1;
	v6 =	vsel vm6, v6, v9;
	(xrf1) =	vsort.dscd.msk.f32 $0xffff, v15, v17;
	v26, v59, _ =	vpop (xrf1)  }
0x379: {  	vm7 =	vge.f32 v5, v7;
	v1 =	vsel vm6, v1, v10;
	(xrf1) =	vsort.dscd.msk.f32 $0xffff, v14, v19;
	v41, v37, _ =	vpop (xrf1)  }
0x37a: {  	v9 =	vsel vm7, v5, v7;
	v10 =	vsel vm7, v11, v2;
	(xrf1) =	vsort.dscd.msk.f32 $0xffff, v6, v1;
	v42, v40, _ =	vpop (xrf1)  }
0x37b: {  	v2 =	vsel vm7, v2, v11;
	v1 =	vsel vm7, v7, v5;
	(xrf1) =	vsort.dscd.msk.f32 $0xffff, v9, v10;
	v55, v54, _ =	vpop (xrf1)  }
0x37c: {  	v18 =	vsel vm3, v39, v58;
	v7 =	vsel vm3, v38, v53;
	(xrf1) =	vsort.dscd.msk.f32 $0xffff, v1, v2;
	v5, v6, _ =	vpop (xrf1)  }
0x37d: {  	vm2 =	vge.f32 v3, v57;
	(xrf1) =	vsort.dscd.msk.f32 $0xffff, v18, v7;
	vm8 =	vge.f32 v5, v0  }
0x37e: {  	v1 =	vsel vm8, v5, v0;
	v2 =	vsel vm8, v6, v8;
	v0 =	vsel vm8, v0, v5  }
0x37f: {  	v5 =	vsel vm8, v8, v6;
	(xrf1) =	vsort.dscd.msk.f32 $0xffff, v1, v2;
	v2 =	vsel vm3, v53, v38  }
0x380: {  	v44, v43, _ =	vpop (xrf1);
	v1 =	vsel vm3, v58, v39;
	(xrf1) =	vsort.dscd.msk.f32 $0xffff, v0, v5;
	v5 =	vsel vm2, v4, v52  }
0x381: {  	v27 =	vld [tilespmem:$0x1FF70];
	v0 =	vsel vm2, v3, v57;
	v4 =	vsel vm2, v52, v4  }
0x382: {  	v29 =	vld [tilespmem:$0x1FF80];
	v39, v38, _ =	vpop (xrf1);
	v3 =	vsel vm2, v57, v3;
	(xrf1) =	vsort.dscd.msk.f32 $0xffff, v1, v2  }
0x383: {  	(xrf1) =	vsort.dscd.msk.f32 $0xffff, v0, v5;
	v1, v2, _ =	vpop (xrf1)  }
0x384: {  	v7 =	vand.u32 $0x7FFFFFFF, v62;
	v0, v5, _ =	vpop (xrf1);
	(xrf1) =	vsort.dscd.msk.f32 $0xffff, v3, v4  }
0x385: {  	v25 =	vld [tilespmem:$0x1FF60];
	v0 =	vperm.xlane v0, v16;
	v3, v4, _ =	vpop (xrf1);
	(xrf1) =	vsort.dscd.msk.f32 $0xffff, v48, v20  }
0x386: {  	v11 =	vld [tilespmem:s25+$0x0];
	v8 =	vperm.xlane v12, v16;
	v12 =	vand.u32 $0x7FFFFFFF, v61;
	v5 =	vperm.xlane v5, v16;
	v9, v10, _ =	vpop (xrf1);
	(xrf1) =	vsort.dscd.msk.f32 $0xffff, v7, v27  }
0x387: {  	v13 =	vperm.xlane v13, v16;
	v6 =	vld [tilespmem:s25+$0x400];
	vm2 =	vge.f32 v1, v0;
	v7, v14, _ =	vpop (xrf1);
	(xrf1) =	vsort.dscd.msk.f32 $0xffff, v12, v29  }
0x388: {  	v61 =	vld [tilespmem:$0x1FF50];
	v15 =	vsel vm2, v1, v0;
	v17 =	vsel vm2, v2, v5;
	v0 =	vsel vm2, v0, v1  }
0x389: {  	v12, v18, _ =	vpop (xrf1);
	v1 =	vsel vm2, v5, v2;
	vm2 =	vge.f32 v26, v8;
	v14 =	vperm.xlane v14, v16  }
0x38a: {  	v7 =	vperm.xlane v7, v16;
	(xrf1) =	vsort.dscd.msk.f32 $0xffff, v15, v17;
	v15 =	vand.u32 $0x7FFFFFFF, v56;
	v12 =	vperm.xlane v12, v16  }
0x38b: {  	v21 =	vsel vm2, v26, v8;
	v48 =	vsel vm2, v59, v13;
	v2, v5, _ =	vpop (xrf1);
	(xrf1) =	vsort.dscd.msk.f32 $0xffff, v0, v1  }
0x38c: {  	v6 =	vand.u32 $0x7FFFFFFF, v6;
	v0 =	vperm.xlane v18, v16;
	(xrf1) =	vsort.dscd.msk.f32 $0xffff, v15, v25;
	v5 =	vperm.xlane v5, v16;
	v1, v17, _ =	vpop (xrf1)  }
0x38d: {  	v11 =	vand.u32 $0x7FFFFFFF, v11;
	v2 =	vperm.xlane v2, v16;
	vm3 =	vge.f32 v3, v12;
	(xrf1) =	vsort.dscd.msk.f32 $0xffff, v6, v61;
	v15, v18, _ =	vpop (xrf1)  }
0x38e: {  	v3 =	vsel vm3, v3, v12;
	v0 =	vsel vm3, v4, v0;
	v6 =	vperm.xlane v17, v16;
	v17, v19, _ =	vpop (xrf1)  }
0x38f: {  	v62 =	vmov v20;
	vm3 =	vge.f32 v9, v7;
	(xrf1) =	vsort.dscd.msk.f32 $0xffff, v11, v60;
	v11 =	vperm.xlane v19, v16;
	v19, v20, _ =	vpop (xrf1)  }
0x390: {  	v1 =	vperm.xlane v1, v16;
	v60 =	vmov v22;
	v10 =	vsel vm3, v10, v14;
	v22, v52, _ =	vpop (xrf1)  }
0x391: {  	v7 =	vsel vm3, v9, v7;
	v18 =	vperm.xlane v18, v16;
	(xrf1) =	vsort.dscd.msk.f32 $0xffff, v21, v48;
	v53, v56, _ =	vpop (xrf1)  }
0x392: {  	vm12 =	vge.f32 v3, v7;
	v17 =	vperm.xlane v17, v16;
	vm9 =	vge.f32 v19, v1;
	v21, v48, _ =	vpop (xrf1)  }
0x393: {  	v6 =	vsel vm9, v20, v6;
	v1 =	vsel vm9, v19, v1;
	vm3 =	vge.f32 v21, v2  }
0x394: {  	v19 =	vsel vm12, v3, v7;
	v20 =	vsel vm12, v0, v10;
	v4, v12, _ =	vpop (xrf1);
	v2 =	vsel vm3, v21, v2  }
0x395: {  	vm10 =	vge.f32 v4, v17;
	v5 =	vsel vm3, v48, v5;
	vm3 =	vge.f32 v1, v2  }
0x396: {  	v15 =	vperm.xlane v15, v16;
	v9, v14, _ =	vpop (xrf1);
	v11 =	vsel vm10, v12, v11;
	v12 =	vsel vm3, v1, v2  }
0x397: {  	v22 =	vperm.xlane v22, v16;
	v3 =	vsel vm12, v7, v3;
	v21, v57, _ =	vpop (xrf1);
	v58 =	vsel vm3, v6, v5  }
0x398: {  	v0 =	vsel vm12, v10, v0;
	(xrf1) =	vsort.dscd.msk.f32 $0xffff, v19, v20;
	vm11 =	vge.f32 v9, v15;
	v19, v48, _ =	vpop (xrf1)  }
0x399: {  	v4 =	vsel vm10, v4, v17;
	v14 =	vsel vm11, v14, v18;
	(xrf1) =	vsort.dscd.msk.f32 $0xffff, v12, v58;
	v12, v20, _ =	vpop (xrf1)  }
0x39a: {  	v18 =	vperm.xlane v53, v16;
	v53 =	vperm.xlane v56, v16;
	v9 =	vsel vm11, v9, v15;
	v17, v56, _ =	vpop (xrf1)  }
0x39b: {  	v15 =	vperm.xlane v52, v16;
	v1 =	vsel vm3, v2, v1;
	v2 =	vsel vm3, v5, v6;
	v52, v58, _ =	vpop (xrf1)  }
0x39c: {  	vm3 =	vge.f32 v4, v9;
	vm13 =	vge.f32 v17, v18;
	vm14 =	vge.f32 v52, v22  }
0x39d: {  	(xrf1) =	vsort.dscd.msk.f32 $0xffff, v1, v2;
	v17 =	vsel vm13, v17, v18;
	v18 =	vsel vm14, v52, v22  }
0x39e: {  	v53 =	vsel vm13, v56, v53;
	v15 =	vsel vm14, v58, v15;
	vm15 =	vge.f32 v17, v18  }
0x39f: {  	(xrf1) =	vsort.dscd.msk.f32 $0xffff, v3, v0;
	v1 =	vsel vm15, v18, v17;
	v2 =	vsel vm15, v15, v53  }
0x3a0: {  	v0 =	vsel vm15, v17, v18;
	v3 =	vsel vm15, v53, v15;
	(xrf1) =	vsort.dscd.msk.f32 $0xffff, v1, v2  }
0x3a1: {  	v1 =	vsel vm3, v4, v9;
	v2 =	vsel vm3, v11, v14;
	(xrf1) =	vsort.dscd.msk.f32 $0xffff, v0, v3  }
0x3a2: {  	(xrf1) =	vsort.dscd.msk.f32 $0xffff, v1, v2;
	v1 =	vsel vm3, v14, v11  }
0x3a3: {  	v0 =	vsel vm3, v9, v4  }
0x3a4: {  	v5 =	vperm.xlane v51, v16;
	(xrf1) =	vsort.dscd.msk.f32 $0xffff, v0, v1;
	_ =	sdelay $0x1  }
0x3a5: {  	v6 =	vsel vm2, v8, v26;
	vm8 =	vge.f32 v39, v5;
	v9 =	vsel vm2, v13, v59;
	v0, v1, _ =	vpop (xrf1)  }
0x3a6: {  	v26 =	vsel vm8, v39, v5;
	v4 =	vperm.xlane v49, v16;
	v14 =	vperm.xlane v50, v16;
	v2, v3, _ =	vpop (xrf1)  }
0x3a7: {  	v5 =	vsel vm8, v5, v39;
	v15 =	vperm.xlane v46, v16;
	v13 =	vperm.xlane v45, v16;
	v7, v8, _ =	vpop (xrf1)  }
0x3a8: {  	v17 =	vperm.xlane v47, v16;
	vm3 =	vge.f32 v55, v4;
	vm2 =	vge.f32 v21, v14;
	v10, v11, _ =	vpop (xrf1)  }
0x3a9: {  	v59 =	vsel vm3, v54, v13;
	v13 =	vsel vm3, v13, v54;
	(xrf1) =	vsort.dscd.msk.f32 $0xffff, v6, v9;
	v6, v9, _ =	vpop (xrf1)  }
0x3aa: {  	v58 =	vsel vm3, v55, v4;
	v4 =	vsel vm3, v4, v55;
	v54 =	vsel vm8, v38, v15;
	v18, v22, _ =	vpop (xrf1)  }
0x3ab: {  	v15 =	vsel vm8, v15, v38;
	(xrf1) =	vsort.dscd.msk.f32 $0xffff, v58, v59;
	v58 =	vsel vm2, v21, v14;
	v47, v49, _ =	vpop (xrf1)  }
0x3ac: {  	v59 =	vsel vm2, v57, v17;
	(xrf1) =	vsort.dscd.msk.f32 $0xffff, v4, v13;
	v22 =	vperm.xlane v22, v16;
	v45, v46, _ =	vpop (xrf1)  }
0x3ad: {  	v18 =	vperm.xlane v18, v16;
	(xrf1) =	vsort.dscd.msk.f32 $0xffff, v26, v54;
	v52 =	vperm.xlane v47, v16;
	v4, v13, _ =	vpop (xrf1)  }
0x3ae: {  	v49 =	vperm.xlane v49, v16;
	(xrf1) =	vsort.dscd.msk.f32 $0xffff, v5, v15;
	v4 =	vperm.xlane v4, v16;
	v56, v55, _ =	vpop (xrf1)  }
0x3af: {  	vm11 =	vge.f32 v45, v18;
	v13 =	vperm.xlane v13, v16;
	vm10 =	vge.f32 v6, v52;
	v5, v15, _ =	vpop (xrf1)  }
0x3b0: {  	v22 =	vsel vm11, v46, v22;
	v38 =	vperm.xlane v56, v16;
	vm3 =	vge.f32 v5, v4  }
0x3b1: {  	v18 =	vsel vm11, v45, v18;
	(xrf1) =	vsort.dscd.msk.f32 $0xffff, v58, v59;
	v4 =	vsel vm3, v5, v4;
	v5, v26, _ =	vpop (xrf1)  }
0x3b2: {  	v39 =	vperm.xlane v55, v16;
	v9 =	vsel vm10, v9, v49;
	vm9 =	vge.f32 v5, v38  }
0x3b3: {  	v6 =	vsel vm10, v6, v52;
	v56 =	vperm.xlane v48, v16;
	v5 =	vsel vm9, v5, v38  }
0x3b4: {  	v13 =	vsel vm3, v15, v13;
	v15 =	vsel vm9, v26, v39;
	vm3 =	vge.f32 v4, v5  }
0x3b5: {  	v53 =	vsel vm3, v4, v5;
	v54 =	vsel vm3, v13, v15;
	v4 =	vsel vm3, v5, v4  }
0x3b6: {  	v5 =	vsel vm3, v15, v13;
	vm3 =	vge.f32 v6, v18;
	v13 =	vsel vm2, v17, v57  }
0x3b7: {  	v15 =	vperm.xlane v40, v16;
	v17 =	vperm.xlane v43, v16;
	(xrf1) =	vsort.dscd.msk.f32 $0xffff, v53, v54  }
0x3b8: {  	(xrf1) =	vsort.dscd.msk.f32 $0xffff, v4, v5;
	v4 =	vsel vm3, v6, v18;
	v5 =	vsel vm3, v9, v22  }
0x3b9: {  	(xrf1) =	vsort.dscd.msk.f32 $0xffff, v4, v5;
	v4 =	vsel vm3, v18, v6;
	v5 =	vsel vm3, v22, v9  }
0x3ba: {  	v6 =	vperm.xlane v42, v16;
	(xrf1) =	vsort.dscd.msk.f32 $0xffff, v4, v5;
	v5 =	vperm.xlane v41, v16  }
0x3bb: {  	v9 =	vperm.xlane v44, v16;
	v18 =	vperm.xlane v19, v16;
	v4 =	vsel vm2, v14, v21  }
0x3bc: {  	v14 =	vperm.xlane v37, v16;
	vm3 =	vge.f32 v0, v6;
	vm2 =	vge.f32 v12, v5  }
0x3bd: {  	vm12 =	vge.f32 v2, v9;
	(xrf1) =	vsort.dscd.msk.f32 $0xffff, v4, v13;
	v19 =	vsel vm2, v12, v5  }
0x3be: {  	v4 =	vsel vm2, v20, v14;
	v5 =	vsel vm2, v5, v12;
	v12 =	vsel vm2, v14, v20  }
0x3bf: {  	v13 =	vsel vm3, v0, v6;
	v0 =	vsel vm3, v6, v0;
	v14 =	vsel vm3, v1, v15  }
0x3c0: {  	v6, v55, _ =	vpop (xrf1);
	v1 =	vsel vm3, v15, v1;
	v15 =	vsel vm12, v2, v9;
	v2 =	vsel vm12, v9, v2  }
0x3c1: {  	v9 =	vsel vm12, v3, v17;
	vm2 =	vge.f32 v7, v18;
	(xrf1) =	vsort.dscd.msk.f32 $0xffff, v19, v4;
	v4, v19, _ =	vpop (xrf1)  }
0x3c2: {  	v3 =	vsel vm12, v17, v3;
	v17 =	vsel vm2, v7, v18;
	(xrf1) =	vsort.dscd.msk.f32 $0xffff, v5, v12;
	v5, v12, _ =	vpop (xrf1)  }
0x3c3: {  	v7 =	vsel vm2, v18, v7;
	v18 =	vsel vm2, v8, v56;
	(xrf1) =	vsort.dscd.msk.f32 $0xffff, v13, v14;
	v13, v14, _ =	vpop (xrf1)  }
0x3c4: {  	(xrf1) =	vsort.dscd.msk.f32 $0xffff, v0, v1;
	v0, v1, _ =	vpop (xrf1)  }
0x3c5: {  	(xrf1) =	vsort.dscd.msk.f32 $0xffff, v15, v9;
	v9, v15, _ =	vpop (xrf1)  }
0x3c6: {  	v8 =	vsel vm2, v56, v8;
	v20 =	vperm.xlane v55, v16;
	(xrf1) =	vsort.dscd.msk.f32 $0xffff, v2, v3;
	v2, v3, _ =	vpop (xrf1)  }
0x3c7: {  	(xrf1) =	vsort.dscd.msk.f32 $0xffff, v17, v18;
	v17, v18, _ =	vpop (xrf1)  }
0x3c8: {  	v6 =	vperm.xlane v6, v16;
	v17 =	vperm.xlane v17, v16  }
0x3c9: {  	v10 =	vperm.xlane v10, v16;
	v11 =	vperm.xlane v11, v16  }
0x3ca: {  	vm2 =	vge.f32 v9, v6;
	v2 =	vperm.xlane v2, v16;
	(xrf1) =	vsort.dscd.msk.f32 $0xffff, v7, v8;
	v7, v8, _ =	vpop (xrf1)  }
0x3cb: {  	v6 =	vsel vm2, v9, v6;
	v9 =	vsel vm2, v15, v20;
	v18 =	vperm.xlane v18, v16;
	v15, v20, _ =	vpop (xrf1)  }
0x3cc: {  	v3 =	vperm.xlane v3, v16;
	vm2 =	vge.f32 v7, v17;
	vm3 =	vge.f32 v15, v2  }
0x3cd: {  	v7 =	vsel vm2, v7, v17;
	v2 =	vsel vm3, v15, v2;
	v8 =	vsel vm2, v8, v18;
	v15, v17, _ =	vpop (xrf1)  }
0x3ce: {  	v3 =	vsel vm3, v20, v3;
	vm2 =	vge.f32 v7, v2;
	vm13 =	vge.f32 v15, v10  }
0x3cf: {  	v18 =	vsel vm2, v3, v8;
	v3 =	vsel vm2, v8, v3;
	v10 =	vsel vm13, v15, v10  }
0x3d0: {  	v15 =	vsel vm2, v2, v7;
	v11 =	vsel vm13, v17, v11;
	vm3 =	vge.f32 v6, v10  }
0x3d1: {  	v2 =	vsel vm2, v7, v2;
	v8 =	vsel vm3, v9, v11  }
0x3d2: {  	v17, v57, _ =	vpop (xrf1);
	v7 =	vsel vm3, v6, v10  }
0x3d3: {  	v5 =	vperm.xlane v5, v16;
	(xrf1) =	vsort.dscd.msk.f32 $0xffff, v15, v18;
	v15, v18, _ =	vpop (xrf1)  }
0x3d4: {  	v4 =	vperm.xlane v4, v16;
	(xrf1) =	vsort.dscd.msk.f32 $0xffff, v2, v3;
	v2, v3, _ =	vpop (xrf1)  }
0x3d5: {  	v6 =	vsel vm3, v10, v6;
	(xrf1) =	vsort.dscd.msk.f32 $0xffff, v7, v8;
	vm2 =	vge.f32 v2, v5;
	v7, v8, _ =	vpop (xrf1)  }
0x3d6: {  	v9 =	vsel vm3, v11, v9;
	v2 =	vsel vm2, v2, v5;
	vm3 =	vge.f32 v7, v4  }
0x3d7: {  	v5 =	vperm.xlane v12, v16;
	v4 =	vsel vm3, v7, v4;
	v7 =	vperm.xlane v19, v16  }
0x3d8: {  	(xrf1) =	vsort.dscd.msk.f32 $0xffff, v6, v9;
	vm14 =	vge.f32 v2, v4  }
0x3d9: {  	v3 =	vsel vm2, v3, v5;
	v5 =	vsel vm3, v8, v7;
	v6 =	vsel vm14, v2, v4  }
0x3da: {  	v2 =	vsel vm14, v4, v2;
	v4 =	vsel vm14, v3, v5;
	v3 =	vsel vm14, v5, v3;
	_ =	sdelay $0x2  }
0x3db: {  	v0 =	vperm.xlane v0, v16;
	v5 =	vperm.xlane v13, v16;
	(xrf1) =	vsort.dscd.msk.f32 $0xffff, v6, v4;
	v4, v6, _ =	vpop (xrf1)  }
0x3dc: {  	(xrf1) =	vsort.dscd.msk.f32 $0xffff, v2, v3;
	v2, v3, _ =	vpop (xrf1)  }
0x3dd: {  	v1 =	vperm.xlane v1, v16;
	vm2 =	vge.f32 v4, v0;
	vm3 =	vge.f32 v2, v5  }
0x3de: {  	v7 =	vperm.xlane v14, v16;
	v0 =	vsel vm2, v4, v0;
	v2 =	vsel vm3, v2, v5  }
0x3df: {  	v1 =	vsel vm2, v6, v1;
	vm2 =	vge.f32 v0, v2  }
0x3e0: {  	v3 =	vsel vm3, v3, v7;
	v5 =	vsel vm2, v0, v2  }
0x3e1: {  	v0 =	vsel vm2, v2, v0;
	v2 =	vsel vm2, v1, v3;
	v1 =	vsel vm2, v3, v1;
	_ =	sdelay $0x1  }
0x3e2: {  	v4 =	vperm.xlane v15, v16  }
0x3e3: {  	v3 =	vperm.xlane v17, v16;
	(xrf1) =	vsort.dscd.msk.f32 $0xffff, v5, v2;
	v2, v5, _ =	vpop (xrf1)  }
0x3e4: {  	(xrf1) =	vsort.dscd.msk.f32 $0xffff, v0, v1;
	v0, v1, _ =	vpop (xrf1);
	vm2 =	vge.f32 v2, v4  }
0x3e5: {  	vm3 =	vge.f32 v0, v3;
	v2 =	vsel vm2, v2, v4;
	v4 =	vld [tilespmem:$0x1FE80]  }
0x3e6: {  	v0 =	vsel vm3, v0, v3;
	v3 =	vld [tilespmem:$0x1FE70];
	_ =	sdelay $0x4  }
0x3e7: {  	(xrf1) =	vsort.dscd.msk.f32 $0xffff, v3, v4;
	v3 =	vld [tilespmem:$0x1FE90]  }
0x3e8: {  	v4 =	vld [tilespmem:$0x1FEA0];
	_ =	sdelay $0x3  }
0x3e9: {  	v6 =	vperm.xlane v18, v16  }
0x3ea: {  	v7 =	vperm.xlane v57, v16;
	(xrf1) =	vsort.dscd.msk.f32 $0xffff, v3, v4;
	v4 =	vld [tilespmem:$0x1FEB0]  }
0x3eb: {  	v3 =	vsel vm2, v5, v6;
	v5 =	vld [tilespmem:$0x1FEC0]  }
0x3ec: {  	v1 =	vsel vm3, v1, v7;
	v7 =	vld [tilespmem:$0x1FEE0]  }
0x3ed: {  	v6 =	vld [tilespmem:$0x1FED0];
	_ =	sdelay $0x1  }
0x3ee: {  	vm15 =	vge.f32 v2, v0  }
0x3ef: {  	(xrf1) =	vsort.dscd.msk.f32 $0xffff, v4, v5;
	v4 =	vsel vm15, v2, v0;
	v0 =	vsel vm15, v0, v2  }
0x3f0: {  	v5 =	vsel vm15, v3, v1;
	v1 =	vsel vm15, v1, v3  }
0x3f1: {  	(xrf1) =	vsort.dscd.msk.f32 $0xffff, v6, v7  }
0x3f2: {  	v14 =	vld [tilespmem:$0x1FEF0];
	(xrf1) =	vsort.dscd.msk.f32 $0xffff, v4, v5  }
0x3f3: {  	(xrf1) =	vsort.dscd.msk.f32 $0xffff, v0, v1;
	_, v0, _ =	vpop (xrf1)  }
0x3f4: {  	_, v1, _ =	vpop (xrf1)  }
0x3f5: {  	v15 =	vld [tilespmem:$0x1FF00];
	v2, v3, _ =	vpop (xrf1)  }
0x3f6: {  	v4, v5, _ =	vpop (xrf1)  }
0x3f7: {  	v10 =	vsel vm1, v14, v28;
	v6, v7, _ =	vpop (xrf1)  }
0x3f8: {  	v8, v9, _ =	vpop (xrf1)  }
0x3f9: {  	v14 =	vsel vm1, v28, v14;
	v2 =	vperm.xlane v2, v16;
	v4 =	vperm.xlane v4, v16;
	v11, v12, _ =	vpop (xrf1)  }
0x3fa: {  	v13 =	vsel vm1, v24, v23;
	(xrf1) =	vsort.dscd.msk.f32 $0xffff, v15, v10;
	v10, v15, _ =	vpop (xrf1)  }
0x3fb: {  	v5 =	vperm.xlane v5, v16;
	vm1 =	vge.f32 v11, v4;
	vm2 =	vge.f32 v10, v2  }
0x3fc: {  	v4 =	vsel vm1, v11, v4;
	v2 =	vsel vm2, v10, v2  }
0x3fd: {  	(xrf1) =	vsort.dscd.msk.f32 $0xffff, v13, v14;
	v13, v14, _ =	vpop (xrf1);
	v5 =	vsel vm1, v12, v5;
	vm1 =	vge.f32 v4, v2  }
0x3fe: {  	v3 =	vperm.xlane v3, v16;
	v17, v18, _ =	vpop (xrf1);
	v19 =	vsel vm1, v4, v2  }
0x3ff: {  	v6 =	vperm.xlane v6, v16;
	v10, v11, _ =	vpop (xrf1)  }
0x400: {  	v7 =	vperm.xlane v7, v16;
	v8 =	vperm.xlane v8, v16;
	v3 =	vsel vm2, v15, v3;
	v12, v15, _ =	vpop (xrf1)  }
0x401: {  	v58 =	vsel vm1, v5, v3;
	v2 =	vsel vm1, v2, v4;
	v3 =	vsel vm1, v3, v5;
	v4, v59, _ =	vpop (xrf1)  }
0x402: {  	v5 =	vperm.xlane v9, v16;
	(xrf1) =	vsort.dscd.msk.f32 $0xffff, v19, v58;
	vm1 =	vge.f32 v4, v8;
	v9, v19, _ =	vpop (xrf1)  }
0x403: {  	v14 =	vperm.xlane v14, v16;
	v4 =	vsel vm1, v4, v8;
	vm2 =	vge.f32 v9, v6  }
0x404: {  	v5 =	vsel vm1, v59, v5;
	v8 =	vshll.u32 v0, $0x3;
	v6 =	vsel vm2, v9, v6  }
0x405: {  	(xrf1) =	vsort.dscd.msk.f32 $0xffff, v2, v3;
	v0 =	vand.u32 $0x7F, v0;
	v7 =	vsel vm2, v19, v7;
	vm1 =	vge.f32 v4, v6  }
0x406: {  	v8 =	vand.u32 $0xFFFFFC00, v8;
	v2 =	vsel vm1, v4, v6;
	v3 =	vsel vm1, v5, v7  }
0x407: {  	s22 =	sadd.s32 $0x1, s18;
	v9 =	vshll.u32 v1, $0x3;
	v4 =	vsel vm1, v6, v4;
	v5 =	vsel vm1, v7, v5;
	(xrf1) =	vsort.dscd.msk.f32 $0xffff, v2, v3  }
0x408: {  	v1 =	vand.u32 $0x7F, v1;
	v9 =	vand.u32 $0xFFFFFC00, v9;
	(xrf1) =	vsort.dscd.msk.f32 $0xffff, v4, v5;
	v5 =	vmov s22  }
0x409: {  	v2 =	vshll.u32 v36, $0x3;
	v4 =	vmov s21;
	v7 =	vshll.u32 v5, $0x8  }
0x40a: {  	v2 =	vand.u32 $0xFFFFFC00, v2;
	v6 =	vshll.u32 v4, $0x8;
	v7 =	vand.u32 $0x1800, v7  }
0x40b: {  	v6 =	vand.u32 $0x1800, v6;
	v8 =	vadd.s32 v7, v8;
	v7 =	vadd.s32 v7, v9  }
0x40c: {  	v9 =	vperm.xlane v13, v16;
	v0 =	vor.u32 v0, v8;
	v8 =	vperm.xlane v17, v16  }
0x40d: {  	v3 =	vand.u32 $0x7F, v36;
	v2 =	vadd.s32 v6, v2;
	v1 =	vor.u32 v1, v7  }
0x40e: {  	v7 =	vperm.xlane v18, v16;
	vm2 =	vge.f32 v12, v9;
	vm1 =	vge.f32 v10, v8  }
0x40f: {  	v2 =	vor.u32 v3, v2;
	v3 =	vsel vm1, v10, v8;
	v8 =	vsel vm2, v12, v9  }
0x410: {  	_, v13, _ =	vpop (xrf1);
	v7 =	vsel vm1, v11, v7;
	vm1 =	vge.f32 v3, v8  }
0x411: {  	_, v17, _ =	vpop (xrf1);
	v11 =	vsel vm2, v15, v14;
	v15 =	vsel vm1, v3, v8  }
0x412: {  	v9, v10, _ =	vpop (xrf1);
	v18 =	vsel vm1, v7, v11  }
0x413: {  	v12, v14, _ =	vpop (xrf1)  }
0x414: {  	v5 =	vshll.u32 v5, $0x7;
	v4 =	vshll.u32 v4, $0x7;
	v12 =	vperm.xlane v12, v16;
	(xrf1) =	vsort.dscd.msk.f32 $0xffff, v15, v18  }
0x415: {  	v9 =	vperm.xlane v9, v16;
	v10 =	vperm.xlane v10, v16;
	v3 =	vsel vm1, v8, v3;
	v8, v15, _ =	vpop (xrf1)  }
0x416: {  	v7 =	vsel vm1, v11, v7;
	v14 =	vperm.xlane v14, v16;
	v11, v18, _ =	vpop (xrf1);
	vm1 =	vge.f32 v8, v12  }
0x417: {  	v5 =	vand.u32 $0x380, v5;
	(xrf1) =	vsort.dscd.msk.f32 $0xffff, v3, v7;
	v8 =	vsel vm1, v8, v12;
	vm2 =	vge.f32 v11, v9  }
0x418: {  	v7 =	vsel vm1, v15, v14;
	v3 =	vsel vm2, v11, v9;
	v9 =	vshll.u32 v35, $0x3  }
0x419: {  	v10 =	vsel vm2, v18, v10;
	v9 =	vand.u32 $0xFFFFFC00, v9;
	vm1 =	vge.f32 v8, v3  }
0x41a: {  	v6 =	vadd.s32 v6, v9;
	v9 =	vsel vm1, v8, v3;
	v11 =	vsel vm1, v7, v10  }
0x41b: {  	v4 =	vand.u32 $0x300, v4;
	v0 =	vor.u32 v5, v0;
	(xrf1) =	vsort.dscd.msk.f32 $0xffff, v9, v11;
	v9 =	vand.u32 $0x7F, v35  }
0x41c: {  	v1 =	vor.u32 v5, v1;
	v6 =	vor.u32 v9, v6;
	v9 =	vmov s20  }
0x41d: {  	v2 =	vor.u32 v4, v2;
	v7 =	vsel vm1, v10, v7;
	v10 =	vshll.u32 v9, $0x8  }
0x41e: {  	v5 =	vld.idx.msk [tilespmem:v34+s9+$0x0], $0xffff;
	v12 =	vand.u32 $0x7F, v13;
	v3 =	vsel vm1, v3, v8;
	v10 =	vand.u32 $0x1800, v10  }
0x41f: {  	(xrf1) =	vsort.dscd.msk.f32 $0xffff, v3, v7;
	v7 =	vshll.u32 v17, $0x3;
	v4 =	vor.u32 v4, v6;
	v6 =	vshll.u32 v13, $0x3  }
0x420: {  	v7 =	vand.u32 $0xFFFFFC00, v7;
	v9 =	vshll.u32 v9, $0x7;
	v6 =	vand.u32 $0xFFFFFC00, v6  }
0x421: {  	v8 =	vld.idx.msk [tilespmem:v34+s2+$0x0], $0xffff;
	v13 =	vand.u32 $0x7F, v17;
	v9 =	vand.u32 $0x300, v9;
	v6 =	vadd.s32 v10, v6  }
0x422: {  	v11 =	vld.idx.msk [tilespmem:v33+s9+$0x0], $0xffff;
	v7 =	vadd.s32 v10, v7;
	v6 =	vor.u32 v12, v6;
	v12 =	vmov s19;
	_, v10, _ =	vpop (xrf1)  }
0x423: {  	v3 =	vld.idx.msk [tilespmem:v33+s2+$0x0], $0xffff;
	[tilespmem:s15+$0xFFFFFFA0] =	vst v5;
	v5 =	vor.u32 v13, v7;
	v13 =	vshll.u32 v12, $0x8;
	v7 =	vshll.u32 v10, $0x3  }
0x424: {  	v6 =	vor.u32 v9, v6;
	v13 =	vand.u32 $0x1800, v13;
	v7 =	vand.u32 $0xFFFFFC00, v7  }
0x425: {  	[tilespmem:s17+$0x0] =	vst v31;
	v14 =	vld.idx.msk [tilespmem:v2+s2+$0x0], $0xffff;
	v5 =	vor.u32 v9, v5;
	_, v9, _ =	vpop (xrf1);
	v10 =	vand.u32 $0x7F, v10;
	v7 =	vadd.s32 v13, v7  }
0x426: {  	[tilespmem:s15+$0xFFFFFF80] =	vst v8;
	v8 =	vld.idx.msk [tilespmem:v0+s9+$0x0], $0xffff;
	v7 =	vor.u32 v10, v7;
	v10 =	vshll.u32 v9, $0x3  }
0x427: {  	[tilespmem:s17+$0x10] =	vst v32;
	v2 =	vld.idx.msk [tilespmem:v2+s9+$0x0], $0xffff;
	v10 =	vand.u32 $0xFFFFFC00, v10  }
0x428: {  	v0 =	vld.idx.msk [tilespmem:v0+s2+$0x0], $0xffff;
	[tilespmem:s15+$0xFFFFFFB0] =	vst v11;
	v11 =	vshll.u32 v12, $0x7  }
0x429: {  	[tilespmem:s15+$0xFFFFFF90] =	vst v3;
	v3 =	vld.idx.msk [tilespmem:v1+s2+$0x0], $0xffff;
	v11 =	vand.u32 $0x300, v11  }
0x42a: {  	s31 =	sadd.s32 $0x100, s17;
	[tilespmem:s17+$0x20] =	vst v30;
	v12 =	vmov s18;
	v15 =	vld.idx.msk [tilespmem:v4+s2+$0x0], $0xffff  }
0x42b: {  	v1 =	vld.idx.msk [tilespmem:v1+s9+$0x0], $0xffff;
	[tilespmem:s31+$0x30] =	vst v8;
	v9 =	vand.u32 $0x7F, v9;
	v7 =	vor.u32 v11, v7;
	v8 =	vadd.s32 v13, v10;
	_, v10, _ =	vpop (xrf1)  }
0x42c: {  	v4 =	vld.idx.msk [tilespmem:v4+s9+$0x0], $0xffff;
	[tilespmem:s14+$0xFFFFFF80] =	vst v14;
	v13 =	vshll.u32 v12, $0x8;
	v8 =	vor.u32 v9, v8;
	v9 =	vshll.u32 v10, $0x3  }
0x42d: {  	[tilespmem:s14+$0xFFFFFFA0] =	vst v2;
	v2 =	vld.idx.msk [tilespmem:v6+s2+$0x0], $0xffff;
	v13 =	vand.u32 $0x1800, v13;
	v8 =	vor.u32 v11, v8;
	_, v11, _ =	vpop (xrf1);
	v9 =	vand.u32 $0xFFFFFC00, v9  }
0x42e: {  	[tilespmem:s31+$0x0] =	vst v3;
	v6 =	vld.idx.msk [tilespmem:v6+s9+$0x0], $0xffff;
	v10 =	vand.u32 $0x7F, v10;
	v14 =	vshll.u32 v11, $0x3;
	v9 =	vadd.s32 v13, v9  }
0x42f: {  	[tilespmem:s14+$0xFFFFFF90] =	vst v15;
	v12 =	vshll.u32 v12, $0x7;
	v3 =	vor.u32 v10, v9;
	v9 =	vld.idx.msk [tilespmem:v5+s2+$0x0], $0xffff;
	v10 =	vand.u32 $0xFFFFFC00, v14  }
0x430: {  	v14 =	vld [tilespmem:$0x1FF20];
	[tilespmem:s31+$0x10] =	vst v0;
	v0 =	vadd.s32 v13, v10;
	v10 =	vand.u32 $0x7F, v11;
	v11 =	vand.u32 $0x300, v12  }
0x431: {  	[tilespmem:s14+$0xFFFFFFB0] =	vst v4;
	v4 =	vld.idx.msk [tilespmem:v5+s9+$0x0], $0xffff;
	v3 =	vor.u32 v11, v3  }
0x432: {  	[tilespmem:s16+$0xFFFFFF80] =	vst v2;
	v2 =	vld.idx.msk [tilespmem:v8+s2+$0x0], $0xffff;
	v0 =	vor.u32 v10, v0  }
0x433: {  	[tilespmem:s31+$0x20] =	vst v1;
	v1 =	vld.idx.msk [tilespmem:v7+s2+$0x0], $0xffff;
	v0 =	vor.u32 v11, v0  }
0x434: {  	v5 =	vld.idx.msk [tilespmem:v7+s9+$0x0], $0xffff;
	[tilespmem:s16+$0xFFFFFFA0] =	vst v6  }
0x435: {  	v6 =	vld.idx.msk [tilespmem:v8+s9+$0x0], $0xffff;
	[tilespmem:s16+$0xFFFFFF90] =	vst v9  }
0x436: {  	[tilespmem:s16+$0xFFFFFFB0] =	vst v4;
	v4 =	vld.idx.msk [tilespmem:v3+s2+$0x0], $0xffff  }
0x437: {  	[tilespmem:s17+$0xFFFFFF90] =	vst v2;
	v2 =	vld.idx.msk [tilespmem:v3+s9+$0x0], $0xffff  }
0x438: {  	[tilespmem:s17+$0xFFFFFF80] =	vst v1;
	v1 =	vld.idx.msk [tilespmem:v0+s2+$0x0], $0xffff  }
0x439: {  	[tilespmem:s17+$0xFFFFFFA0] =	vst v5;
	v0 =	vld.idx.msk [tilespmem:v0+s9+$0x0], $0xffff  }
0x43a: {  	[tilespmem:s17+$0xFFFFFFB0] =	vst v6  }
0x43b: {  	[tilespmem:s31+$0xFFFFFF80] =	vst v4  }
0x43c: {  	[tilespmem:s31+$0xFFFFFFA0] =	vst v2  }
0x43d: {  	s13 =	sshll.u32 s13, $0x4;
	[tilespmem:s31+$0xFFFFFF90] =	vst v1  }
0x43e: {  	s13 =	sadd.s32 s5, s13;
	[tilespmem:s31+$0xFFFFFFB0] =	vst v0  }
0x43f: {  	[hbm4b:s13+s2] =	stream.linear.scatter [tilespmem:s10], [sflag:$0x1], $0x1000, $0x38;
	[tilespmem:$0x5000] =	vst v63  }
0x440: {  	_ =	swait.ge [sflag:s8], $0x1000  }
0x441: {  	s12 =	sadd.s32 $0x1, s12;
	v3 =	vld [tilespmem:$0x1FFF0]  }
0x442: {  	p0 =	sne.s32 s12, $0x10;
	v5 =	vld [tilespmem:$0x1FF90]  }
.Ltmp1:
0x443: {  	v6 =	vld [tilespmem:$0x1FFA0];
	(pc) =	sbr.rel @p0 .LBB2_2-.Ltmp1, $4  }
0x444: {  	v7 =	vld [tilespmem:$0x1FFB0]  }
0x445: {  	v9 =	vld [tilespmem:$0x1FFC0]  }
0x446: {  	v8 =	vmov v61;
	[sflag:s8] =	ssyncset.done $0x0;
	v11 =	vld [tilespmem:$0x1FFD0]  }
0x447: {  	v10 =	vmovc v62;
	v2 =	vmovc v29;
	v4 =	vmov v25;
	v0 =	vlaneseq.u32;
	v1 =	vmov v27;
	v12 =	vld [tilespmem:$0x1FFE0];
	[sflag:s8] =	ssyncadd.s32 $0xFFFFF000  }
0x448: {  	s11 =	sadd.s32 $0x1, s11  }
0x449: {  	p0 =	sne.s32 s11, s7  }
.Ltmp2:
0x44a: {  	_ = 	snop;
	(pc) =	sbr.rel @p0 .LBB2_1-.Ltmp2, $1  }
0x44b: {  	_ =	sdelay $0x3  }
0x44c: {  	_ =	sfence.sel $0x180000  }
0x44d: {  	[bflag:$0x0] =	sbarrier.arrive $0xFFFF  }
0x44e: {  	p0 =	sne.s32 s4, $0x0;
	_ =	strace $0x90000047  }
0x44f: {  	s0 =	sadd.s32 @!p0 $0x100000, s0;
	[bflag:$0x2] =	sbarrier.arrive $0xFFFF  }
0x450: {  	[sflag:s0] =	ssyncadd.tile.s32 @!p0 $0x1;
	_ =	shalt  }
.Lfunc_end2:
_tile_overlayer_lowered:
.L_overlay_start_2:
0x451: {  	(tag) =	ssettag $0x2  }
0x452: {  	s0 =	rddreg [dreg:$0x0];
	s2 =	stileid.u32  }
0x453: {  	s1 =	rddreg [dreg:$0x1];
	p0 =	sne.s32 s2, $0x0  }
0x454: {  	s3 =	rddreg [dreg:$0x2];
	[bflag:$0x3] =	sbarrier.arrive $0xFFFF;
	s2 =	simm.s32 @!p0 $0x1C01  }
0x455: {  	[timem:s3], [sflag:s2] =	dma.local @!p0 [hbm:s0], s1  }
0x456: {  	s0 =	simm.s32 @!p0 $0x1  }
0x457: {  	_ =	swait.ge @!p0 [sflag:s0], s1  }
0x458: {  	s1 =	ssub.s32 @!p0 $0x0, s1;
	[sflag:s0] =	ssyncset.done @!p0 $0x0  }
0x459: {  	[sflag:s0] =	ssyncadd.s32 @!p0 s1  }
0x45a: {  	[bflag:$0x3] =	sbarrier.arrive $0xFFFF  }
0x45b: {  	_ =	shalt  }

</sc_bundles>
